<compile_context>
chip_gen: v7x
topology: tpu7x:2x2x1
jax: 0.10.2.dev20260603
libtpu: 0.0.44.dev20260713+nightly
codegen_flags: <defaults>
</compile_context>

<pallas_src>
import functools

import jax
import jax.numpy as jnp
from jax import lax
from jax.experimental import pallas as pl
from jax.experimental.pallas import tpu as pltpu
from jax.experimental.pallas import tpu_sc as plsc

ENT = 100000
REL = 1000
HID = 128
HALF = HID // 2
B = 4096
NEG = 16
TOTAL = B * (1 + NEG)
LMBDA = 0.01

NC = 2
NS = 16
NW = NC * NS
ROWS_PER_W = TOTAL // NW
C = 128
NCHUNK = ROWS_PER_W // C
NGROUP = C // 16

_mesh = plsc.VectorSubcoreMesh(core_axis_name="c", subcore_axis_name="s")


@functools.partial(
    pl.kernel,
    mesh=_mesh,
    out_type=(
        jax.ShapeDtypeStruct((B,), jnp.float32),
        jax.ShapeDtypeStruct((NEG * B,), jnp.float32),
        jax.ShapeDtypeStruct((NW, 8, 16), jnp.float32),
    ),
    scratch_types=[
        pltpu.VMEM((ROWS_PER_W,), jnp.int32),
        pltpu.VMEM((ROWS_PER_W,), jnp.int32),
        pltpu.VMEM((ROWS_PER_W,), jnp.int32),
        pltpu.VMEM((C,), jnp.int32),
    ] + [pltpu.VMEM((C, HID), jnp.float32) for _ in range(6)] + [
        pltpu.VMEM((C,), jnp.float32),
        pltpu.VMEM((C,), jnp.float32),
        pltpu.VMEM((8, 16), jnp.float32),
        pltpu.VMEM((C, 17), jnp.float32),
        pltpu.SemaphoreType.DMA,
        pltpu.SemaphoreType.DMA,
        pltpu.SemaphoreType.DMA,
    ],
    compiler_params=pltpu.CompilerParams(
        use_tc_tiling_on_sc=False, needs_layout_passes=False),
)
def _sc_scores(h_hbm, t_hbm, r_hbm, ent_hbm, rel_hbm,
               pos_hbm, negt_hbm, sums_hbm,
               idxh_all, idxt_all, idxr_all, oidx_v,
               bh0, bt0, br0, bh1, bt1, br1,
               res0, res1, sums_v, rp_v, sem_g0, sem_g1, sem_s):
    cid = lax.axis_index("c")
    sid = lax.axis_index("s")
    wid = sid * NC + cid
    base = wid * ROWS_PER_W

    bufsets = ((bh0, bt0, br0), (bh1, bt1, br1))
    ress = (res0, res1)
    sems = (sem_g0, sem_g1)

    pltpu.sync_copy(h_hbm.at[pl.ds(base, ROWS_PER_W)], idxh_all)
    pltpu.sync_copy(t_hbm.at[pl.ds(base, ROWS_PER_W)], idxt_all)
    pltpu.sync_copy(r_hbm.at[pl.ds(base, ROWS_PER_W)], idxr_all)

    def fire(c, p):
        sl = pl.ds(c * C, C)
        bufs, sem = bufsets[p], sems[p]
        pltpu.async_copy(ent_hbm.at[idxh_all.at[sl]], bufs[0], sem)
        pltpu.async_copy(ent_hbm.at[idxt_all.at[sl]], bufs[1], sem)
        pltpu.async_copy(rel_hbm.at[idxr_all.at[sl]], bufs[2], sem)

    def wait_gathers(c, p):
        sl = pl.ds(c * C, C)
        bufs, sem = bufsets[p], sems[p]
        pltpu.make_async_copy(ent_hbm.at[idxh_all.at[sl]], bufs[0], sem).wait()
        pltpu.make_async_copy(ent_hbm.at[idxt_all.at[sl]], bufs[1], sem).wait()
        pltpu.make_async_copy(rel_hbm.at[idxr_all.at[sl]], bufs[2], sem).wait()

    def compute(sq, p):
        bh, bt, br = bufsets[p]
        res_v = ress[p]

        def row_body(i, ssum):
            score = jnp.zeros((16,), jnp.float32)
            for k in range(HALF // 16):
                sl1 = pl.ds(k * 16, 16)
                sl2 = pl.ds(HALF + k * 16, 16)
                ve1h = bh[i, sl1]
                ve2h = bh[i, sl2]
                ve1t = bt[i, sl1]
                ve2t = bt[i, sl2]
                vr1 = br[i, sl1]
                vr2 = br[i, sl2]
                sq_d = ((ve1h * ve1h + ve2h * ve2h)
                        + (ve1t * ve1t + ve2t * ve2t)
                        + (vr1 * vr1 + vr2 * vr2))
                ssum = ssum + sq_d
                a = ve1h * ve1t + ve2h * ve2t
                bb = ve1h * ve2t - ve2h * ve1t
                score = score + a * vr1 + bb * vr2
            rp_v[i, pl.ds(0, 16)] = score
            return ssum

        sq = lax.fori_loop(0, C, row_body, sq)

        def red_body(g, _):
            rows = g * 16 + jnp.arange(16, dtype=jnp.int32)
            cols = jnp.zeros((16,), jnp.int32)
            acc0 = jnp.zeros((16,), jnp.float32)
            acc1 = jnp.zeros((16,), jnp.float32)
            for j in range(8):
                acc0 = acc0 + plsc.load_gather(rp_v, [rows, cols])
                cols = cols + 1
                acc1 = acc1 + plsc.load_gather(rp_v, [rows, cols])
                cols = cols + 1
            res_v[pl.ds(g * 16, 16)] = acc0 + acc1
            return 0

        lax.fori_loop(0, NGROUP, red_body, 0)
        return sq

    def output(c, p):
        cbase = base + c * C
        res_v = ress[p]

        @pl.when(cbase < B)
        def _():
            pltpu.sync_copy(res_v, pos_hbm.at[pl.ds(cbase, C)])

        @pl.when(cbase >= B)
        def _():
            b0 = (cbase - B) // 16

            def fill(g, _):
                oidx_v[pl.ds(g * 16, 16)] = (
                    jnp.arange(16, dtype=jnp.int32) * B + (b0 + g))
                return 0

            lax.fori_loop(0, NGROUP, fill, 0)
            pltpu.async_copy(res_v, negt_hbm.at[oidx_v], sem_s).wait()

    def chunk_step(c, p, sq, prefetch):
        if prefetch:
            fire(c + 1, 1 - p)
        wait_gathers(c, p)
        sq = compute(sq, p)
        output(c, p)
        return sq

    fire(0, 0)

    def pair_body(i, sq):
        c = 2 * i
        sq = chunk_step(c, 0, sq, True)
        sq = chunk_step(c + 1, 1, sq, True)
        return sq

    sq0 = jnp.zeros((16,), jnp.float32)
    sq = lax.fori_loop(0, (NCHUNK - 1) // 2, pair_body, sq0)
    sq = chunk_step(NCHUNK - 1, 0, sq, False)

    sums_v[0, :] = sq
    for i in range(1, 8):
        sums_v[i, :] = jnp.zeros((16,), jnp.float32)
    pltpu.sync_copy(sums_v, sums_hbm.at[wid])


def _loss_body(pos_ref, neg_ref, sums_ref, out_ref):
    pos = pos_ref[...]
    neg = neg_ref[...]
    m = jnp.max(neg, axis=0, keepdims=True)
    lse = m + jnp.log(jnp.sum(jnp.exp(neg - m), axis=0, keepdims=True))
    mx = jnp.maximum(pos, lse)
    lp_pos = pos - (mx + jnp.log(jnp.exp(pos - mx) + jnp.exp(lse - mx)))
    loss_func = -jnp.sum(lp_pos)
    regul = jnp.sum(sums_ref[...]) / jnp.float32(TOTAL * HALF)
    out_ref[...] = jnp.reshape(loss_func + LMBDA * regul, (1, 1))


def kernel(h, t, r, ent1, ent2, rel1, rel2):
    ent = jnp.concatenate([ent1, ent2], axis=1)
    rel = jnp.concatenate([rel1, rel2], axis=1)
    pos, negt, sums = _sc_scores(h, t, r, ent, rel)
    loss = pl.pallas_call(
        _loss_body,
        out_shape=jax.ShapeDtypeStruct((1, 1), jnp.float32),
    )(pos.reshape(1, B), negt.reshape(NEG, B), sums.reshape(32, 128))
    return loss[0, 0]

# --- scband reference (transcript-rebuilt; emitter-appended) ---
"""Pipeline reference for scband-compl-ex-freeze-41755672052036 (READ-ONLY COPY).

The authoritative reference and input builder live on the scoring server;
editing this copy changes nothing except your own understanding.
"""

import jax, jax.numpy as jnp
import numpy as np

ENT = 100000
REL = 1000
HID = 128
HALF = HID // 2
B = 4096
NEG = 16
TOTAL = B * (1 + NEG)
LMBDA = 0.01


def setup_inputs(seed: int = 0) -> dict:
    key = jax.random.key(seed)
    k_h, k_t, k_r, k_e1, k_e2, k_r1, k_r2 = jax.random.split(key, 7)
    h = jax.random.randint(k_h, (TOTAL,), 0, ENT, dtype=jnp.int32)
    t = jax.random.randint(k_t, (TOTAL,), 0, ENT, dtype=jnp.int32)
    r = jax.random.randint(k_r, (TOTAL,), 0, REL, dtype=jnp.int32)
    ent1 = jax.random.normal(k_e1, (ENT, HALF), dtype=jnp.float32) * 0.1
    ent2 = jax.random.normal(k_e2, (ENT, HALF), dtype=jnp.float32) * 0.1
    rel1 = jax.random.normal(k_r1, (REL, HALF), dtype=jnp.float32) * 0.1
    rel2 = jax.random.normal(k_r2, (REL, HALF), dtype=jnp.float32) * 0.1
    return {"h": h, "t": t, "r": r, "ent1": ent1, "ent2": ent2, "rel1": rel1, "rel2": rel2}


def _calc(e1_h, e2_h, e1_t, e2_t, r1, r2):
    return e1_h * e1_t * r1 + e2_h * e2_t * r1 + e1_h * e2_t * r2 - e2_h * e1_t * r2


def reference(h, t, r, ent1, ent2, rel1, rel2):
    e1_h = jnp.take(ent1, h, axis=0)
    e2_h = jnp.take(ent2, h, axis=0)
    e1_t = jnp.take(ent1, t, axis=0)
    e2_t = jnp.take(ent2, t, axis=0)
    r1 = jnp.take(rel1, r, axis=0)
    r2 = jnp.take(rel2, r, axis=0)
    res = jnp.sum(_calc(e1_h, e2_h, e1_t, e2_t, r1, r2), axis=1)
    pos_scores = res[:B].reshape(B, 1)
    neg_scores = res[B:].reshape(B, NEG)
    lse_neg = jax.scipy.special.logsumexp(neg_scores, axis=1, keepdims=True)
    logits = jnp.concatenate([pos_scores, lse_neg], axis=1)
    labels = jnp.tile(jnp.array([1.0, 0.0], dtype=jnp.float32), (B, 1))
    log_probs = jax.nn.log_softmax(logits, axis=1)
    loss_func = -jnp.sum(labels * log_probs)
    regul = (jnp.mean(e1_h ** 2) + jnp.mean(e1_t ** 2) + jnp.mean(e2_h ** 2)
             + jnp.mean(e2_t ** 2) + jnp.mean(r1 ** 2) + jnp.mean(r2 ** 2))
    loss = loss_func + LMBDA * regul
    return loss

if __name__ == "__main__":
    import jax
    _d = setup_inputs()
    print(jax.jit(kernel)(*tuple(_d.values())))

</pallas_src>

<mosaic_0001>
#map = affine_map<(d0, d1) -> (0)>
#map1 = affine_map<(d0, d1) -> (0, 0)>
#map2 = affine_map<(d0, d1) -> (0, 0, 0)>
module attributes {stable_mosaic.version = 14 : i64} {
  func.func @_sc_scores(%arg0: i32, %arg1: i32, %arg2: memref<69632xi32, #tpu.memory_space<hbm>>, %arg3: memref<69632xi32, #tpu.memory_space<hbm>>, %arg4: memref<69632xi32, #tpu.memory_space<hbm>>, %arg5: memref<100000x128xf32, #tpu.memory_space<hbm>>, %arg6: memref<1000x128xf32, #tpu.memory_space<hbm>>, %arg7: memref<4096xf32, #tpu.memory_space<hbm>>, %arg8: memref<65536xf32, #tpu.memory_space<hbm>>, %arg9: memref<32x8x16xf32, #tpu.memory_space<hbm>>, %arg10: memref<2176xi32, #tpu.memory_space<vmem>>, %arg11: memref<2176xi32, #tpu.memory_space<vmem>>, %arg12: memref<2176xi32, #tpu.memory_space<vmem>>, %arg13: memref<128xi32, #tpu.memory_space<vmem>>, %arg14: memref<128x128xf32, #tpu.memory_space<vmem>>, %arg15: memref<128x128xf32, #tpu.memory_space<vmem>>, %arg16: memref<128x128xf32, #tpu.memory_space<vmem>>, %arg17: memref<128x128xf32, #tpu.memory_space<vmem>>, %arg18: memref<128x128xf32, #tpu.memory_space<vmem>>, %arg19: memref<128x128xf32, #tpu.memory_space<vmem>>, %arg20: memref<128xf32, #tpu.memory_space<vmem>>, %arg21: memref<128xf32, #tpu.memory_space<vmem>>, %arg22: memref<8x16xf32, #tpu.memory_space<vmem>>, %arg23: memref<128x17xf32, #tpu.memory_space<vmem>>, %arg24: memref<!tpu.dma_semaphore, #tpu.memory_space<semaphore_mem>>, %arg25: memref<!tpu.dma_semaphore, #tpu.memory_space<semaphore_mem>>, %arg26: memref<!tpu.dma_semaphore, #tpu.memory_space<semaphore_mem>>) attributes {dimension_semantics = [#tpu.dimension_semantics<core_parallel>, #tpu.dimension_semantics<subcore_parallel>], iteration_bounds = array<i64: 2, 16>, scalar_prefetch = 0 : i64, scratch_operands = 17 : i64, tpu.core_type = #tpu.core_type<sc_vector_subcore>, window_params = [{transform_indices = #map}, {transform_indices = #map}, {transform_indices = #map}, {transform_indices = #map1}, {transform_indices = #map1}, {transform_indices = #map}, {transform_indices = #map}, {transform_indices = #map2}]} {
    %mul3A = arith.constant 2 : i32
    %mul3A_0 = arith.muli %arg1, %mul3A : i32
    %add3A = arith.addi %mul3A_0, %arg0 : i32
    %mul3A_1 = arith.constant 2176 : i32
    %mul3A_2 = arith.muli %add3A, %mul3A_1 : i32
    "tpu.region"() ({
      %run_scoped3A = tpu.sem_alloc : memref<!tpu.dma_semaphore, #tpu.memory_space<semaphore_mem>>
      %dma_start3A_103 = tpu.memref_slice %arg2[%mul3A_2] : memref<69632xi32, #tpu.memory_space<hbm>> -> memref<2176xi32, #tpu.memory_space<hbm>>
      %dma_start3A_104 = tpu.memref_slice %arg2[%mul3A_2] : memref<69632xi32, #tpu.memory_space<hbm>> -> memref<2176xi32, #tpu.memory_space<hbm>>
      tpu.enqueue_dma source(%dma_start3A_104 : memref<2176xi32, #tpu.memory_space<hbm>>) target(%arg10 : memref<2176xi32, #tpu.memory_space<vmem>>) target_semaphore(%run_scoped3A : memref<!tpu.dma_semaphore, #tpu.memory_space<semaphore_mem>>)
      %dma_wait3A_105 = tpu.memref_slice %arg2[%mul3A_2] : memref<69632xi32, #tpu.memory_space<hbm>> -> memref<2176xi32, #tpu.memory_space<hbm>>
      %dma_wait3A_106 = tpu.memref_slice %arg2[%mul3A_2] : memref<69632xi32, #tpu.memory_space<hbm>> -> memref<2176xi32, #tpu.memory_space<hbm>>
      tpu.wait_dma2 semaphore(%run_scoped3A : memref<!tpu.dma_semaphore, #tpu.memory_space<semaphore_mem>>) src(%dma_wait3A_106 : memref<2176xi32, #tpu.memory_space<hbm>>) dst(%arg10 : memref<2176xi32, #tpu.memory_space<vmem>>)
      tpu.yield
    }) : () -> ()
    "tpu.region"() ({
      %run_scoped3A = tpu.sem_alloc : memref<!tpu.dma_semaphore, #tpu.memory_space<semaphore_mem>>
      %dma_start3A_103 = tpu.memref_slice %arg3[%mul3A_2] : memref<69632xi32, #tpu.memory_space<hbm>> -> memref<2176xi32, #tpu.memory_space<hbm>>
      %dma_start3A_104 = tpu.memref_slice %arg3[%mul3A_2] : memref<69632xi32, #tpu.memory_space<hbm>> -> memref<2176xi32, #tpu.memory_space<hbm>>
      tpu.enqueue_dma source(%dma_start3A_104 : memref<2176xi32, #tpu.memory_space<hbm>>) target(%arg11 : memref<2176xi32, #tpu.memory_space<vmem>>) target_semaphore(%run_scoped3A : memref<!tpu.dma_semaphore, #tpu.memory_space<semaphore_mem>>)
      %dma_wait3A_105 = tpu.memref_slice %arg3[%mul3A_2] : memref<69632xi32, #tpu.memory_space<hbm>> -> memref<2176xi32, #tpu.memory_space<hbm>>
      %dma_wait3A_106 = tpu.memref_slice %arg3[%mul3A_2] : memref<69632xi32, #tpu.memory_space<hbm>> -> memref<2176xi32, #tpu.memory_space<hbm>>
      tpu.wait_dma2 semaphore(%run_scoped3A : memref<!tpu.dma_semaphore, #tpu.memory_space<semaphore_mem>>) src(%dma_wait3A_106 : memref<2176xi32, #tpu.memory_space<hbm>>) dst(%arg11 : memref<2176xi32, #tpu.memory_space<vmem>>)
      tpu.yield
    }) : () -> ()
    "tpu.region"() ({
      %run_scoped3A = tpu.sem_alloc : memref<!tpu.dma_semaphore, #tpu.memory_space<semaphore_mem>>
      %dma_start3A_103 = tpu.memref_slice %arg4[%mul3A_2] : memref<69632xi32, #tpu.memory_space<hbm>> -> memref<2176xi32, #tpu.memory_space<hbm>>
      %dma_start3A_104 = tpu.memref_slice %arg4[%mul3A_2] : memref<69632xi32, #tpu.memory_space<hbm>> -> memref<2176xi32, #tpu.memory_space<hbm>>
      tpu.enqueue_dma source(%dma_start3A_104 : memref<2176xi32, #tpu.memory_space<hbm>>) target(%arg12 : memref<2176xi32, #tpu.memory_space<vmem>>) target_semaphore(%run_scoped3A : memref<!tpu.dma_semaphore, #tpu.memory_space<semaphore_mem>>)
      %dma_wait3A_105 = tpu.memref_slice %arg4[%mul3A_2] : memref<69632xi32, #tpu.memory_space<hbm>> -> memref<2176xi32, #tpu.memory_space<hbm>>
      %dma_wait3A_106 = tpu.memref_slice %arg4[%mul3A_2] : memref<69632xi32, #tpu.memory_space<hbm>> -> memref<2176xi32, #tpu.memory_space<hbm>>
      tpu.wait_dma2 semaphore(%run_scoped3A : memref<!tpu.dma_semaphore, #tpu.memory_space<semaphore_mem>>) src(%dma_wait3A_106 : memref<2176xi32, #tpu.memory_space<hbm>>) dst(%arg12 : memref<2176xi32, #tpu.memory_space<vmem>>)
      tpu.yield
    }) : () -> ()
    %dma_start3A = arith.constant 0 : i32
    %dma_start3A_3 = tpu.memref_slice %arg10[%dma_start3A] : memref<2176xi32, #tpu.memory_space<vmem>> -> memref<128xi32, #tpu.memory_space<vmem>>
    %dma_start3A_4 = arith.constant 0 : i32
    %dma_start3A_5 = arith.constant 0 : i32
    %dma_start3A_6 = tpu.memref_slice %arg5[%dma_start3A_4, %dma_start3A_5] : memref<100000x128xf32, #tpu.memory_space<hbm>> -> memref<100000x128xf32, #tpu.memory_space<hbm>>
    tpu.enqueue_indirect_dma source(%dma_start3A_6 : memref<100000x128xf32, #tpu.memory_space<hbm>>) target(%arg14 : memref<128x128xf32, #tpu.memory_space<vmem>>) offsets(%dma_start3A_3 : memref<128xi32, #tpu.memory_space<vmem>>) semaphore(%arg24 : memref<!tpu.dma_semaphore, #tpu.memory_space<semaphore_mem>>)
    %dma_start3A_7 = arith.constant 0 : i32
    %dma_start3A_8 = tpu.memref_slice %arg11[%dma_start3A_7] : memref<2176xi32, #tpu.memory_space<vmem>> -> memref<128xi32, #tpu.memory_space<vmem>>
    %dma_start3A_9 = arith.constant 0 : i32
    %dma_start3A_10 = arith.constant 0 : i32
    %dma_start3A_11 = tpu.memref_slice %arg5[%dma_start3A_9, %dma_start3A_10] : memref<100000x128xf32, #tpu.memory_space<hbm>> -> memref<100000x128xf32, #tpu.memory_space<hbm>>
    tpu.enqueue_indirect_dma source(%dma_start3A_11 : memref<100000x128xf32, #tpu.memory_space<hbm>>) target(%arg15 : memref<128x128xf32, #tpu.memory_space<vmem>>) offsets(%dma_start3A_8 : memref<128xi32, #tpu.memory_space<vmem>>) semaphore(%arg24 : memref<!tpu.dma_semaphore, #tpu.memory_space<semaphore_mem>>)
    %dma_start3A_12 = arith.constant 0 : i32
    %dma_start3A_13 = tpu.memref_slice %arg12[%dma_start3A_12] : memref<2176xi32, #tpu.memory_space<vmem>> -> memref<128xi32, #tpu.memory_space<vmem>>
    %dma_start3A_14 = arith.constant 0 : i32
    %dma_start3A_15 = arith.constant 0 : i32
    %dma_start3A_16 = tpu.memref_slice %arg6[%dma_start3A_14, %dma_start3A_15] : memref<1000x128xf32, #tpu.memory_space<hbm>> -> memref<1000x128xf32, #tpu.memory_space<hbm>>
    tpu.enqueue_indirect_dma source(%dma_start3A_16 : memref<1000x128xf32, #tpu.memory_space<hbm>>) target(%arg16 : memref<128x128xf32, #tpu.memory_space<vmem>>) offsets(%dma_start3A_13 : memref<128xi32, #tpu.memory_space<vmem>>) semaphore(%arg24 : memref<!tpu.dma_semaphore, #tpu.memory_space<semaphore_mem>>)
    %broadcast_in_dim3A = arith.constant 0.000000e+00 : f32
    %broadcast_in_dim3A_17 = vector.broadcast %broadcast_in_dim3A : f32 to vector<16xf32>
    %scan3A = arith.constant 0 : i32
    %scan3A_18 = arith.constant 8 : i32
    %scan3A_19 = arith.addi %scan3A, %scan3A_18 : i32
    %scan3A_20 = arith.constant 1 : i32
    %scan3A_21 = scf.for %scan3A_103 = %scan3A to %scan3A_19 step %scan3A_20 iter_args(%scan3A_104 = %broadcast_in_dim3A_17) -> (vector<16xf32>)  : i32 {
      %mul3A_105 = arith.constant 2 : i32
      %mul3A_106 = arith.muli %mul3A_105, %scan3A_103 : i32
      %add3A_107 = arith.constant 1 : i32
      %add3A_108 = arith.addi %mul3A_106, %add3A_107 : i32
      %mul3A_109 = arith.constant 128 : i32
      %mul3A_110 = arith.muli %add3A_108, %mul3A_109 : i32
      %dma_start3A_111 = tpu.memref_slice %arg10[%mul3A_110] : memref<2176xi32, #tpu.memory_space<vmem>> -> memref<128xi32, #tpu.memory_space<vmem>>
      %dma_start3A_112 = arith.constant 0 : i32
      %dma_start3A_113 = arith.constant 0 : i32
      %dma_start3A_114 = tpu.memref_slice %arg5[%dma_start3A_112, %dma_start3A_113] : memref<100000x128xf32, #tpu.memory_space<hbm>> -> memref<100000x128xf32, #tpu.memory_space<hbm>>
      tpu.enqueue_indirect_dma source(%dma_start3A_114 : memref<100000x128xf32, #tpu.memory_space<hbm>>) target(%arg17 : memref<128x128xf32, #tpu.memory_space<vmem>>) offsets(%dma_start3A_111 : memref<128xi32, #tpu.memory_space<vmem>>) semaphore(%arg25 : memref<!tpu.dma_semaphore, #tpu.memory_space<semaphore_mem>>)
      %dma_start3A_115 = tpu.memref_slice %arg11[%mul3A_110] : memref<2176xi32, #tpu.memory_space<vmem>> -> memref<128xi32, #tpu.memory_space<vmem>>
      %dma_start3A_116 = arith.constant 0 : i32
      %dma_start3A_117 = arith.constant 0 : i32
      %dma_start3A_118 = tpu.memref_slice %arg5[%dma_start3A_116, %dma_start3A_117] : memref<100000x128xf32, #tpu.memory_space<hbm>> -> memref<100000x128xf32, #tpu.memory_space<hbm>>
      tpu.enqueue_indirect_dma source(%dma_start3A_118 : memref<100000x128xf32, #tpu.memory_space<hbm>>) target(%arg18 : memref<128x128xf32, #tpu.memory_space<vmem>>) offsets(%dma_start3A_115 : memref<128xi32, #tpu.memory_space<vmem>>) semaphore(%arg25 : memref<!tpu.dma_semaphore, #tpu.memory_space<semaphore_mem>>)
      %dma_start3A_119 = tpu.memref_slice %arg12[%mul3A_110] : memref<2176xi32, #tpu.memory_space<vmem>> -> memref<128xi32, #tpu.memory_space<vmem>>
      %dma_start3A_120 = arith.constant 0 : i32
      %dma_start3A_121 = arith.constant 0 : i32
      %dma_start3A_122 = tpu.memref_slice %arg6[%dma_start3A_120, %dma_start3A_121] : memref<1000x128xf32, #tpu.memory_space<hbm>> -> memref<1000x128xf32, #tpu.memory_space<hbm>>
      tpu.enqueue_indirect_dma source(%dma_start3A_122 : memref<1000x128xf32, #tpu.memory_space<hbm>>) target(%arg19 : memref<128x128xf32, #tpu.memory_space<vmem>>) offsets(%dma_start3A_119 : memref<128xi32, #tpu.memory_space<vmem>>) semaphore(%arg25 : memref<!tpu.dma_semaphore, #tpu.memory_space<semaphore_mem>>)
      %mul3A_123 = arith.constant 128 : i32
      %mul3A_124 = arith.muli %mul3A_106, %mul3A_123 : i32
      %dma_wait3A_125 = tpu.memref_slice %arg10[%mul3A_124] : memref<2176xi32, #tpu.memory_space<vmem>> -> memref<128xi32, #tpu.memory_space<vmem>>
      %dma_wait3A_126 = arith.constant 0 : i32
      %dma_wait3A_127 = arith.constant 0 : i32
      %dma_wait3A_128 = tpu.memref_slice %arg5[%dma_wait3A_126, %dma_wait3A_127] : memref<100000x128xf32, #tpu.memory_space<hbm>> -> memref<100000x128xf32, #tpu.memory_space<hbm>>
      tpu.wait_indirect_dma semaphore(%arg24 : memref<!tpu.dma_semaphore, #tpu.memory_space<semaphore_mem>>) src(%dma_wait3A_128 : memref<100000x128xf32, #tpu.memory_space<hbm>>) dst(%arg14 : memref<128x128xf32, #tpu.memory_space<vmem>>)
      %dma_wait3A_129 = tpu.memref_slice %arg11[%mul3A_124] : memref<2176xi32, #tpu.memory_space<vmem>> -> memref<128xi32, #tpu.memory_space<vmem>>
      %dma_wait3A_130 = arith.constant 0 : i32
      %dma_wait3A_131 = arith.constant 0 : i32
      %dma_wait3A_132 = tpu.memref_slice %arg5[%dma_wait3A_130, %dma_wait3A_131] : memref<100000x128xf32, #tpu.memory_space<hbm>> -> memref<100000x128xf32, #tpu.memory_space<hbm>>
      tpu.wait_indirect_dma semaphore(%arg24 : memref<!tpu.dma_semaphore, #tpu.memory_space<semaphore_mem>>) src(%dma_wait3A_132 : memref<100000x128xf32, #tpu.memory_space<hbm>>) dst(%arg15 : memref<128x128xf32, #tpu.memory_space<vmem>>)
      %dma_wait3A_133 = tpu.memref_slice %arg12[%mul3A_124] : memref<2176xi32, #tpu.memory_space<vmem>> -> memref<128xi32, #tpu.memory_space<vmem>>
      %dma_wait3A_134 = arith.constant 0 : i32
      %dma_wait3A_135 = arith.constant 0 : i32
      %dma_wait3A_136 = tpu.memref_slice %arg6[%dma_wait3A_134, %dma_wait3A_135] : memref<1000x128xf32, #tpu.memory_space<hbm>> -> memref<1000x128xf32, #tpu.memory_space<hbm>>
      tpu.wait_indirect_dma semaphore(%arg24 : memref<!tpu.dma_semaphore, #tpu.memory_space<semaphore_mem>>) src(%dma_wait3A_136 : memref<1000x128xf32, #tpu.memory_space<hbm>>) dst(%arg16 : memref<128x128xf32, #tpu.memory_space<vmem>>)
      %scan3A_137 = arith.constant 0 : i32
      %scan3A_138 = arith.constant 128 : i32
      %scan3A_139 = arith.addi %scan3A_137, %scan3A_138 : i32
      %scan3A_140 = arith.constant 1 : i32
      %scan3A_141 = scf.for %scan3A_221 = %scan3A_137 to %scan3A_139 step %scan3A_140 iter_args(%scan3A_222 = %scan3A_104) -> (vector<16xf32>)  : i32 {
        %broadcast_in_dim3A_223 = arith.constant 0.000000e+00 : f32
        %broadcast_in_dim3A_224 = vector.broadcast %broadcast_in_dim3A_223 : f32 to vector<16xf32>
        %get3A = arith.index_cast %scan3A_221 : i32 to index
        %get3A_225 = arith.constant 0 : index
        %get3A_226 = tpu.vector_load %arg14[%get3A, %get3A_225] {strides = array<i32>} : memref<128x128xf32, #tpu.memory_space<vmem>>, vector<16xf32>,
        %get3A_227 = arith.index_cast %scan3A_221 : i32 to index
        %get3A_228 = arith.constant 64 : index
        %get3A_229 = tpu.vector_load %arg14[%get3A_227, %get3A_228] {strides = array<i32>} : memref<128x128xf32, #tpu.memory_space<vmem>>, vector<16xf32>,
        %get3A_230 = arith.index_cast %scan3A_221 : i32 to index
        %get3A_231 = arith.constant 0 : index
        %get3A_232 = tpu.vector_load %arg15[%get3A_230, %get3A_231] {strides = array<i32>} : memref<128x128xf32, #tpu.memory_space<vmem>>, vector<16xf32>,
        %get3A_233 = arith.index_cast %scan3A_221 : i32 to index
        %get3A_234 = arith.constant 64 : index
        %get3A_235 = tpu.vector_load %arg15[%get3A_233, %get3A_234] {strides = array<i32>} : memref<128x128xf32, #tpu.memory_space<vmem>>, vector<16xf32>,
        %get3A_236 = arith.index_cast %scan3A_221 : i32 to index
        %get3A_237 = arith.constant 0 : index
        %get3A_238 = tpu.vector_load %arg16[%get3A_236, %get3A_237] {strides = array<i32>} : memref<128x128xf32, #tpu.memory_space<vmem>>, vector<16xf32>,
        %get3A_239 = arith.index_cast %scan3A_221 : i32 to index
        %get3A_240 = arith.constant 64 : index
        %get3A_241 = tpu.vector_load %arg16[%get3A_239, %get3A_240] {strides = array<i32>} : memref<128x128xf32, #tpu.memory_space<vmem>>, vector<16xf32>,
        %mul3A_242 = arith.mulf %get3A_226, %get3A_226 : vector<16xf32>
        %mul3A_243 = arith.mulf %get3A_229, %get3A_229 : vector<16xf32>
        %add3A_244 = arith.addf %mul3A_242, %mul3A_243 : vector<16xf32>
        %mul3A_245 = arith.mulf %get3A_232, %get3A_232 : vector<16xf32>
        %mul3A_246 = arith.mulf %get3A_235, %get3A_235 : vector<16xf32>
        %add3A_247 = arith.addf %mul3A_245, %mul3A_246 : vector<16xf32>
        %add3A_248 = arith.addf %add3A_244, %add3A_247 : vector<16xf32>
        %mul3A_249 = arith.mulf %get3A_238, %get3A_238 : vector<16xf32>
        %mul3A_250 = arith.mulf %get3A_241, %get3A_241 : vector<16xf32>
        %add3A_251 = arith.addf %mul3A_249, %mul3A_250 : vector<16xf32>
        %add3A_252 = arith.addf %add3A_248, %add3A_251 : vector<16xf32>
        %add3A_253 = arith.addf %scan3A_222, %add3A_252 : vector<16xf32>
        %mul3A_254 = arith.mulf %get3A_226, %get3A_232 : vector<16xf32>
        %mul3A_255 = arith.mulf %get3A_229, %get3A_235 : vector<16xf32>
        %add3A_256 = arith.addf %mul3A_254, %mul3A_255 : vector<16xf32>
        %mul3A_257 = arith.mulf %get3A_226, %get3A_235 : vector<16xf32>
        %mul3A_258 = arith.mulf %get3A_229, %get3A_232 : vector<16xf32>
        %sub3A = arith.subf %mul3A_257, %mul3A_258 : vector<16xf32>
        %mul3A_259 = arith.mulf %add3A_256, %get3A_238 : vector<16xf32>
        %add3A_260 = arith.addf %broadcast_in_dim3A_224, %mul3A_259 : vector<16xf32>
        %mul3A_261 = arith.mulf %sub3A, %get3A_241 : vector<16xf32>
        %add3A_262 = arith.addf %add3A_260, %mul3A_261 : vector<16xf32>
        %get3A_263 = arith.index_cast %scan3A_221 : i32 to index
        %get3A_264 = arith.constant 16 : index
        %get3A_265 = tpu.vector_load %arg14[%get3A_263, %get3A_264] {strides = array<i32>} : memref<128x128xf32, #tpu.memory_space<vmem>>, vector<16xf32>,
        %get3A_266 = arith.index_cast %scan3A_221 : i32 to index
        %get3A_267 = arith.constant 80 : index
        %get3A_268 = tpu.vector_load %arg14[%get3A_266, %get3A_267] {strides = array<i32>} : memref<128x128xf32, #tpu.memory_space<vmem>>, vector<16xf32>,
        %get3A_269 = arith.index_cast %scan3A_221 : i32 to index
        %get3A_270 = arith.constant 16 : index
        %get3A_271 = tpu.vector_load %arg15[%get3A_269, %get3A_270] {strides = array<i32>} : memref<128x128xf32, #tpu.memory_space<vmem>>, vector<16xf32>,
        %get3A_272 = arith.index_cast %scan3A_221 : i32 to index
        %get3A_273 = arith.constant 80 : index
        %get3A_274 = tpu.vector_load %arg15[%get3A_272, %get3A_273] {strides = array<i32>} : memref<128x128xf32, #tpu.memory_space<vmem>>, vector<16xf32>,
        %get3A_275 = arith.index_cast %scan3A_221 : i32 to index
        %get3A_276 = arith.constant 16 : index
        %get3A_277 = tpu.vector_load %arg16[%get3A_275, %get3A_276] {strides = array<i32>} : memref<128x128xf32, #tpu.memory_space<vmem>>, vector<16xf32>,
        %get3A_278 = arith.index_cast %scan3A_221 : i32 to index
        %get3A_279 = arith.constant 80 : index
        %get3A_280 = tpu.vector_load %arg16[%get3A_278, %get3A_279] {strides = array<i32>} : memref<128x128xf32, #tpu.memory_space<vmem>>, vector<16xf32>,
        %mul3A_281 = arith.mulf %get3A_265, %get3A_265 : vector<16xf32>
        %mul3A_282 = arith.mulf %get3A_268, %get3A_268 : vector<16xf32>
        %add3A_283 = arith.addf %mul3A_281, %mul3A_282 : vector<16xf32>
        %mul3A_284 = arith.mulf %get3A_271, %get3A_271 : vector<16xf32>
        %mul3A_285 = arith.mulf %get3A_274, %get3A_274 : vector<16xf32>
        %add3A_286 = arith.addf %mul3A_284, %mul3A_285 : vector<16xf32>
        %add3A_287 = arith.addf %add3A_283, %add3A_286 : vector<16xf32>
        %mul3A_288 = arith.mulf %get3A_277, %get3A_277 : vector<16xf32>
        %mul3A_289 = arith.mulf %get3A_280, %get3A_280 : vector<16xf32>
        %add3A_290 = arith.addf %mul3A_288, %mul3A_289 : vector<16xf32>
        %add3A_291 = arith.addf %add3A_287, %add3A_290 : vector<16xf32>
        %add3A_292 = arith.addf %add3A_253, %add3A_291 : vector<16xf32>
        %mul3A_293 = arith.mulf %get3A_265, %get3A_271 : vector<16xf32>
        %mul3A_294 = arith.mulf %get3A_268, %get3A_274 : vector<16xf32>
        %add3A_295 = arith.addf %mul3A_293, %mul3A_294 : vector<16xf32>
        %mul3A_296 = arith.mulf %get3A_265, %get3A_274 : vector<16xf32>
        %mul3A_297 = arith.mulf %get3A_268, %get3A_271 : vector<16xf32>
        %sub3A_298 = arith.subf %mul3A_296, %mul3A_297 : vector<16xf32>
        %mul3A_299 = arith.mulf %add3A_295, %get3A_277 : vector<16xf32>
        %add3A_300 = arith.addf %add3A_262, %mul3A_299 : vector<16xf32>
        %mul3A_301 = arith.mulf %sub3A_298, %get3A_280 : vector<16xf32>
        %add3A_302 = arith.addf %add3A_300, %mul3A_301 : vector<16xf32>
        %get3A_303 = arith.index_cast %scan3A_221 : i32 to index
        %get3A_304 = arith.constant 32 : index
        %get3A_305 = tpu.vector_load %arg14[%get3A_303, %get3A_304] {strides = array<i32>} : memref<128x128xf32, #tpu.memory_space<vmem>>, vector<16xf32>,
        %get3A_306 = arith.index_cast %scan3A_221 : i32 to index
        %get3A_307 = arith.constant 96 : index
        %get3A_308 = tpu.vector_load %arg14[%get3A_306, %get3A_307] {strides = array<i32>} : memref<128x128xf32, #tpu.memory_space<vmem>>, vector<16xf32>,
        %get3A_309 = arith.index_cast %scan3A_221 : i32 to index
        %get3A_310 = arith.constant 32 : index
        %get3A_311 = tpu.vector_load %arg15[%get3A_309, %get3A_310] {strides = array<i32>} : memref<128x128xf32, #tpu.memory_space<vmem>>, vector<16xf32>,
        %get3A_312 = arith.index_cast %scan3A_221 : i32 to index
        %get3A_313 = arith.constant 96 : index
        %get3A_314 = tpu.vector_load %arg15[%get3A_312, %get3A_313] {strides = array<i32>} : memref<128x128xf32, #tpu.memory_space<vmem>>, vector<16xf32>,
        %get3A_315 = arith.index_cast %scan3A_221 : i32 to index
        %get3A_316 = arith.constant 32 : index
        %get3A_317 = tpu.vector_load %arg16[%get3A_315, %get3A_316] {strides = array<i32>} : memref<128x128xf32, #tpu.memory_space<vmem>>, vector<16xf32>,
        %get3A_318 = arith.index_cast %scan3A_221 : i32 to index
        %get3A_319 = arith.constant 96 : index
        %get3A_320 = tpu.vector_load %arg16[%get3A_318, %get3A_319] {strides = array<i32>} : memref<128x128xf32, #tpu.memory_space<vmem>>, vector<16xf32>,
        %mul3A_321 = arith.mulf %get3A_305, %get3A_305 : vector<16xf32>
        %mul3A_322 = arith.mulf %get3A_308, %get3A_308 : vector<16xf32>
        %add3A_323 = arith.addf %mul3A_321, %mul3A_322 : vector<16xf32>
        %mul3A_324 = arith.mulf %get3A_311, %get3A_311 : vector<16xf32>
        %mul3A_325 = arith.mulf %get3A_314, %get3A_314 : vector<16xf32>
        %add3A_326 = arith.addf %mul3A_324, %mul3A_325 : vector<16xf32>
        %add3A_327 = arith.addf %add3A_323, %add3A_326 : vector<16xf32>
        %mul3A_328 = arith.mulf %get3A_317, %get3A_317 : vector<16xf32>
        %mul3A_329 = arith.mulf %get3A_320, %get3A_320 : vector<16xf32>
        %add3A_330 = arith.addf %mul3A_328, %mul3A_329 : vector<16xf32>
        %add3A_331 = arith.addf %add3A_327, %add3A_330 : vector<16xf32>
        %add3A_332 = arith.addf %add3A_292, %add3A_331 : vector<16xf32>
        %mul3A_333 = arith.mulf %get3A_305, %get3A_311 : vector<16xf32>
        %mul3A_334 = arith.mulf %get3A_308, %get3A_314 : vector<16xf32>
        %add3A_335 = arith.addf %mul3A_333, %mul3A_334 : vector<16xf32>
        %mul3A_336 = arith.mulf %get3A_305, %get3A_314 : vector<16xf32>
        %mul3A_337 = arith.mulf %get3A_308, %get3A_311 : vector<16xf32>
        %sub3A_338 = arith.subf %mul3A_336, %mul3A_337 : vector<16xf32>
        %mul3A_339 = arith.mulf %add3A_335, %get3A_317 : vector<16xf32>
        %add3A_340 = arith.addf %add3A_302, %mul3A_339 : vector<16xf32>
        %mul3A_341 = arith.mulf %sub3A_338, %get3A_320 : vector<16xf32>
        %add3A_342 = arith.addf %add3A_340, %mul3A_341 : vector<16xf32>
        %get3A_343 = arith.index_cast %scan3A_221 : i32 to index
        %get3A_344 = arith.constant 48 : index
        %get3A_345 = tpu.vector_load %arg14[%get3A_343, %get3A_344] {strides = array<i32>} : memref<128x128xf32, #tpu.memory_space<vmem>>, vector<16xf32>,
        %get3A_346 = arith.index_cast %scan3A_221 : i32 to index
        %get3A_347 = arith.constant 112 : index
        %get3A_348 = tpu.vector_load %arg14[%get3A_346, %get3A_347] {strides = array<i32>} : memref<128x128xf32, #tpu.memory_space<vmem>>, vector<16xf32>,
        %get3A_349 = arith.index_cast %scan3A_221 : i32 to index
        %get3A_350 = arith.constant 48 : index
        %get3A_351 = tpu.vector_load %arg15[%get3A_349, %get3A_350] {strides = array<i32>} : memref<128x128xf32, #tpu.memory_space<vmem>>, vector<16xf32>,
        %get3A_352 = arith.index_cast %scan3A_221 : i32 to index
        %get3A_353 = arith.constant 112 : index
        %get3A_354 = tpu.vector_load %arg15[%get3A_352, %get3A_353] {strides = array<i32>} : memref<128x128xf32, #tpu.memory_space<vmem>>, vector<16xf32>,
        %get3A_355 = arith.index_cast %scan3A_221 : i32 to index
        %get3A_356 = arith.constant 48 : index
        %get3A_357 = tpu.vector_load %arg16[%get3A_355, %get3A_356] {strides = array<i32>} : memref<128x128xf32, #tpu.memory_space<vmem>>, vector<16xf32>,
        %get3A_358 = arith.index_cast %scan3A_221 : i32 to index
        %get3A_359 = arith.constant 112 : index
        %get3A_360 = tpu.vector_load %arg16[%get3A_358, %get3A_359] {strides = array<i32>} : memref<128x128xf32, #tpu.memory_space<vmem>>, vector<16xf32>,
        %mul3A_361 = arith.mulf %get3A_345, %get3A_345 : vector<16xf32>
        %mul3A_362 = arith.mulf %get3A_348, %get3A_348 : vector<16xf32>
        %add3A_363 = arith.addf %mul3A_361, %mul3A_362 : vector<16xf32>
        %mul3A_364 = arith.mulf %get3A_351, %get3A_351 : vector<16xf32>
        %mul3A_365 = arith.mulf %get3A_354, %get3A_354 : vector<16xf32>
        %add3A_366 = arith.addf %mul3A_364, %mul3A_365 : vector<16xf32>
        %add3A_367 = arith.addf %add3A_363, %add3A_366 : vector<16xf32>
        %mul3A_368 = arith.mulf %get3A_357, %get3A_357 : vector<16xf32>
        %mul3A_369 = arith.mulf %get3A_360, %get3A_360 : vector<16xf32>
        %add3A_370 = arith.addf %mul3A_368, %mul3A_369 : vector<16xf32>
        %add3A_371 = arith.addf %add3A_367, %add3A_370 : vector<16xf32>
        %add3A_372 = arith.addf %add3A_332, %add3A_371 : vector<16xf32>
        %mul3A_373 = arith.mulf %get3A_345, %get3A_351 : vector<16xf32>
        %mul3A_374 = arith.mulf %get3A_348, %get3A_354 : vector<16xf32>
        %add3A_375 = arith.addf %mul3A_373, %mul3A_374 : vector<16xf32>
        %mul3A_376 = arith.mulf %get3A_345, %get3A_354 : vector<16xf32>
        %mul3A_377 = arith.mulf %get3A_348, %get3A_351 : vector<16xf32>
        %sub3A_378 = arith.subf %mul3A_376, %mul3A_377 : vector<16xf32>
        %mul3A_379 = arith.mulf %add3A_375, %get3A_357 : vector<16xf32>
        %add3A_380 = arith.addf %add3A_342, %mul3A_379 : vector<16xf32>
        %mul3A_381 = arith.mulf %sub3A_378, %get3A_360 : vector<16xf32>
        %add3A_382 = arith.addf %add3A_380, %mul3A_381 : vector<16xf32>
        %swap3A_383 = arith.index_cast %scan3A_221 : i32 to index
        %swap3A_384 = arith.constant 0 : index
        %swap3A_385 = tpu.vector_load %arg23[%swap3A_383, %swap3A_384] {strides = array<i32>} : memref<128x17xf32, #tpu.memory_space<vmem>>, vector<16xf32>,
        tpu.vector_store %arg23[%swap3A_383, %swap3A_384], %add3A_382 {strides = array<i32>} : memref<128x17xf32, #tpu.memory_space<vmem>>, vector<16xf32>,
        scf.yield %add3A_372 : vector<16xf32>
      }
      %scan3A_142 = arith.constant 128 : i32
      %scan3A_143 = arith.constant 0 : i32
      %scan3A_144 = arith.constant 0 : i32
      %scan3A_145 = arith.constant 8 : i32
      %scan3A_146 = arith.addi %scan3A_144, %scan3A_145 : i32
      %scan3A_147 = arith.constant 1 : i32
      %scan3A_148 = scf.for %scan3A_221 = %scan3A_144 to %scan3A_146 step %scan3A_147 iter_args(%scan3A_222 = %scan3A_143) -> (i32)  : i32 {
        %mul3A_223 = arith.constant 16 : i32
        %mul3A_224 = arith.muli %scan3A_221, %mul3A_223 : i32
        %iota3A = tpu.iota {dimensions = array<i32: 0>} : vector<16xi32>
        %add3A_225 = vector.broadcast %mul3A_224 : i32 to vector<16xi32>
        %add3A_226 = arith.addi %add3A_225, %iota3A : vector<16xi32>
        %broadcast_in_dim3A_227 = arith.constant 0 : i32
        %broadcast_in_dim3A_228 = vector.broadcast %broadcast_in_dim3A_227 : i32 to vector<16xi32>
        %broadcast_in_dim3A_229 = arith.constant 0.000000e+00 : f32
        %broadcast_in_dim3A_230 = vector.broadcast %broadcast_in_dim3A_229 : f32 to vector<16xf32>
        %broadcast_in_dim3A_231 = arith.constant 0.000000e+00 : f32
        %broadcast_in_dim3A_232 = vector.broadcast %broadcast_in_dim3A_231 : f32 to vector<16xf32>
        %gather3A = tpu.vector_load_idx %arg23[%add3A_226, %broadcast_in_dim3A_228] : memref<128x17xf32, #tpu.memory_space<vmem>>[vector<16xi32>, vector<16xi32>], vector<16xf32>,
        %add3A_233 = arith.addf %broadcast_in_dim3A_230, %gather3A : vector<16xf32>
        %add3A_234 = arith.constant 1 : i32
        %add3A_235 = vector.broadcast %add3A_234 : i32 to vector<16xi32>
        %add3A_236 = arith.addi %broadcast_in_dim3A_228, %add3A_235 : vector<16xi32>
        %gather3A_237 = tpu.vector_load_idx %arg23[%add3A_226, %add3A_236] : memref<128x17xf32, #tpu.memory_space<vmem>>[vector<16xi32>, vector<16xi32>], vector<16xf32>,
        %add3A_238 = arith.addf %broadcast_in_dim3A_232, %gather3A_237 : vector<16xf32>
        %add3A_239 = arith.constant 1 : i32
        %add3A_240 = vector.broadcast %add3A_239 : i32 to vector<16xi32>
        %add3A_241 = arith.addi %add3A_236, %add3A_240 : vector<16xi32>
        %gather3A_242 = tpu.vector_load_idx %arg23[%add3A_226, %add3A_241] : memref<128x17xf32, #tpu.memory_space<vmem>>[vector<16xi32>, vector<16xi32>], vector<16xf32>,
        %add3A_243 = arith.addf %add3A_233, %gather3A_242 : vector<16xf32>
        %add3A_244 = arith.constant 1 : i32
        %add3A_245 = vector.broadcast %add3A_244 : i32 to vector<16xi32>
        %add3A_246 = arith.addi %add3A_241, %add3A_245 : vector<16xi32>
        %gather3A_247 = tpu.vector_load_idx %arg23[%add3A_226, %add3A_246] : memref<128x17xf32, #tpu.memory_space<vmem>>[vector<16xi32>, vector<16xi32>], vector<16xf32>,
        %add3A_248 = arith.addf %add3A_238, %gather3A_247 : vector<16xf32>
        %add3A_249 = arith.constant 1 : i32
        %add3A_250 = vector.broadcast %add3A_249 : i32 to vector<16xi32>
        %add3A_251 = arith.addi %add3A_246, %add3A_250 : vector<16xi32>
        %gather3A_252 = tpu.vector_load_idx %arg23[%add3A_226, %add3A_251] : memref<128x17xf32, #tpu.memory_space<vmem>>[vector<16xi32>, vector<16xi32>], vector<16xf32>,
        %add3A_253 = arith.addf %add3A_243, %gather3A_252 : vector<16xf32>
        %add3A_254 = arith.constant 1 : i32
        %add3A_255 = vector.broadcast %add3A_254 : i32 to vector<16xi32>
        %add3A_256 = arith.addi %add3A_251, %add3A_255 : vector<16xi32>
        %gather3A_257 = tpu.vector_load_idx %arg23[%add3A_226, %add3A_256] : memref<128x17xf32, #tpu.memory_space<vmem>>[vector<16xi32>, vector<16xi32>], vector<16xf32>,
        %add3A_258 = arith.addf %add3A_248, %gather3A_257 : vector<16xf32>
        %add3A_259 = arith.constant 1 : i32
        %add3A_260 = vector.broadcast %add3A_259 : i32 to vector<16xi32>
        %add3A_261 = arith.addi %add3A_256, %add3A_260 : vector<16xi32>
        %gather3A_262 = tpu.vector_load_idx %arg23[%add3A_226, %add3A_261] : memref<128x17xf32, #tpu.memory_space<vmem>>[vector<16xi32>, vector<16xi32>], vector<16xf32>,
        %add3A_263 = arith.addf %add3A_253, %gather3A_262 : vector<16xf32>
        %add3A_264 = arith.constant 1 : i32
        %add3A_265 = vector.broadcast %add3A_264 : i32 to vector<16xi32>
        %add3A_266 = arith.addi %add3A_261, %add3A_265 : vector<16xi32>
        %gather3A_267 = tpu.vector_load_idx %arg23[%add3A_226, %add3A_266] : memref<128x17xf32, #tpu.memory_space<vmem>>[vector<16xi32>, vector<16xi32>], vector<16xf32>,
        %add3A_268 = arith.addf %add3A_258, %gather3A_267 : vector<16xf32>
        %add3A_269 = arith.constant 1 : i32
        %add3A_270 = vector.broadcast %add3A_269 : i32 to vector<16xi32>
        %add3A_271 = arith.addi %add3A_266, %add3A_270 : vector<16xi32>
        %gather3A_272 = tpu.vector_load_idx %arg23[%add3A_226, %add3A_271] : memref<128x17xf32, #tpu.memory_space<vmem>>[vector<16xi32>, vector<16xi32>], vector<16xf32>,
        %add3A_273 = arith.addf %add3A_263, %gather3A_272 : vector<16xf32>
        %add3A_274 = arith.constant 1 : i32
        %add3A_275 = vector.broadcast %add3A_274 : i32 to vector<16xi32>
        %add3A_276 = arith.addi %add3A_271, %add3A_275 : vector<16xi32>
        %gather3A_277 = tpu.vector_load_idx %arg23[%add3A_226, %add3A_276] : memref<128x17xf32, #tpu.memory_space<vmem>>[vector<16xi32>, vector<16xi32>], vector<16xf32>,
        %add3A_278 = arith.addf %add3A_268, %gather3A_277 : vector<16xf32>
        %add3A_279 = arith.constant 1 : i32
        %add3A_280 = vector.broadcast %add3A_279 : i32 to vector<16xi32>
        %add3A_281 = arith.addi %add3A_276, %add3A_280 : vector<16xi32>
        %gather3A_282 = tpu.vector_load_idx %arg23[%add3A_226, %add3A_281] : memref<128x17xf32, #tpu.memory_space<vmem>>[vector<16xi32>, vector<16xi32>], vector<16xf32>,
        %add3A_283 = arith.addf %add3A_273, %gather3A_282 : vector<16xf32>
        %add3A_284 = arith.constant 1 : i32
        %add3A_285 = vector.broadcast %add3A_284 : i32 to vector<16xi32>
        %add3A_286 = arith.addi %add3A_281, %add3A_285 : vector<16xi32>
        %gather3A_287 = tpu.vector_load_idx %arg23[%add3A_226, %add3A_286] : memref<128x17xf32, #tpu.memory_space<vmem>>[vector<16xi32>, vector<16xi32>], vector<16xf32>,
        %add3A_288 = arith.addf %add3A_278, %gather3A_287 : vector<16xf32>
        %add3A_289 = arith.constant 1 : i32
        %add3A_290 = vector.broadcast %add3A_289 : i32 to vector<16xi32>
        %add3A_291 = arith.addi %add3A_286, %add3A_290 : vector<16xi32>
        %gather3A_292 = tpu.vector_load_idx %arg23[%add3A_226, %add3A_291] : memref<128x17xf32, #tpu.memory_space<vmem>>[vector<16xi32>, vector<16xi32>], vector<16xf32>,
        %add3A_293 = arith.addf %add3A_283, %gather3A_292 : vector<16xf32>
        %add3A_294 = arith.constant 1 : i32
        %add3A_295 = vector.broadcast %add3A_294 : i32 to vector<16xi32>
        %add3A_296 = arith.addi %add3A_291, %add3A_295 : vector<16xi32>
        %gather3A_297 = tpu.vector_load_idx %arg23[%add3A_226, %add3A_296] : memref<128x17xf32, #tpu.memory_space<vmem>>[vector<16xi32>, vector<16xi32>], vector<16xf32>,
        %add3A_298 = arith.addf %add3A_288, %gather3A_297 : vector<16xf32>
        %add3A_299 = arith.constant 1 : i32
        %add3A_300 = vector.broadcast %add3A_299 : i32 to vector<16xi32>
        %add3A_301 = arith.addi %add3A_296, %add3A_300 : vector<16xi32>
        %gather3A_302 = tpu.vector_load_idx %arg23[%add3A_226, %add3A_301] : memref<128x17xf32, #tpu.memory_space<vmem>>[vector<16xi32>, vector<16xi32>], vector<16xf32>,
        %add3A_303 = arith.addf %add3A_293, %gather3A_302 : vector<16xf32>
        %add3A_304 = arith.constant 1 : i32
        %add3A_305 = vector.broadcast %add3A_304 : i32 to vector<16xi32>
        %add3A_306 = arith.addi %add3A_301, %add3A_305 : vector<16xi32>
        %gather3A_307 = tpu.vector_load_idx %arg23[%add3A_226, %add3A_306] : memref<128x17xf32, #tpu.memory_space<vmem>>[vector<16xi32>, vector<16xi32>], vector<16xf32>,
        %add3A_308 = arith.addf %add3A_298, %gather3A_307 : vector<16xf32>
        %add3A_309 = arith.constant 1 : i32
        %add3A_310 = vector.broadcast %add3A_309 : i32 to vector<16xi32>
        %add3A_311 = arith.addi %add3A_306, %add3A_310 : vector<16xi32>
        %add3A_312 = arith.addf %add3A_303, %add3A_308 : vector<16xf32>
        %mul3A_313 = arith.constant 16 : i32
        %mul3A_314 = arith.muli %scan3A_221, %mul3A_313 : i32
        %swap3A_315 = arith.index_cast %mul3A_314 : i32 to index
        %swap3A_316 = tpu.vector_load %arg20[%swap3A_315] {strides = array<i32>} : memref<128xf32, #tpu.memory_space<vmem>>, vector<16xf32>,
        tpu.vector_store %arg20[%swap3A_315], %add3A_312 {strides = array<i32>} : memref<128xf32, #tpu.memory_space<vmem>>, vector<16xf32>,
        %scan3A_317 = arith.constant 0 : i32
        scf.yield %scan3A_317 : i32
      }
      %scan3A_149 = arith.constant 8 : i32
      %mul3A_150 = arith.constant 128 : i32
      %mul3A_151 = arith.muli %mul3A_106, %mul3A_150 : i32
      %add3A_152 = arith.addi %mul3A_2, %mul3A_151 : i32
      %lt3A_153 = arith.constant 4096 : i32
      %lt3A_154 = arith.cmpi slt, %add3A_152, %lt3A_153 : i32
      %convert_element_type3A_155 = arith.extui %lt3A_154 : i1 to i32
      %cond3A_156 = arith.constant 0 : i32
      %cond3A_157 = arith.cmpi ne, %convert_element_type3A_155, %cond3A_156 : i32
      scf.if %cond3A_157 {
        "tpu.region"() ({
          %run_scoped3A = tpu.sem_alloc : memref<!tpu.dma_semaphore, #tpu.memory_space<semaphore_mem>>
          %dma_start3A_221 = tpu.memref_slice %arg7[%add3A_152] : memref<4096xf32, #tpu.memory_space<hbm>> -> memref<128xf32, #tpu.memory_space<hbm>>
          %dma_start3A_222 = tpu.memref_slice %arg7[%add3A_152] : memref<4096xf32, #tpu.memory_space<hbm>> -> memref<128xf32, #tpu.memory_space<hbm>>
          tpu.enqueue_dma source(%arg20 : memref<128xf32, #tpu.memory_space<vmem>>) target(%dma_start3A_222 : memref<128xf32, #tpu.memory_space<hbm>>) target_semaphore(%run_scoped3A : memref<!tpu.dma_semaphore, #tpu.memory_space<semaphore_mem>>)
          %dma_wait3A_223 = tpu.memref_slice %arg7[%add3A_152] : memref<4096xf32, #tpu.memory_space<hbm>> -> memref<128xf32, #tpu.memory_space<hbm>>
          %dma_wait3A_224 = tpu.memref_slice %arg7[%add3A_152] : memref<4096xf32, #tpu.memory_space<hbm>> -> memref<128xf32, #tpu.memory_space<hbm>>
          tpu.wait_dma2 semaphore(%run_scoped3A : memref<!tpu.dma_semaphore, #tpu.memory_space<semaphore_mem>>) src(%arg20 : memref<128xf32, #tpu.memory_space<vmem>>) dst(%dma_wait3A_224 : memref<128xf32, #tpu.memory_space<hbm>>)
          tpu.yield
        }) : () -> ()
      } else {
      }
      %ge3A_158 = arith.constant 4096 : i32
      %ge3A_159 = arith.cmpi sge, %add3A_152, %ge3A_158 : i32
      %convert_element_type3A_160 = arith.extui %ge3A_159 : i1 to i32
      %cond3A_161 = arith.constant 0 : i32
      %cond3A_162 = arith.cmpi ne, %convert_element_type3A_160, %cond3A_161 : i32
      scf.if %cond3A_162 {
        %sub3A = arith.constant 4096 : i32
        %sub3A_221 = arith.subi %add3A_152, %sub3A : i32
        %jit3A = arith.constant 16 : i32
        %div3A = arith.divsi %sub3A_221, %jit3A : i32
        %sign3A = arith.constant 0 : i32
        %sign3A_222 = arith.cmpi sgt, %sub3A_221, %sign3A : i32
        %sign3A_223 = arith.extui %sign3A_222 : i1 to i32
        %sign3A_224 = arith.constant 0 : i32
        %sign3A_225 = arith.cmpi slt, %sub3A_221, %sign3A_224 : i32
        %sign3A_226 = arith.extui %sign3A_225 : i1 to i32
        %sign3A_227 = arith.subi %sign3A_223, %sign3A_226 : i32
        %sign3A_228 = arith.constant 0 : i32
        %sign3A_229 = arith.cmpi sgt, %jit3A, %sign3A_228 : i32
        %sign3A_230 = arith.extui %sign3A_229 : i1 to i32
        %sign3A_231 = arith.constant 0 : i32
        %sign3A_232 = arith.cmpi slt, %jit3A, %sign3A_231 : i32
        %sign3A_233 = arith.extui %sign3A_232 : i1 to i32
        %sign3A_234 = arith.subi %sign3A_230, %sign3A_233 : i32
        %ne3A = arith.cmpi ne, %sign3A_227, %sign3A_234 : i32
        %rem3A = arith.remsi %sub3A_221, %jit3A : i32
        %ne3A_235 = arith.constant 0 : i32
        %ne3A_236 = arith.cmpi ne, %rem3A, %ne3A_235 : i32
        %and3A = arith.andi %ne3A, %ne3A_236 : i1
        %sub3A_237 = arith.constant 1 : i32
        %sub3A_238 = arith.subi %div3A, %sub3A_237 : i32
        %select_n3A = arith.select %and3A, %sub3A_238, %div3A : i32
        %scan3A_239 = arith.constant 0 : i32
        %scan3A_240 = arith.constant 0 : i32
        %scan3A_241 = arith.constant 8 : i32
        %scan3A_242 = arith.addi %scan3A_240, %scan3A_241 : i32
        %scan3A_243 = arith.constant 1 : i32
        %scan3A_244 = scf.for %scan3A_250 = %scan3A_240 to %scan3A_242 step %scan3A_243 iter_args(%scan3A_251 = %scan3A_239) -> (i32)  : i32 {
          %iota3A = tpu.iota {dimensions = array<i32: 0>} : vector<16xi32>
          %mul3A_252 = arith.constant 4096 : i32
          %mul3A_253 = vector.broadcast %mul3A_252 : i32 to vector<16xi32>
          %mul3A_254 = arith.muli %iota3A, %mul3A_253 : vector<16xi32>
          %add3A_255 = arith.addi %select_n3A, %scan3A_250 : i32
          %add3A_256 = vector.broadcast %add3A_255 : i32 to vector<16xi32>
          %add3A_257 = arith.addi %mul3A_254, %add3A_256 : vector<16xi32>
          %mul3A_258 = arith.constant 16 : i32
          %mul3A_259 = arith.muli %scan3A_250, %mul3A_258 : i32
          %swap3A_260 = arith.index_cast %mul3A_259 : i32 to index
          %swap3A_261 = tpu.vector_load %arg13[%swap3A_260] {strides = array<i32>} : memref<128xi32, #tpu.memory_space<vmem>>, vector<16xi32>,
          tpu.vector_store %arg13[%swap3A_260], %add3A_257 {strides = array<i32>} : memref<128xi32, #tpu.memory_space<vmem>>, vector<16xi32>,
          %scan3A_262 = arith.constant 0 : i32
          scf.yield %scan3A_262 : i32
        }
        %scan3A_245 = arith.constant 8 : i32
        %dma_start3A_246 = arith.constant 0 : i32
        %dma_start3A_247 = tpu.memref_slice %arg8[%dma_start3A_246] : memref<65536xf32, #tpu.memory_space<hbm>> -> memref<65536xf32, #tpu.memory_space<hbm>>
        tpu.enqueue_indirect_dma source(%arg20 : memref<128xf32, #tpu.memory_space<vmem>>) target(%dma_start3A_247 : memref<65536xf32, #tpu.memory_space<hbm>>) offsets(%arg13 : memref<128xi32, #tpu.memory_space<vmem>>) semaphore(%arg26 : memref<!tpu.dma_semaphore, #tpu.memory_space<semaphore_mem>>)
        %dma_wait3A_248 = arith.constant 0 : i32
        %dma_wait3A_249 = tpu.memref_slice %arg8[%dma_wait3A_248] : memref<65536xf32, #tpu.memory_space<hbm>> -> memref<65536xf32, #tpu.memory_space<hbm>>
        tpu.wait_indirect_dma semaphore(%arg26 : memref<!tpu.dma_semaphore, #tpu.memory_space<semaphore_mem>>) src(%arg20 : memref<128xf32, #tpu.memory_space<vmem>>) dst(%dma_wait3A_249 : memref<65536xf32, #tpu.memory_space<hbm>>)
      } else {
      }
      %add3A_163 = arith.constant 1 : i32
      %add3A_164 = arith.addi %mul3A_106, %add3A_163 : i32
      %add3A_165 = arith.constant 1 : i32
      %add3A_166 = arith.addi %add3A_164, %add3A_165 : i32
      %mul3A_167 = arith.constant 128 : i32
      %mul3A_168 = arith.muli %add3A_166, %mul3A_167 : i32
      %dma_start3A_169 = tpu.memref_slice %arg10[%mul3A_168] : memref<2176xi32, #tpu.memory_space<vmem>> -> memref<128xi32, #tpu.memory_space<vmem>>
      %dma_start3A_170 = arith.constant 0 : i32
      %dma_start3A_171 = arith.constant 0 : i32
      %dma_start3A_172 = tpu.memref_slice %arg5[%dma_start3A_170, %dma_start3A_171] : memref<100000x128xf32, #tpu.memory_space<hbm>> -> memref<100000x128xf32, #tpu.memory_space<hbm>>
      tpu.enqueue_indirect_dma source(%dma_start3A_172 : memref<100000x128xf32, #tpu.memory_space<hbm>>) target(%arg14 : memref<128x128xf32, #tpu.memory_space<vmem>>) offsets(%dma_start3A_169 : memref<128xi32, #tpu.memory_space<vmem>>) semaphore(%arg24 : memref<!tpu.dma_semaphore, #tpu.memory_space<semaphore_mem>>)
      %dma_start3A_173 = tpu.memref_slice %arg11[%mul3A_168] : memref<2176xi32, #tpu.memory_space<vmem>> -> memref<128xi32, #tpu.memory_space<vmem>>
      %dma_start3A_174 = arith.constant 0 : i32
      %dma_start3A_175 = arith.constant 0 : i32
      %dma_start3A_176 = tpu.memref_slice %arg5[%dma_start3A_174, %dma_start3A_175] : memref<100000x128xf32, #tpu.memory_space<hbm>> -> memref<100000x128xf32, #tpu.memory_space<hbm>>
      tpu.enqueue_indirect_dma source(%dma_start3A_176 : memref<100000x128xf32, #tpu.memory_space<hbm>>) target(%arg15 : memref<128x128xf32, #tpu.memory_space<vmem>>) offsets(%dma_start3A_173 : memref<128xi32, #tpu.memory_space<vmem>>) semaphore(%arg24 : memref<!tpu.dma_semaphore, #tpu.memory_space<semaphore_mem>>)
      %dma_start3A_177 = tpu.memref_slice %arg12[%mul3A_168] : memref<2176xi32, #tpu.memory_space<vmem>> -> memref<128xi32, #tpu.memory_space<vmem>>
      %dma_start3A_178 = arith.constant 0 : i32
      %dma_start3A_179 = arith.constant 0 : i32
      %dma_start3A_180 = tpu.memref_slice %arg6[%dma_start3A_178, %dma_start3A_179] : memref<1000x128xf32, #tpu.memory_space<hbm>> -> memref<1000x128xf32, #tpu.memory_space<hbm>>
      tpu.enqueue_indirect_dma source(%dma_start3A_180 : memref<1000x128xf32, #tpu.memory_space<hbm>>) target(%arg16 : memref<128x128xf32, #tpu.memory_space<vmem>>) offsets(%dma_start3A_177 : memref<128xi32, #tpu.memory_space<vmem>>) semaphore(%arg24 : memref<!tpu.dma_semaphore, #tpu.memory_space<semaphore_mem>>)
      %mul3A_181 = arith.constant 128 : i32
      %mul3A_182 = arith.muli %add3A_164, %mul3A_181 : i32
      %dma_wait3A_183 = tpu.memref_slice %arg10[%mul3A_182] : memref<2176xi32, #tpu.memory_space<vmem>> -> memref<128xi32, #tpu.memory_space<vmem>>
      %dma_wait3A_184 = arith.constant 0 : i32
      %dma_wait3A_185 = arith.constant 0 : i32
      %dma_wait3A_186 = tpu.memref_slice %arg5[%dma_wait3A_184, %dma_wait3A_185] : memref<100000x128xf32, #tpu.memory_space<hbm>> -> memref<100000x128xf32, #tpu.memory_space<hbm>>
      tpu.wait_indirect_dma semaphore(%arg25 : memref<!tpu.dma_semaphore, #tpu.memory_space<semaphore_mem>>) src(%dma_wait3A_186 : memref<100000x128xf32, #tpu.memory_space<hbm>>) dst(%arg17 : memref<128x128xf32, #tpu.memory_space<vmem>>)
      %dma_wait3A_187 = tpu.memref_slice %arg11[%mul3A_182] : memref<2176xi32, #tpu.memory_space<vmem>> -> memref<128xi32, #tpu.memory_space<vmem>>
      %dma_wait3A_188 = arith.constant 0 : i32
      %dma_wait3A_189 = arith.constant 0 : i32
      %dma_wait3A_190 = tpu.memref_slice %arg5[%dma_wait3A_188, %dma_wait3A_189] : memref<100000x128xf32, #tpu.memory_space<hbm>> -> memref<100000x128xf32, #tpu.memory_space<hbm>>
      tpu.wait_indirect_dma semaphore(%arg25 : memref<!tpu.dma_semaphore, #tpu.memory_space<semaphore_mem>>) src(%dma_wait3A_190 : memref<100000x128xf32, #tpu.memory_space<hbm>>) dst(%arg18 : memref<128x128xf32, #tpu.memory_space<vmem>>)
      %dma_wait3A_191 = tpu.memref_slice %arg12[%mul3A_182] : memref<2176xi32, #tpu.memory_space<vmem>> -> memref<128xi32, #tpu.memory_space<vmem>>
      %dma_wait3A_192 = arith.constant 0 : i32
      %dma_wait3A_193 = arith.constant 0 : i32
      %dma_wait3A_194 = tpu.memref_slice %arg6[%dma_wait3A_192, %dma_wait3A_193] : memref<1000x128xf32, #tpu.memory_space<hbm>> -> memref<1000x128xf32, #tpu.memory_space<hbm>>
      tpu.wait_indirect_dma semaphore(%arg25 : memref<!tpu.dma_semaphore, #tpu.memory_space<semaphore_mem>>) src(%dma_wait3A_194 : memref<1000x128xf32, #tpu.memory_space<hbm>>) dst(%arg19 : memref<128x128xf32, #tpu.memory_space<vmem>>)
      %scan3A_195 = arith.constant 0 : i32
      %scan3A_196 = arith.constant 128 : i32
      %scan3A_197 = arith.addi %scan3A_195, %scan3A_196 : i32
      %scan3A_198 = arith.constant 1 : i32
      %scan3A_199 = scf.for %scan3A_221 = %scan3A_195 to %scan3A_197 step %scan3A_198 iter_args(%scan3A_222 = %scan3A_141) -> (vector<16xf32>)  : i32 {
        %broadcast_in_dim3A_223 = arith.constant 0.000000e+00 : f32
        %broadcast_in_dim3A_224 = vector.broadcast %broadcast_in_dim3A_223 : f32 to vector<16xf32>
        %get3A = arith.index_cast %scan3A_221 : i32 to index
        %get3A_225 = arith.constant 0 : index
        %get3A_226 = tpu.vector_load %arg17[%get3A, %get3A_225] {strides = array<i32>} : memref<128x128xf32, #tpu.memory_space<vmem>>, vector<16xf32>,
        %get3A_227 = arith.index_cast %scan3A_221 : i32 to index
        %get3A_228 = arith.constant 64 : index
        %get3A_229 = tpu.vector_load %arg17[%get3A_227, %get3A_228] {strides = array<i32>} : memref<128x128xf32, #tpu.memory_space<vmem>>, vector<16xf32>,
        %get3A_230 = arith.index_cast %scan3A_221 : i32 to index
        %get3A_231 = arith.constant 0 : index
        %get3A_232 = tpu.vector_load %arg18[%get3A_230, %get3A_231] {strides = array<i32>} : memref<128x128xf32, #tpu.memory_space<vmem>>, vector<16xf32>,
        %get3A_233 = arith.index_cast %scan3A_221 : i32 to index
        %get3A_234 = arith.constant 64 : index
        %get3A_235 = tpu.vector_load %arg18[%get3A_233, %get3A_234] {strides = array<i32>} : memref<128x128xf32, #tpu.memory_space<vmem>>, vector<16xf32>,
        %get3A_236 = arith.index_cast %scan3A_221 : i32 to index
        %get3A_237 = arith.constant 0 : index
        %get3A_238 = tpu.vector_load %arg19[%get3A_236, %get3A_237] {strides = array<i32>} : memref<128x128xf32, #tpu.memory_space<vmem>>, vector<16xf32>,
        %get3A_239 = arith.index_cast %scan3A_221 : i32 to index
        %get3A_240 = arith.constant 64 : index
        %get3A_241 = tpu.vector_load %arg19[%get3A_239, %get3A_240] {strides = array<i32>} : memref<128x128xf32, #tpu.memory_space<vmem>>, vector<16xf32>,
        %mul3A_242 = arith.mulf %get3A_226, %get3A_226 : vector<16xf32>
        %mul3A_243 = arith.mulf %get3A_229, %get3A_229 : vector<16xf32>
        %add3A_244 = arith.addf %mul3A_242, %mul3A_243 : vector<16xf32>
        %mul3A_245 = arith.mulf %get3A_232, %get3A_232 : vector<16xf32>
        %mul3A_246 = arith.mulf %get3A_235, %get3A_235 : vector<16xf32>
        %add3A_247 = arith.addf %mul3A_245, %mul3A_246 : vector<16xf32>
        %add3A_248 = arith.addf %add3A_244, %add3A_247 : vector<16xf32>
        %mul3A_249 = arith.mulf %get3A_238, %get3A_238 : vector<16xf32>
        %mul3A_250 = arith.mulf %get3A_241, %get3A_241 : vector<16xf32>
        %add3A_251 = arith.addf %mul3A_249, %mul3A_250 : vector<16xf32>
        %add3A_252 = arith.addf %add3A_248, %add3A_251 : vector<16xf32>
        %add3A_253 = arith.addf %scan3A_222, %add3A_252 : vector<16xf32>
        %mul3A_254 = arith.mulf %get3A_226, %get3A_232 : vector<16xf32>
        %mul3A_255 = arith.mulf %get3A_229, %get3A_235 : vector<16xf32>
        %add3A_256 = arith.addf %mul3A_254, %mul3A_255 : vector<16xf32>
        %mul3A_257 = arith.mulf %get3A_226, %get3A_235 : vector<16xf32>
        %mul3A_258 = arith.mulf %get3A_229, %get3A_232 : vector<16xf32>
        %sub3A = arith.subf %mul3A_257, %mul3A_258 : vector<16xf32>
        %mul3A_259 = arith.mulf %add3A_256, %get3A_238 : vector<16xf32>
        %add3A_260 = arith.addf %broadcast_in_dim3A_224, %mul3A_259 : vector<16xf32>
        %mul3A_261 = arith.mulf %sub3A, %get3A_241 : vector<16xf32>
        %add3A_262 = arith.addf %add3A_260, %mul3A_261 : vector<16xf32>
        %get3A_263 = arith.index_cast %scan3A_221 : i32 to index
        %get3A_264 = arith.constant 16 : index
        %get3A_265 = tpu.vector_load %arg17[%get3A_263, %get3A_264] {strides = array<i32>} : memref<128x128xf32, #tpu.memory_space<vmem>>, vector<16xf32>,
        %get3A_266 = arith.index_cast %scan3A_221 : i32 to index
        %get3A_267 = arith.constant 80 : index
        %get3A_268 = tpu.vector_load %arg17[%get3A_266, %get3A_267] {strides = array<i32>} : memref<128x128xf32, #tpu.memory_space<vmem>>, vector<16xf32>,
        %get3A_269 = arith.index_cast %scan3A_221 : i32 to index
        %get3A_270 = arith.constant 16 : index
        %get3A_271 = tpu.vector_load %arg18[%get3A_269, %get3A_270] {strides = array<i32>} : memref<128x128xf32, #tpu.memory_space<vmem>>, vector<16xf32>,
        %get3A_272 = arith.index_cast %scan3A_221 : i32 to index
        %get3A_273 = arith.constant 80 : index
        %get3A_274 = tpu.vector_load %arg18[%get3A_272, %get3A_273] {strides = array<i32>} : memref<128x128xf32, #tpu.memory_space<vmem>>, vector<16xf32>,
        %get3A_275 = arith.index_cast %scan3A_221 : i32 to index
        %get3A_276 = arith.constant 16 : index
        %get3A_277 = tpu.vector_load %arg19[%get3A_275, %get3A_276] {strides = array<i32>} : memref<128x128xf32, #tpu.memory_space<vmem>>, vector<16xf32>,
        %get3A_278 = arith.index_cast %scan3A_221 : i32 to index
        %get3A_279 = arith.constant 80 : index
        %get3A_280 = tpu.vector_load %arg19[%get3A_278, %get3A_279] {strides = array<i32>} : memref<128x128xf32, #tpu.memory_space<vmem>>, vector<16xf32>,
        %mul3A_281 = arith.mulf %get3A_265, %get3A_265 : vector<16xf32>
        %mul3A_282 = arith.mulf %get3A_268, %get3A_268 : vector<16xf32>
        %add3A_283 = arith.addf %mul3A_281, %mul3A_282 : vector<16xf32>
        %mul3A_284 = arith.mulf %get3A_271, %get3A_271 : vector<16xf32>
        %mul3A_285 = arith.mulf %get3A_274, %get3A_274 : vector<16xf32>
        %add3A_286 = arith.addf %mul3A_284, %mul3A_285 : vector<16xf32>
        %add3A_287 = arith.addf %add3A_283, %add3A_286 : vector<16xf32>
        %mul3A_288 = arith.mulf %get3A_277, %get3A_277 : vector<16xf32>
        %mul3A_289 = arith.mulf %get3A_280, %get3A_280 : vector<16xf32>
        %add3A_290 = arith.addf %mul3A_288, %mul3A_289 : vector<16xf32>
        %add3A_291 = arith.addf %add3A_287, %add3A_290 : vector<16xf32>
        %add3A_292 = arith.addf %add3A_253, %add3A_291 : vector<16xf32>
        %mul3A_293 = arith.mulf %get3A_265, %get3A_271 : vector<16xf32>
        %mul3A_294 = arith.mulf %get3A_268, %get3A_274 : vector<16xf32>
        %add3A_295 = arith.addf %mul3A_293, %mul3A_294 : vector<16xf32>
        %mul3A_296 = arith.mulf %get3A_265, %get3A_274 : vector<16xf32>
        %mul3A_297 = arith.mulf %get3A_268, %get3A_271 : vector<16xf32>
        %sub3A_298 = arith.subf %mul3A_296, %mul3A_297 : vector<16xf32>
        %mul3A_299 = arith.mulf %add3A_295, %get3A_277 : vector<16xf32>
        %add3A_300 = arith.addf %add3A_262, %mul3A_299 : vector<16xf32>
        %mul3A_301 = arith.mulf %sub3A_298, %get3A_280 : vector<16xf32>
        %add3A_302 = arith.addf %add3A_300, %mul3A_301 : vector<16xf32>
        %get3A_303 = arith.index_cast %scan3A_221 : i32 to index
        %get3A_304 = arith.constant 32 : index
        %get3A_305 = tpu.vector_load %arg17[%get3A_303, %get3A_304] {strides = array<i32>} : memref<128x128xf32, #tpu.memory_space<vmem>>, vector<16xf32>,
        %get3A_306 = arith.index_cast %scan3A_221 : i32 to index
        %get3A_307 = arith.constant 96 : index
        %get3A_308 = tpu.vector_load %arg17[%get3A_306, %get3A_307] {strides = array<i32>} : memref<128x128xf32, #tpu.memory_space<vmem>>, vector<16xf32>,
        %get3A_309 = arith.index_cast %scan3A_221 : i32 to index
        %get3A_310 = arith.constant 32 : index
        %get3A_311 = tpu.vector_load %arg18[%get3A_309, %get3A_310] {strides = array<i32>} : memref<128x128xf32, #tpu.memory_space<vmem>>, vector<16xf32>,
        %get3A_312 = arith.index_cast %scan3A_221 : i32 to index
        %get3A_313 = arith.constant 96 : index
        %get3A_314 = tpu.vector_load %arg18[%get3A_312, %get3A_313] {strides = array<i32>} : memref<128x128xf32, #tpu.memory_space<vmem>>, vector<16xf32>,
        %get3A_315 = arith.index_cast %scan3A_221 : i32 to index
        %get3A_316 = arith.constant 32 : index
        %get3A_317 = tpu.vector_load %arg19[%get3A_315, %get3A_316] {strides = array<i32>} : memref<128x128xf32, #tpu.memory_space<vmem>>, vector<16xf32>,
        %get3A_318 = arith.index_cast %scan3A_221 : i32 to index
        %get3A_319 = arith.constant 96 : index
        %get3A_320 = tpu.vector_load %arg19[%get3A_318, %get3A_319] {strides = array<i32>} : memref<128x128xf32, #tpu.memory_space<vmem>>, vector<16xf32>,
        %mul3A_321 = arith.mulf %get3A_305, %get3A_305 : vector<16xf32>
        %mul3A_322 = arith.mulf %get3A_308, %get3A_308 : vector<16xf32>
        %add3A_323 = arith.addf %mul3A_321, %mul3A_322 : vector<16xf32>
        %mul3A_324 = arith.mulf %get3A_311, %get3A_311 : vector<16xf32>
        %mul3A_325 = arith.mulf %get3A_314, %get3A_314 : vector<16xf32>
        %add3A_326 = arith.addf %mul3A_324, %mul3A_325 : vector<16xf32>
        %add3A_327 = arith.addf %add3A_323, %add3A_326 : vector<16xf32>
        %mul3A_328 = arith.mulf %get3A_317, %get3A_317 : vector<16xf32>
        %mul3A_329 = arith.mulf %get3A_320, %get3A_320 : vector<16xf32>
        %add3A_330 = arith.addf %mul3A_328, %mul3A_329 : vector<16xf32>
        %add3A_331 = arith.addf %add3A_327, %add3A_330 : vector<16xf32>
        %add3A_332 = arith.addf %add3A_292, %add3A_331 : vector<16xf32>
        %mul3A_333 = arith.mulf %get3A_305, %get3A_311 : vector<16xf32>
        %mul3A_334 = arith.mulf %get3A_308, %get3A_314 : vector<16xf32>
        %add3A_335 = arith.addf %mul3A_333, %mul3A_334 : vector<16xf32>
        %mul3A_336 = arith.mulf %get3A_305, %get3A_314 : vector<16xf32>
        %mul3A_337 = arith.mulf %get3A_308, %get3A_311 : vector<16xf32>
        %sub3A_338 = arith.subf %mul3A_336, %mul3A_337 : vector<16xf32>
        %mul3A_339 = arith.mulf %add3A_335, %get3A_317 : vector<16xf32>
        %add3A_340 = arith.addf %add3A_302, %mul3A_339 : vector<16xf32>
        %mul3A_341 = arith.mulf %sub3A_338, %get3A_320 : vector<16xf32>
        %add3A_342 = arith.addf %add3A_340, %mul3A_341 : vector<16xf32>
        %get3A_343 = arith.index_cast %scan3A_221 : i32 to index
        %get3A_344 = arith.constant 48 : index
        %get3A_345 = tpu.vector_load %arg17[%get3A_343, %get3A_344] {strides = array<i32>} : memref<128x128xf32, #tpu.memory_space<vmem>>, vector<16xf32>,
        %get3A_346 = arith.index_cast %scan3A_221 : i32 to index
        %get3A_347 = arith.constant 112 : index
        %get3A_348 = tpu.vector_load %arg17[%get3A_346, %get3A_347] {strides = array<i32>} : memref<128x128xf32, #tpu.memory_space<vmem>>, vector<16xf32>,
        %get3A_349 = arith.index_cast %scan3A_221 : i32 to index
        %get3A_350 = arith.constant 48 : index
        %get3A_351 = tpu.vector_load %arg18[%get3A_349, %get3A_350] {strides = array<i32>} : memref<128x128xf32, #tpu.memory_space<vmem>>, vector<16xf32>,
        %get3A_352 = arith.index_cast %scan3A_221 : i32 to index
        %get3A_353 = arith.constant 112 : index
        %get3A_354 = tpu.vector_load %arg18[%get3A_352, %get3A_353] {strides = array<i32>} : memref<128x128xf32, #tpu.memory_space<vmem>>, vector<16xf32>,
        %get3A_355 = arith.index_cast %scan3A_221 : i32 to index
        %get3A_356 = arith.constant 48 : index
        %get3A_357 = tpu.vector_load %arg19[%get3A_355, %get3A_356] {strides = array<i32>} : memref<128x128xf32, #tpu.memory_space<vmem>>, vector<16xf32>,
        %get3A_358 = arith.index_cast %scan3A_221 : i32 to index
        %get3A_359 = arith.constant 112 : index
        %get3A_360 = tpu.vector_load %arg19[%get3A_358, %get3A_359] {strides = array<i32>} : memref<128x128xf32, #tpu.memory_space<vmem>>, vector<16xf32>,
        %mul3A_361 = arith.mulf %get3A_345, %get3A_345 : vector<16xf32>
        %mul3A_362 = arith.mulf %get3A_348, %get3A_348 : vector<16xf32>
        %add3A_363 = arith.addf %mul3A_361, %mul3A_362 : vector<16xf32>
        %mul3A_364 = arith.mulf %get3A_351, %get3A_351 : vector<16xf32>
        %mul3A_365 = arith.mulf %get3A_354, %get3A_354 : vector<16xf32>
        %add3A_366 = arith.addf %mul3A_364, %mul3A_365 : vector<16xf32>
        %add3A_367 = arith.addf %add3A_363, %add3A_366 : vector<16xf32>
        %mul3A_368 = arith.mulf %get3A_357, %get3A_357 : vector<16xf32>
        %mul3A_369 = arith.mulf %get3A_360, %get3A_360 : vector<16xf32>
        %add3A_370 = arith.addf %mul3A_368, %mul3A_369 : vector<16xf32>
        %add3A_371 = arith.addf %add3A_367, %add3A_370 : vector<16xf32>
        %add3A_372 = arith.addf %add3A_332, %add3A_371 : vector<16xf32>
        %mul3A_373 = arith.mulf %get3A_345, %get3A_351 : vector<16xf32>
        %mul3A_374 = arith.mulf %get3A_348, %get3A_354 : vector<16xf32>
        %add3A_375 = arith.addf %mul3A_373, %mul3A_374 : vector<16xf32>
        %mul3A_376 = arith.mulf %get3A_345, %get3A_354 : vector<16xf32>
        %mul3A_377 = arith.mulf %get3A_348, %get3A_351 : vector<16xf32>
        %sub3A_378 = arith.subf %mul3A_376, %mul3A_377 : vector<16xf32>
        %mul3A_379 = arith.mulf %add3A_375, %get3A_357 : vector<16xf32>
        %add3A_380 = arith.addf %add3A_342, %mul3A_379 : vector<16xf32>
        %mul3A_381 = arith.mulf %sub3A_378, %get3A_360 : vector<16xf32>
        %add3A_382 = arith.addf %add3A_380, %mul3A_381 : vector<16xf32>
        %swap3A_383 = arith.index_cast %scan3A_221 : i32 to index
        %swap3A_384 = arith.constant 0 : index
        %swap3A_385 = tpu.vector_load %arg23[%swap3A_383, %swap3A_384] {strides = array<i32>} : memref<128x17xf32, #tpu.memory_space<vmem>>, vector<16xf32>,
        tpu.vector_store %arg23[%swap3A_383, %swap3A_384], %add3A_382 {strides = array<i32>} : memref<128x17xf32, #tpu.memory_space<vmem>>, vector<16xf32>,
        scf.yield %add3A_372 : vector<16xf32>
      }
      %scan3A_200 = arith.constant 128 : i32
      %scan3A_201 = arith.constant 0 : i32
      %scan3A_202 = arith.constant 0 : i32
      %scan3A_203 = arith.constant 8 : i32
      %scan3A_204 = arith.addi %scan3A_202, %scan3A_203 : i32
      %scan3A_205 = arith.constant 1 : i32
      %scan3A_206 = scf.for %scan3A_221 = %scan3A_202 to %scan3A_204 step %scan3A_205 iter_args(%scan3A_222 = %scan3A_201) -> (i32)  : i32 {
        %mul3A_223 = arith.constant 16 : i32
        %mul3A_224 = arith.muli %scan3A_221, %mul3A_223 : i32
        %iota3A = tpu.iota {dimensions = array<i32: 0>} : vector<16xi32>
        %add3A_225 = vector.broadcast %mul3A_224 : i32 to vector<16xi32>
        %add3A_226 = arith.addi %add3A_225, %iota3A : vector<16xi32>
        %broadcast_in_dim3A_227 = arith.constant 0 : i32
        %broadcast_in_dim3A_228 = vector.broadcast %broadcast_in_dim3A_227 : i32 to vector<16xi32>
        %broadcast_in_dim3A_229 = arith.constant 0.000000e+00 : f32
        %broadcast_in_dim3A_230 = vector.broadcast %broadcast_in_dim3A_229 : f32 to vector<16xf32>
        %broadcast_in_dim3A_231 = arith.constant 0.000000e+00 : f32
        %broadcast_in_dim3A_232 = vector.broadcast %broadcast_in_dim3A_231 : f32 to vector<16xf32>
        %gather3A = tpu.vector_load_idx %arg23[%add3A_226, %broadcast_in_dim3A_228] : memref<128x17xf32, #tpu.memory_space<vmem>>[vector<16xi32>, vector<16xi32>], vector<16xf32>,
        %add3A_233 = arith.addf %broadcast_in_dim3A_230, %gather3A : vector<16xf32>
        %add3A_234 = arith.constant 1 : i32
        %add3A_235 = vector.broadcast %add3A_234 : i32 to vector<16xi32>
        %add3A_236 = arith.addi %broadcast_in_dim3A_228, %add3A_235 : vector<16xi32>
        %gather3A_237 = tpu.vector_load_idx %arg23[%add3A_226, %add3A_236] : memref<128x17xf32, #tpu.memory_space<vmem>>[vector<16xi32>, vector<16xi32>], vector<16xf32>,
        %add3A_238 = arith.addf %broadcast_in_dim3A_232, %gather3A_237 : vector<16xf32>
        %add3A_239 = arith.constant 1 : i32
        %add3A_240 = vector.broadcast %add3A_239 : i32 to vector<16xi32>
        %add3A_241 = arith.addi %add3A_236, %add3A_240 : vector<16xi32>
        %gather3A_242 = tpu.vector_load_idx %arg23[%add3A_226, %add3A_241] : memref<128x17xf32, #tpu.memory_space<vmem>>[vector<16xi32>, vector<16xi32>], vector<16xf32>,
        %add3A_243 = arith.addf %add3A_233, %gather3A_242 : vector<16xf32>
        %add3A_244 = arith.constant 1 : i32
        %add3A_245 = vector.broadcast %add3A_244 : i32 to vector<16xi32>
        %add3A_246 = arith.addi %add3A_241, %add3A_245 : vector<16xi32>
        %gather3A_247 = tpu.vector_load_idx %arg23[%add3A_226, %add3A_246] : memref<128x17xf32, #tpu.memory_space<vmem>>[vector<16xi32>, vector<16xi32>], vector<16xf32>,
        %add3A_248 = arith.addf %add3A_238, %gather3A_247 : vector<16xf32>
        %add3A_249 = arith.constant 1 : i32
        %add3A_250 = vector.broadcast %add3A_249 : i32 to vector<16xi32>
        %add3A_251 = arith.addi %add3A_246, %add3A_250 : vector<16xi32>
        %gather3A_252 = tpu.vector_load_idx %arg23[%add3A_226, %add3A_251] : memref<128x17xf32, #tpu.memory_space<vmem>>[vector<16xi32>, vector<16xi32>], vector<16xf32>,
        %add3A_253 = arith.addf %add3A_243, %gather3A_252 : vector<16xf32>
        %add3A_254 = arith.constant 1 : i32
        %add3A_255 = vector.broadcast %add3A_254 : i32 to vector<16xi32>
        %add3A_256 = arith.addi %add3A_251, %add3A_255 : vector<16xi32>
        %gather3A_257 = tpu.vector_load_idx %arg23[%add3A_226, %add3A_256] : memref<128x17xf32, #tpu.memory_space<vmem>>[vector<16xi32>, vector<16xi32>], vector<16xf32>,
        %add3A_258 = arith.addf %add3A_248, %gather3A_257 : vector<16xf32>
        %add3A_259 = arith.constant 1 : i32
        %add3A_260 = vector.broadcast %add3A_259 : i32 to vector<16xi32>
        %add3A_261 = arith.addi %add3A_256, %add3A_260 : vector<16xi32>
        %gather3A_262 = tpu.vector_load_idx %arg23[%add3A_226, %add3A_261] : memref<128x17xf32, #tpu.memory_space<vmem>>[vector<16xi32>, vector<16xi32>], vector<16xf32>,
        %add3A_263 = arith.addf %add3A_253, %gather3A_262 : vector<16xf32>
        %add3A_264 = arith.constant 1 : i32
        %add3A_265 = vector.broadcast %add3A_264 : i32 to vector<16xi32>
        %add3A_266 = arith.addi %add3A_261, %add3A_265 : vector<16xi32>
        %gather3A_267 = tpu.vector_load_idx %arg23[%add3A_226, %add3A_266] : memref<128x17xf32, #tpu.memory_space<vmem>>[vector<16xi32>, vector<16xi32>], vector<16xf32>,
        %add3A_268 = arith.addf %add3A_258, %gather3A_267 : vector<16xf32>
        %add3A_269 = arith.constant 1 : i32
        %add3A_270 = vector.broadcast %add3A_269 : i32 to vector<16xi32>
        %add3A_271 = arith.addi %add3A_266, %add3A_270 : vector<16xi32>
        %gather3A_272 = tpu.vector_load_idx %arg23[%add3A_226, %add3A_271] : memref<128x17xf32, #tpu.memory_space<vmem>>[vector<16xi32>, vector<16xi32>], vector<16xf32>,
        %add3A_273 = arith.addf %add3A_263, %gather3A_272 : vector<16xf32>
        %add3A_274 = arith.constant 1 : i32
        %add3A_275 = vector.broadcast %add3A_274 : i32 to vector<16xi32>
        %add3A_276 = arith.addi %add3A_271, %add3A_275 : vector<16xi32>
        %gather3A_277 = tpu.vector_load_idx %arg23[%add3A_226, %add3A_276] : memref<128x17xf32, #tpu.memory_space<vmem>>[vector<16xi32>, vector<16xi32>], vector<16xf32>,
        %add3A_278 = arith.addf %add3A_268, %gather3A_277 : vector<16xf32>
        %add3A_279 = arith.constant 1 : i32
        %add3A_280 = vector.broadcast %add3A_279 : i32 to vector<16xi32>
        %add3A_281 = arith.addi %add3A_276, %add3A_280 : vector<16xi32>
        %gather3A_282 = tpu.vector_load_idx %arg23[%add3A_226, %add3A_281] : memref<128x17xf32, #tpu.memory_space<vmem>>[vector<16xi32>, vector<16xi32>], vector<16xf32>,
        %add3A_283 = arith.addf %add3A_273, %gather3A_282 : vector<16xf32>
        %add3A_284 = arith.constant 1 : i32
        %add3A_285 = vector.broadcast %add3A_284 : i32 to vector<16xi32>
        %add3A_286 = arith.addi %add3A_281, %add3A_285 : vector<16xi32>
        %gather3A_287 = tpu.vector_load_idx %arg23[%add3A_226, %add3A_286] : memref<128x17xf32, #tpu.memory_space<vmem>>[vector<16xi32>, vector<16xi32>], vector<16xf32>,
        %add3A_288 = arith.addf %add3A_278, %gather3A_287 : vector<16xf32>
        %add3A_289 = arith.constant 1 : i32
        %add3A_290 = vector.broadcast %add3A_289 : i32 to vector<16xi32>
        %add3A_291 = arith.addi %add3A_286, %add3A_290 : vector<16xi32>
        %gather3A_292 = tpu.vector_load_idx %arg23[%add3A_226, %add3A_291] : memref<128x17xf32, #tpu.memory_space<vmem>>[vector<16xi32>, vector<16xi32>], vector<16xf32>,
        %add3A_293 = arith.addf %add3A_283, %gather3A_292 : vector<16xf32>
        %add3A_294 = arith.constant 1 : i32
        %add3A_295 = vector.broadcast %add3A_294 : i32 to vector<16xi32>
        %add3A_296 = arith.addi %add3A_291, %add3A_295 : vector<16xi32>
        %gather3A_297 = tpu.vector_load_idx %arg23[%add3A_226, %add3A_296] : memref<128x17xf32, #tpu.memory_space<vmem>>[vector<16xi32>, vector<16xi32>], vector<16xf32>,
        %add3A_298 = arith.addf %add3A_288, %gather3A_297 : vector<16xf32>
        %add3A_299 = arith.constant 1 : i32
        %add3A_300 = vector.broadcast %add3A_299 : i32 to vector<16xi32>
        %add3A_301 = arith.addi %add3A_296, %add3A_300 : vector<16xi32>
        %gather3A_302 = tpu.vector_load_idx %arg23[%add3A_226, %add3A_301] : memref<128x17xf32, #tpu.memory_space<vmem>>[vector<16xi32>, vector<16xi32>], vector<16xf32>,
        %add3A_303 = arith.addf %add3A_293, %gather3A_302 : vector<16xf32>
        %add3A_304 = arith.constant 1 : i32
        %add3A_305 = vector.broadcast %add3A_304 : i32 to vector<16xi32>
        %add3A_306 = arith.addi %add3A_301, %add3A_305 : vector<16xi32>
        %gather3A_307 = tpu.vector_load_idx %arg23[%add3A_226, %add3A_306] : memref<128x17xf32, #tpu.memory_space<vmem>>[vector<16xi32>, vector<16xi32>], vector<16xf32>,
        %add3A_308 = arith.addf %add3A_298, %gather3A_307 : vector<16xf32>
        %add3A_309 = arith.constant 1 : i32
        %add3A_310 = vector.broadcast %add3A_309 : i32 to vector<16xi32>
        %add3A_311 = arith.addi %add3A_306, %add3A_310 : vector<16xi32>
        %add3A_312 = arith.addf %add3A_303, %add3A_308 : vector<16xf32>
        %mul3A_313 = arith.constant 16 : i32
        %mul3A_314 = arith.muli %scan3A_221, %mul3A_313 : i32
        %swap3A_315 = arith.index_cast %mul3A_314 : i32 to index
        %swap3A_316 = tpu.vector_load %arg21[%swap3A_315] {strides = array<i32>} : memref<128xf32, #tpu.memory_space<vmem>>, vector<16xf32>,
        tpu.vector_store %arg21[%swap3A_315], %add3A_312 {strides = array<i32>} : memref<128xf32, #tpu.memory_space<vmem>>, vector<16xf32>,
        %scan3A_317 = arith.constant 0 : i32
        scf.yield %scan3A_317 : i32
      }
      %scan3A_207 = arith.constant 8 : i32
      %mul3A_208 = arith.constant 128 : i32
      %mul3A_209 = arith.muli %add3A_164, %mul3A_208 : i32
      %add3A_210 = arith.addi %mul3A_2, %mul3A_209 : i32
      %lt3A_211 = arith.constant 4096 : i32
      %lt3A_212 = arith.cmpi slt, %add3A_210, %lt3A_211 : i32
      %convert_element_type3A_213 = arith.extui %lt3A_212 : i1 to i32
      %cond3A_214 = arith.constant 0 : i32
      %cond3A_215 = arith.cmpi ne, %convert_element_type3A_213, %cond3A_214 : i32
      scf.if %cond3A_215 {
        "tpu.region"() ({
          %run_scoped3A = tpu.sem_alloc : memref<!tpu.dma_semaphore, #tpu.memory_space<semaphore_mem>>
          %dma_start3A_221 = tpu.memref_slice %arg7[%add3A_210] : memref<4096xf32, #tpu.memory_space<hbm>> -> memref<128xf32, #tpu.memory_space<hbm>>
          %dma_start3A_222 = tpu.memref_slice %arg7[%add3A_210] : memref<4096xf32, #tpu.memory_space<hbm>> -> memref<128xf32, #tpu.memory_space<hbm>>
          tpu.enqueue_dma source(%arg21 : memref<128xf32, #tpu.memory_space<vmem>>) target(%dma_start3A_222 : memref<128xf32, #tpu.memory_space<hbm>>) target_semaphore(%run_scoped3A : memref<!tpu.dma_semaphore, #tpu.memory_space<semaphore_mem>>)
          %dma_wait3A_223 = tpu.memref_slice %arg7[%add3A_210] : memref<4096xf32, #tpu.memory_space<hbm>> -> memref<128xf32, #tpu.memory_space<hbm>>
          %dma_wait3A_224 = tpu.memref_slice %arg7[%add3A_210] : memref<4096xf32, #tpu.memory_space<hbm>> -> memref<128xf32, #tpu.memory_space<hbm>>
          tpu.wait_dma2 semaphore(%run_scoped3A : memref<!tpu.dma_semaphore, #tpu.memory_space<semaphore_mem>>) src(%arg21 : memref<128xf32, #tpu.memory_space<vmem>>) dst(%dma_wait3A_224 : memref<128xf32, #tpu.memory_space<hbm>>)
          tpu.yield
        }) : () -> ()
      } else {
      }
      %ge3A_216 = arith.constant 4096 : i32
      %ge3A_217 = arith.cmpi sge, %add3A_210, %ge3A_216 : i32
      %convert_element_type3A_218 = arith.extui %ge3A_217 : i1 to i32
      %cond3A_219 = arith.constant 0 : i32
      %cond3A_220 = arith.cmpi ne, %convert_element_type3A_218, %cond3A_219 : i32
      scf.if %cond3A_220 {
        %sub3A = arith.constant 4096 : i32
        %sub3A_221 = arith.subi %add3A_210, %sub3A : i32
        %jit3A = arith.constant 16 : i32
        %div3A = arith.divsi %sub3A_221, %jit3A : i32
        %sign3A = arith.constant 0 : i32
        %sign3A_222 = arith.cmpi sgt, %sub3A_221, %sign3A : i32
        %sign3A_223 = arith.extui %sign3A_222 : i1 to i32
        %sign3A_224 = arith.constant 0 : i32
        %sign3A_225 = arith.cmpi slt, %sub3A_221, %sign3A_224 : i32
        %sign3A_226 = arith.extui %sign3A_225 : i1 to i32
        %sign3A_227 = arith.subi %sign3A_223, %sign3A_226 : i32
        %sign3A_228 = arith.constant 0 : i32
        %sign3A_229 = arith.cmpi sgt, %jit3A, %sign3A_228 : i32
        %sign3A_230 = arith.extui %sign3A_229 : i1 to i32
        %sign3A_231 = arith.constant 0 : i32
        %sign3A_232 = arith.cmpi slt, %jit3A, %sign3A_231 : i32
        %sign3A_233 = arith.extui %sign3A_232 : i1 to i32
        %sign3A_234 = arith.subi %sign3A_230, %sign3A_233 : i32
        %ne3A = arith.cmpi ne, %sign3A_227, %sign3A_234 : i32
        %rem3A = arith.remsi %sub3A_221, %jit3A : i32
        %ne3A_235 = arith.constant 0 : i32
        %ne3A_236 = arith.cmpi ne, %rem3A, %ne3A_235 : i32
        %and3A = arith.andi %ne3A, %ne3A_236 : i1
        %sub3A_237 = arith.constant 1 : i32
        %sub3A_238 = arith.subi %div3A, %sub3A_237 : i32
        %select_n3A = arith.select %and3A, %sub3A_238, %div3A : i32
        %scan3A_239 = arith.constant 0 : i32
        %scan3A_240 = arith.constant 0 : i32
        %scan3A_241 = arith.constant 8 : i32
        %scan3A_242 = arith.addi %scan3A_240, %scan3A_241 : i32
        %scan3A_243 = arith.constant 1 : i32
        %scan3A_244 = scf.for %scan3A_250 = %scan3A_240 to %scan3A_242 step %scan3A_243 iter_args(%scan3A_251 = %scan3A_239) -> (i32)  : i32 {
          %iota3A = tpu.iota {dimensions = array<i32: 0>} : vector<16xi32>
          %mul3A_252 = arith.constant 4096 : i32
          %mul3A_253 = vector.broadcast %mul3A_252 : i32 to vector<16xi32>
          %mul3A_254 = arith.muli %iota3A, %mul3A_253 : vector<16xi32>
          %add3A_255 = arith.addi %select_n3A, %scan3A_250 : i32
          %add3A_256 = vector.broadcast %add3A_255 : i32 to vector<16xi32>
          %add3A_257 = arith.addi %mul3A_254, %add3A_256 : vector<16xi32>
          %mul3A_258 = arith.constant 16 : i32
          %mul3A_259 = arith.muli %scan3A_250, %mul3A_258 : i32
          %swap3A_260 = arith.index_cast %mul3A_259 : i32 to index
          %swap3A_261 = tpu.vector_load %arg13[%swap3A_260] {strides = array<i32>} : memref<128xi32, #tpu.memory_space<vmem>>, vector<16xi32>,
          tpu.vector_store %arg13[%swap3A_260], %add3A_257 {strides = array<i32>} : memref<128xi32, #tpu.memory_space<vmem>>, vector<16xi32>,
          %scan3A_262 = arith.constant 0 : i32
          scf.yield %scan3A_262 : i32
        }
        %scan3A_245 = arith.constant 8 : i32
        %dma_start3A_246 = arith.constant 0 : i32
        %dma_start3A_247 = tpu.memref_slice %arg8[%dma_start3A_246] : memref<65536xf32, #tpu.memory_space<hbm>> -> memref<65536xf32, #tpu.memory_space<hbm>>
        tpu.enqueue_indirect_dma source(%arg21 : memref<128xf32, #tpu.memory_space<vmem>>) target(%dma_start3A_247 : memref<65536xf32, #tpu.memory_space<hbm>>) offsets(%arg13 : memref<128xi32, #tpu.memory_space<vmem>>) semaphore(%arg26 : memref<!tpu.dma_semaphore, #tpu.memory_space<semaphore_mem>>)
        %dma_wait3A_248 = arith.constant 0 : i32
        %dma_wait3A_249 = tpu.memref_slice %arg8[%dma_wait3A_248] : memref<65536xf32, #tpu.memory_space<hbm>> -> memref<65536xf32, #tpu.memory_space<hbm>>
        tpu.wait_indirect_dma semaphore(%arg26 : memref<!tpu.dma_semaphore, #tpu.memory_space<semaphore_mem>>) src(%arg21 : memref<128xf32, #tpu.memory_space<vmem>>) dst(%dma_wait3A_249 : memref<65536xf32, #tpu.memory_space<hbm>>)
      } else {
      }
      scf.yield %scan3A_199 : vector<16xf32>
    }
    %scan3A_22 = arith.constant 8 : i32
    %dma_wait3A = arith.constant 2048 : i32
    %dma_wait3A_23 = tpu.memref_slice %arg10[%dma_wait3A] : memref<2176xi32, #tpu.memory_space<vmem>> -> memref<128xi32, #tpu.memory_space<vmem>>
    %dma_wait3A_24 = arith.constant 0 : i32
    %dma_wait3A_25 = arith.constant 0 : i32
    %dma_wait3A_26 = tpu.memref_slice %arg5[%dma_wait3A_24, %dma_wait3A_25] : memref<100000x128xf32, #tpu.memory_space<hbm>> -> memref<100000x128xf32, #tpu.memory_space<hbm>>
    tpu.wait_indirect_dma semaphore(%arg24 : memref<!tpu.dma_semaphore, #tpu.memory_space<semaphore_mem>>) src(%dma_wait3A_26 : memref<100000x128xf32, #tpu.memory_space<hbm>>) dst(%arg14 : memref<128x128xf32, #tpu.memory_space<vmem>>)
    %dma_wait3A_27 = arith.constant 2048 : i32
    %dma_wait3A_28 = tpu.memref_slice %arg11[%dma_wait3A_27] : memref<2176xi32, #tpu.memory_space<vmem>> -> memref<128xi32, #tpu.memory_space<vmem>>
    %dma_wait3A_29 = arith.constant 0 : i32
    %dma_wait3A_30 = arith.constant 0 : i32
    %dma_wait3A_31 = tpu.memref_slice %arg5[%dma_wait3A_29, %dma_wait3A_30] : memref<100000x128xf32, #tpu.memory_space<hbm>> -> memref<100000x128xf32, #tpu.memory_space<hbm>>
    tpu.wait_indirect_dma semaphore(%arg24 : memref<!tpu.dma_semaphore, #tpu.memory_space<semaphore_mem>>) src(%dma_wait3A_31 : memref<100000x128xf32, #tpu.memory_space<hbm>>) dst(%arg15 : memref<128x128xf32, #tpu.memory_space<vmem>>)
    %dma_wait3A_32 = arith.constant 2048 : i32
    %dma_wait3A_33 = tpu.memref_slice %arg12[%dma_wait3A_32] : memref<2176xi32, #tpu.memory_space<vmem>> -> memref<128xi32, #tpu.memory_space<vmem>>
    %dma_wait3A_34 = arith.constant 0 : i32
    %dma_wait3A_35 = arith.constant 0 : i32
    %dma_wait3A_36 = tpu.memref_slice %arg6[%dma_wait3A_34, %dma_wait3A_35] : memref<1000x128xf32, #tpu.memory_space<hbm>> -> memref<1000x128xf32, #tpu.memory_space<hbm>>
    tpu.wait_indirect_dma semaphore(%arg24 : memref<!tpu.dma_semaphore, #tpu.memory_space<semaphore_mem>>) src(%dma_wait3A_36 : memref<1000x128xf32, #tpu.memory_space<hbm>>) dst(%arg16 : memref<128x128xf32, #tpu.memory_space<vmem>>)
    %scan3A_37 = arith.constant 0 : i32
    %scan3A_38 = arith.constant 128 : i32
    %scan3A_39 = arith.addi %scan3A_37, %scan3A_38 : i32
    %scan3A_40 = arith.constant 1 : i32
    %scan3A_41 = scf.for %scan3A_103 = %scan3A_37 to %scan3A_39 step %scan3A_40 iter_args(%scan3A_104 = %scan3A_21) -> (vector<16xf32>)  : i32 {
      %broadcast_in_dim3A_105 = arith.constant 0.000000e+00 : f32
      %broadcast_in_dim3A_106 = vector.broadcast %broadcast_in_dim3A_105 : f32 to vector<16xf32>
      %get3A = arith.index_cast %scan3A_103 : i32 to index
      %get3A_107 = arith.constant 0 : index
      %get3A_108 = tpu.vector_load %arg14[%get3A, %get3A_107] {strides = array<i32>} : memref<128x128xf32, #tpu.memory_space<vmem>>, vector<16xf32>,
      %get3A_109 = arith.index_cast %scan3A_103 : i32 to index
      %get3A_110 = arith.constant 64 : index
      %get3A_111 = tpu.vector_load %arg14[%get3A_109, %get3A_110] {strides = array<i32>} : memref<128x128xf32, #tpu.memory_space<vmem>>, vector<16xf32>,
      %get3A_112 = arith.index_cast %scan3A_103 : i32 to index
      %get3A_113 = arith.constant 0 : index
      %get3A_114 = tpu.vector_load %arg15[%get3A_112, %get3A_113] {strides = array<i32>} : memref<128x128xf32, #tpu.memory_space<vmem>>, vector<16xf32>,
      %get3A_115 = arith.index_cast %scan3A_103 : i32 to index
      %get3A_116 = arith.constant 64 : index
      %get3A_117 = tpu.vector_load %arg15[%get3A_115, %get3A_116] {strides = array<i32>} : memref<128x128xf32, #tpu.memory_space<vmem>>, vector<16xf32>,
      %get3A_118 = arith.index_cast %scan3A_103 : i32 to index
      %get3A_119 = arith.constant 0 : index
      %get3A_120 = tpu.vector_load %arg16[%get3A_118, %get3A_119] {strides = array<i32>} : memref<128x128xf32, #tpu.memory_space<vmem>>, vector<16xf32>,
      %get3A_121 = arith.index_cast %scan3A_103 : i32 to index
      %get3A_122 = arith.constant 64 : index
      %get3A_123 = tpu.vector_load %arg16[%get3A_121, %get3A_122] {strides = array<i32>} : memref<128x128xf32, #tpu.memory_space<vmem>>, vector<16xf32>,
      %mul3A_124 = arith.mulf %get3A_108, %get3A_108 : vector<16xf32>
      %mul3A_125 = arith.mulf %get3A_111, %get3A_111 : vector<16xf32>
      %add3A_126 = arith.addf %mul3A_124, %mul3A_125 : vector<16xf32>
      %mul3A_127 = arith.mulf %get3A_114, %get3A_114 : vector<16xf32>
      %mul3A_128 = arith.mulf %get3A_117, %get3A_117 : vector<16xf32>
      %add3A_129 = arith.addf %mul3A_127, %mul3A_128 : vector<16xf32>
      %add3A_130 = arith.addf %add3A_126, %add3A_129 : vector<16xf32>
      %mul3A_131 = arith.mulf %get3A_120, %get3A_120 : vector<16xf32>
      %mul3A_132 = arith.mulf %get3A_123, %get3A_123 : vector<16xf32>
      %add3A_133 = arith.addf %mul3A_131, %mul3A_132 : vector<16xf32>
      %add3A_134 = arith.addf %add3A_130, %add3A_133 : vector<16xf32>
      %add3A_135 = arith.addf %scan3A_104, %add3A_134 : vector<16xf32>
      %mul3A_136 = arith.mulf %get3A_108, %get3A_114 : vector<16xf32>
      %mul3A_137 = arith.mulf %get3A_111, %get3A_117 : vector<16xf32>
      %add3A_138 = arith.addf %mul3A_136, %mul3A_137 : vector<16xf32>
      %mul3A_139 = arith.mulf %get3A_108, %get3A_117 : vector<16xf32>
      %mul3A_140 = arith.mulf %get3A_111, %get3A_114 : vector<16xf32>
      %sub3A = arith.subf %mul3A_139, %mul3A_140 : vector<16xf32>
      %mul3A_141 = arith.mulf %add3A_138, %get3A_120 : vector<16xf32>
      %add3A_142 = arith.addf %broadcast_in_dim3A_106, %mul3A_141 : vector<16xf32>
      %mul3A_143 = arith.mulf %sub3A, %get3A_123 : vector<16xf32>
      %add3A_144 = arith.addf %add3A_142, %mul3A_143 : vector<16xf32>
      %get3A_145 = arith.index_cast %scan3A_103 : i32 to index
      %get3A_146 = arith.constant 16 : index
      %get3A_147 = tpu.vector_load %arg14[%get3A_145, %get3A_146] {strides = array<i32>} : memref<128x128xf32, #tpu.memory_space<vmem>>, vector<16xf32>,
      %get3A_148 = arith.index_cast %scan3A_103 : i32 to index
      %get3A_149 = arith.constant 80 : index
      %get3A_150 = tpu.vector_load %arg14[%get3A_148, %get3A_149] {strides = array<i32>} : memref<128x128xf32, #tpu.memory_space<vmem>>, vector<16xf32>,
      %get3A_151 = arith.index_cast %scan3A_103 : i32 to index
      %get3A_152 = arith.constant 16 : index
      %get3A_153 = tpu.vector_load %arg15[%get3A_151, %get3A_152] {strides = array<i32>} : memref<128x128xf32, #tpu.memory_space<vmem>>, vector<16xf32>,
      %get3A_154 = arith.index_cast %scan3A_103 : i32 to index
      %get3A_155 = arith.constant 80 : index
      %get3A_156 = tpu.vector_load %arg15[%get3A_154, %get3A_155] {strides = array<i32>} : memref<128x128xf32, #tpu.memory_space<vmem>>, vector<16xf32>,
      %get3A_157 = arith.index_cast %scan3A_103 : i32 to index
      %get3A_158 = arith.constant 16 : index
      %get3A_159 = tpu.vector_load %arg16[%get3A_157, %get3A_158] {strides = array<i32>} : memref<128x128xf32, #tpu.memory_space<vmem>>, vector<16xf32>,
      %get3A_160 = arith.index_cast %scan3A_103 : i32 to index
      %get3A_161 = arith.constant 80 : index
      %get3A_162 = tpu.vector_load %arg16[%get3A_160, %get3A_161] {strides = array<i32>} : memref<128x128xf32, #tpu.memory_space<vmem>>, vector<16xf32>,
      %mul3A_163 = arith.mulf %get3A_147, %get3A_147 : vector<16xf32>
      %mul3A_164 = arith.mulf %get3A_150, %get3A_150 : vector<16xf32>
      %add3A_165 = arith.addf %mul3A_163, %mul3A_164 : vector<16xf32>
      %mul3A_166 = arith.mulf %get3A_153, %get3A_153 : vector<16xf32>
      %mul3A_167 = arith.mulf %get3A_156, %get3A_156 : vector<16xf32>
      %add3A_168 = arith.addf %mul3A_166, %mul3A_167 : vector<16xf32>
      %add3A_169 = arith.addf %add3A_165, %add3A_168 : vector<16xf32>
      %mul3A_170 = arith.mulf %get3A_159, %get3A_159 : vector<16xf32>
      %mul3A_171 = arith.mulf %get3A_162, %get3A_162 : vector<16xf32>
      %add3A_172 = arith.addf %mul3A_170, %mul3A_171 : vector<16xf32>
      %add3A_173 = arith.addf %add3A_169, %add3A_172 : vector<16xf32>
      %add3A_174 = arith.addf %add3A_135, %add3A_173 : vector<16xf32>
      %mul3A_175 = arith.mulf %get3A_147, %get3A_153 : vector<16xf32>
      %mul3A_176 = arith.mulf %get3A_150, %get3A_156 : vector<16xf32>
      %add3A_177 = arith.addf %mul3A_175, %mul3A_176 : vector<16xf32>
      %mul3A_178 = arith.mulf %get3A_147, %get3A_156 : vector<16xf32>
      %mul3A_179 = arith.mulf %get3A_150, %get3A_153 : vector<16xf32>
      %sub3A_180 = arith.subf %mul3A_178, %mul3A_179 : vector<16xf32>
      %mul3A_181 = arith.mulf %add3A_177, %get3A_159 : vector<16xf32>
      %add3A_182 = arith.addf %add3A_144, %mul3A_181 : vector<16xf32>
      %mul3A_183 = arith.mulf %sub3A_180, %get3A_162 : vector<16xf32>
      %add3A_184 = arith.addf %add3A_182, %mul3A_183 : vector<16xf32>
      %get3A_185 = arith.index_cast %scan3A_103 : i32 to index
      %get3A_186 = arith.constant 32 : index
      %get3A_187 = tpu.vector_load %arg14[%get3A_185, %get3A_186] {strides = array<i32>} : memref<128x128xf32, #tpu.memory_space<vmem>>, vector<16xf32>,
      %get3A_188 = arith.index_cast %scan3A_103 : i32 to index
      %get3A_189 = arith.constant 96 : index
      %get3A_190 = tpu.vector_load %arg14[%get3A_188, %get3A_189] {strides = array<i32>} : memref<128x128xf32, #tpu.memory_space<vmem>>, vector<16xf32>,
      %get3A_191 = arith.index_cast %scan3A_103 : i32 to index
      %get3A_192 = arith.constant 32 : index
      %get3A_193 = tpu.vector_load %arg15[%get3A_191, %get3A_192] {strides = array<i32>} : memref<128x128xf32, #tpu.memory_space<vmem>>, vector<16xf32>,
      %get3A_194 = arith.index_cast %scan3A_103 : i32 to index
      %get3A_195 = arith.constant 96 : index
      %get3A_196 = tpu.vector_load %arg15[%get3A_194, %get3A_195] {strides = array<i32>} : memref<128x128xf32, #tpu.memory_space<vmem>>, vector<16xf32>,
      %get3A_197 = arith.index_cast %scan3A_103 : i32 to index
      %get3A_198 = arith.constant 32 : index
      %get3A_199 = tpu.vector_load %arg16[%get3A_197, %get3A_198] {strides = array<i32>} : memref<128x128xf32, #tpu.memory_space<vmem>>, vector<16xf32>,
      %get3A_200 = arith.index_cast %scan3A_103 : i32 to index
      %get3A_201 = arith.constant 96 : index
      %get3A_202 = tpu.vector_load %arg16[%get3A_200, %get3A_201] {strides = array<i32>} : memref<128x128xf32, #tpu.memory_space<vmem>>, vector<16xf32>,
      %mul3A_203 = arith.mulf %get3A_187, %get3A_187 : vector<16xf32>
      %mul3A_204 = arith.mulf %get3A_190, %get3A_190 : vector<16xf32>
      %add3A_205 = arith.addf %mul3A_203, %mul3A_204 : vector<16xf32>
      %mul3A_206 = arith.mulf %get3A_193, %get3A_193 : vector<16xf32>
      %mul3A_207 = arith.mulf %get3A_196, %get3A_196 : vector<16xf32>
      %add3A_208 = arith.addf %mul3A_206, %mul3A_207 : vector<16xf32>
      %add3A_209 = arith.addf %add3A_205, %add3A_208 : vector<16xf32>
      %mul3A_210 = arith.mulf %get3A_199, %get3A_199 : vector<16xf32>
      %mul3A_211 = arith.mulf %get3A_202, %get3A_202 : vector<16xf32>
      %add3A_212 = arith.addf %mul3A_210, %mul3A_211 : vector<16xf32>
      %add3A_213 = arith.addf %add3A_209, %add3A_212 : vector<16xf32>
      %add3A_214 = arith.addf %add3A_174, %add3A_213 : vector<16xf32>
      %mul3A_215 = arith.mulf %get3A_187, %get3A_193 : vector<16xf32>
      %mul3A_216 = arith.mulf %get3A_190, %get3A_196 : vector<16xf32>
      %add3A_217 = arith.addf %mul3A_215, %mul3A_216 : vector<16xf32>
      %mul3A_218 = arith.mulf %get3A_187, %get3A_196 : vector<16xf32>
      %mul3A_219 = arith.mulf %get3A_190, %get3A_193 : vector<16xf32>
      %sub3A_220 = arith.subf %mul3A_218, %mul3A_219 : vector<16xf32>
      %mul3A_221 = arith.mulf %add3A_217, %get3A_199 : vector<16xf32>
      %add3A_222 = arith.addf %add3A_184, %mul3A_221 : vector<16xf32>
      %mul3A_223 = arith.mulf %sub3A_220, %get3A_202 : vector<16xf32>
      %add3A_224 = arith.addf %add3A_222, %mul3A_223 : vector<16xf32>
      %get3A_225 = arith.index_cast %scan3A_103 : i32 to index
      %get3A_226 = arith.constant 48 : index
      %get3A_227 = tpu.vector_load %arg14[%get3A_225, %get3A_226] {strides = array<i32>} : memref<128x128xf32, #tpu.memory_space<vmem>>, vector<16xf32>,
      %get3A_228 = arith.index_cast %scan3A_103 : i32 to index
      %get3A_229 = arith.constant 112 : index
      %get3A_230 = tpu.vector_load %arg14[%get3A_228, %get3A_229] {strides = array<i32>} : memref<128x128xf32, #tpu.memory_space<vmem>>, vector<16xf32>,
      %get3A_231 = arith.index_cast %scan3A_103 : i32 to index
      %get3A_232 = arith.constant 48 : index
      %get3A_233 = tpu.vector_load %arg15[%get3A_231, %get3A_232] {strides = array<i32>} : memref<128x128xf32, #tpu.memory_space<vmem>>, vector<16xf32>,
      %get3A_234 = arith.index_cast %scan3A_103 : i32 to index
      %get3A_235 = arith.constant 112 : index
      %get3A_236 = tpu.vector_load %arg15[%get3A_234, %get3A_235] {strides = array<i32>} : memref<128x128xf32, #tpu.memory_space<vmem>>, vector<16xf32>,
      %get3A_237 = arith.index_cast %scan3A_103 : i32 to index
      %get3A_238 = arith.constant 48 : index
      %get3A_239 = tpu.vector_load %arg16[%get3A_237, %get3A_238] {strides = array<i32>} : memref<128x128xf32, #tpu.memory_space<vmem>>, vector<16xf32>,
      %get3A_240 = arith.index_cast %scan3A_103 : i32 to index
      %get3A_241 = arith.constant 112 : index
      %get3A_242 = tpu.vector_load %arg16[%get3A_240, %get3A_241] {strides = array<i32>} : memref<128x128xf32, #tpu.memory_space<vmem>>, vector<16xf32>,
      %mul3A_243 = arith.mulf %get3A_227, %get3A_227 : vector<16xf32>
      %mul3A_244 = arith.mulf %get3A_230, %get3A_230 : vector<16xf32>
      %add3A_245 = arith.addf %mul3A_243, %mul3A_244 : vector<16xf32>
      %mul3A_246 = arith.mulf %get3A_233, %get3A_233 : vector<16xf32>
      %mul3A_247 = arith.mulf %get3A_236, %get3A_236 : vector<16xf32>
      %add3A_248 = arith.addf %mul3A_246, %mul3A_247 : vector<16xf32>
      %add3A_249 = arith.addf %add3A_245, %add3A_248 : vector<16xf32>
      %mul3A_250 = arith.mulf %get3A_239, %get3A_239 : vector<16xf32>
      %mul3A_251 = arith.mulf %get3A_242, %get3A_242 : vector<16xf32>
      %add3A_252 = arith.addf %mul3A_250, %mul3A_251 : vector<16xf32>
      %add3A_253 = arith.addf %add3A_249, %add3A_252 : vector<16xf32>
      %add3A_254 = arith.addf %add3A_214, %add3A_253 : vector<16xf32>
      %mul3A_255 = arith.mulf %get3A_227, %get3A_233 : vector<16xf32>
      %mul3A_256 = arith.mulf %get3A_230, %get3A_236 : vector<16xf32>
      %add3A_257 = arith.addf %mul3A_255, %mul3A_256 : vector<16xf32>
      %mul3A_258 = arith.mulf %get3A_227, %get3A_236 : vector<16xf32>
      %mul3A_259 = arith.mulf %get3A_230, %get3A_233 : vector<16xf32>
      %sub3A_260 = arith.subf %mul3A_258, %mul3A_259 : vector<16xf32>
      %mul3A_261 = arith.mulf %add3A_257, %get3A_239 : vector<16xf32>
      %add3A_262 = arith.addf %add3A_224, %mul3A_261 : vector<16xf32>
      %mul3A_263 = arith.mulf %sub3A_260, %get3A_242 : vector<16xf32>
      %add3A_264 = arith.addf %add3A_262, %mul3A_263 : vector<16xf32>
      %swap3A_265 = arith.index_cast %scan3A_103 : i32 to index
      %swap3A_266 = arith.constant 0 : index
      %swap3A_267 = tpu.vector_load %arg23[%swap3A_265, %swap3A_266] {strides = array<i32>} : memref<128x17xf32, #tpu.memory_space<vmem>>, vector<16xf32>,
      tpu.vector_store %arg23[%swap3A_265, %swap3A_266], %add3A_264 {strides = array<i32>} : memref<128x17xf32, #tpu.memory_space<vmem>>, vector<16xf32>,
      scf.yield %add3A_254 : vector<16xf32>
    }
    %scan3A_42 = arith.constant 128 : i32
    %scan3A_43 = arith.constant 0 : i32
    %scan3A_44 = arith.constant 0 : i32
    %scan3A_45 = arith.constant 8 : i32
    %scan3A_46 = arith.addi %scan3A_44, %scan3A_45 : i32
    %scan3A_47 = arith.constant 1 : i32
    %scan3A_48 = scf.for %scan3A_103 = %scan3A_44 to %scan3A_46 step %scan3A_47 iter_args(%scan3A_104 = %scan3A_43) -> (i32)  : i32 {
      %mul3A_105 = arith.constant 16 : i32
      %mul3A_106 = arith.muli %scan3A_103, %mul3A_105 : i32
      %iota3A = tpu.iota {dimensions = array<i32: 0>} : vector<16xi32>
      %add3A_107 = vector.broadcast %mul3A_106 : i32 to vector<16xi32>
      %add3A_108 = arith.addi %add3A_107, %iota3A : vector<16xi32>
      %broadcast_in_dim3A_109 = arith.constant 0 : i32
      %broadcast_in_dim3A_110 = vector.broadcast %broadcast_in_dim3A_109 : i32 to vector<16xi32>
      %broadcast_in_dim3A_111 = arith.constant 0.000000e+00 : f32
      %broadcast_in_dim3A_112 = vector.broadcast %broadcast_in_dim3A_111 : f32 to vector<16xf32>
      %broadcast_in_dim3A_113 = arith.constant 0.000000e+00 : f32
      %broadcast_in_dim3A_114 = vector.broadcast %broadcast_in_dim3A_113 : f32 to vector<16xf32>
      %gather3A = tpu.vector_load_idx %arg23[%add3A_108, %broadcast_in_dim3A_110] : memref<128x17xf32, #tpu.memory_space<vmem>>[vector<16xi32>, vector<16xi32>], vector<16xf32>,
      %add3A_115 = arith.addf %broadcast_in_dim3A_112, %gather3A : vector<16xf32>
      %add3A_116 = arith.constant 1 : i32
      %add3A_117 = vector.broadcast %add3A_116 : i32 to vector<16xi32>
      %add3A_118 = arith.addi %broadcast_in_dim3A_110, %add3A_117 : vector<16xi32>
      %gather3A_119 = tpu.vector_load_idx %arg23[%add3A_108, %add3A_118] : memref<128x17xf32, #tpu.memory_space<vmem>>[vector<16xi32>, vector<16xi32>], vector<16xf32>,
      %add3A_120 = arith.addf %broadcast_in_dim3A_114, %gather3A_119 : vector<16xf32>
      %add3A_121 = arith.constant 1 : i32
      %add3A_122 = vector.broadcast %add3A_121 : i32 to vector<16xi32>
      %add3A_123 = arith.addi %add3A_118, %add3A_122 : vector<16xi32>
      %gather3A_124 = tpu.vector_load_idx %arg23[%add3A_108, %add3A_123] : memref<128x17xf32, #tpu.memory_space<vmem>>[vector<16xi32>, vector<16xi32>], vector<16xf32>,
      %add3A_125 = arith.addf %add3A_115, %gather3A_124 : vector<16xf32>
      %add3A_126 = arith.constant 1 : i32
      %add3A_127 = vector.broadcast %add3A_126 : i32 to vector<16xi32>
      %add3A_128 = arith.addi %add3A_123, %add3A_127 : vector<16xi32>
      %gather3A_129 = tpu.vector_load_idx %arg23[%add3A_108, %add3A_128] : memref<128x17xf32, #tpu.memory_space<vmem>>[vector<16xi32>, vector<16xi32>], vector<16xf32>,
      %add3A_130 = arith.addf %add3A_120, %gather3A_129 : vector<16xf32>
      %add3A_131 = arith.constant 1 : i32
      %add3A_132 = vector.broadcast %add3A_131 : i32 to vector<16xi32>
      %add3A_133 = arith.addi %add3A_128, %add3A_132 : vector<16xi32>
      %gather3A_134 = tpu.vector_load_idx %arg23[%add3A_108, %add3A_133] : memref<128x17xf32, #tpu.memory_space<vmem>>[vector<16xi32>, vector<16xi32>], vector<16xf32>,
      %add3A_135 = arith.addf %add3A_125, %gather3A_134 : vector<16xf32>
      %add3A_136 = arith.constant 1 : i32
      %add3A_137 = vector.broadcast %add3A_136 : i32 to vector<16xi32>
      %add3A_138 = arith.addi %add3A_133, %add3A_137 : vector<16xi32>
      %gather3A_139 = tpu.vector_load_idx %arg23[%add3A_108, %add3A_138] : memref<128x17xf32, #tpu.memory_space<vmem>>[vector<16xi32>, vector<16xi32>], vector<16xf32>,
      %add3A_140 = arith.addf %add3A_130, %gather3A_139 : vector<16xf32>
      %add3A_141 = arith.constant 1 : i32
      %add3A_142 = vector.broadcast %add3A_141 : i32 to vector<16xi32>
      %add3A_143 = arith.addi %add3A_138, %add3A_142 : vector<16xi32>
      %gather3A_144 = tpu.vector_load_idx %arg23[%add3A_108, %add3A_143] : memref<128x17xf32, #tpu.memory_space<vmem>>[vector<16xi32>, vector<16xi32>], vector<16xf32>,
      %add3A_145 = arith.addf %add3A_135, %gather3A_144 : vector<16xf32>
      %add3A_146 = arith.constant 1 : i32
      %add3A_147 = vector.broadcast %add3A_146 : i32 to vector<16xi32>
      %add3A_148 = arith.addi %add3A_143, %add3A_147 : vector<16xi32>
      %gather3A_149 = tpu.vector_load_idx %arg23[%add3A_108, %add3A_148] : memref<128x17xf32, #tpu.memory_space<vmem>>[vector<16xi32>, vector<16xi32>], vector<16xf32>,
      %add3A_150 = arith.addf %add3A_140, %gather3A_149 : vector<16xf32>
      %add3A_151 = arith.constant 1 : i32
      %add3A_152 = vector.broadcast %add3A_151 : i32 to vector<16xi32>
      %add3A_153 = arith.addi %add3A_148, %add3A_152 : vector<16xi32>
      %gather3A_154 = tpu.vector_load_idx %arg23[%add3A_108, %add3A_153] : memref<128x17xf32, #tpu.memory_space<vmem>>[vector<16xi32>, vector<16xi32>], vector<16xf32>,
      %add3A_155 = arith.addf %add3A_145, %gather3A_154 : vector<16xf32>
      %add3A_156 = arith.constant 1 : i32
      %add3A_157 = vector.broadcast %add3A_156 : i32 to vector<16xi32>
      %add3A_158 = arith.addi %add3A_153, %add3A_157 : vector<16xi32>
      %gather3A_159 = tpu.vector_load_idx %arg23[%add3A_108, %add3A_158] : memref<128x17xf32, #tpu.memory_space<vmem>>[vector<16xi32>, vector<16xi32>], vector<16xf32>,
      %add3A_160 = arith.addf %add3A_150, %gather3A_159 : vector<16xf32>
      %add3A_161 = arith.constant 1 : i32
      %add3A_162 = vector.broadcast %add3A_161 : i32 to vector<16xi32>
      %add3A_163 = arith.addi %add3A_158, %add3A_162 : vector<16xi32>
      %gather3A_164 = tpu.vector_load_idx %arg23[%add3A_108, %add3A_163] : memref<128x17xf32, #tpu.memory_space<vmem>>[vector<16xi32>, vector<16xi32>], vector<16xf32>,
      %add3A_165 = arith.addf %add3A_155, %gather3A_164 : vector<16xf32>
      %add3A_166 = arith.constant 1 : i32
      %add3A_167 = vector.broadcast %add3A_166 : i32 to vector<16xi32>
      %add3A_168 = arith.addi %add3A_163, %add3A_167 : vector<16xi32>
      %gather3A_169 = tpu.vector_load_idx %arg23[%add3A_108, %add3A_168] : memref<128x17xf32, #tpu.memory_space<vmem>>[vector<16xi32>, vector<16xi32>], vector<16xf32>,
      %add3A_170 = arith.addf %add3A_160, %gather3A_169 : vector<16xf32>
      %add3A_171 = arith.constant 1 : i32
      %add3A_172 = vector.broadcast %add3A_171 : i32 to vector<16xi32>
      %add3A_173 = arith.addi %add3A_168, %add3A_172 : vector<16xi32>
      %gather3A_174 = tpu.vector_load_idx %arg23[%add3A_108, %add3A_173] : memref<128x17xf32, #tpu.memory_space<vmem>>[vector<16xi32>, vector<16xi32>], vector<16xf32>,
      %add3A_175 = arith.addf %add3A_165, %gather3A_174 : vector<16xf32>
      %add3A_176 = arith.constant 1 : i32
      %add3A_177 = vector.broadcast %add3A_176 : i32 to vector<16xi32>
      %add3A_178 = arith.addi %add3A_173, %add3A_177 : vector<16xi32>
      %gather3A_179 = tpu.vector_load_idx %arg23[%add3A_108, %add3A_178] : memref<128x17xf32, #tpu.memory_space<vmem>>[vector<16xi32>, vector<16xi32>], vector<16xf32>,
      %add3A_180 = arith.addf %add3A_170, %gather3A_179 : vector<16xf32>
      %add3A_181 = arith.constant 1 : i32
      %add3A_182 = vector.broadcast %add3A_181 : i32 to vector<16xi32>
      %add3A_183 = arith.addi %add3A_178, %add3A_182 : vector<16xi32>
      %gather3A_184 = tpu.vector_load_idx %arg23[%add3A_108, %add3A_183] : memref<128x17xf32, #tpu.memory_space<vmem>>[vector<16xi32>, vector<16xi32>], vector<16xf32>,
      %add3A_185 = arith.addf %add3A_175, %gather3A_184 : vector<16xf32>
      %add3A_186 = arith.constant 1 : i32
      %add3A_187 = vector.broadcast %add3A_186 : i32 to vector<16xi32>
      %add3A_188 = arith.addi %add3A_183, %add3A_187 : vector<16xi32>
      %gather3A_189 = tpu.vector_load_idx %arg23[%add3A_108, %add3A_188] : memref<128x17xf32, #tpu.memory_space<vmem>>[vector<16xi32>, vector<16xi32>], vector<16xf32>,
      %add3A_190 = arith.addf %add3A_180, %gather3A_189 : vector<16xf32>
      %add3A_191 = arith.constant 1 : i32
      %add3A_192 = vector.broadcast %add3A_191 : i32 to vector<16xi32>
      %add3A_193 = arith.addi %add3A_188, %add3A_192 : vector<16xi32>
      %add3A_194 = arith.addf %add3A_185, %add3A_190 : vector<16xf32>
      %mul3A_195 = arith.constant 16 : i32
      %mul3A_196 = arith.muli %scan3A_103, %mul3A_195 : i32
      %swap3A_197 = arith.index_cast %mul3A_196 : i32 to index
      %swap3A_198 = tpu.vector_load %arg20[%swap3A_197] {strides = array<i32>} : memref<128xf32, #tpu.memory_space<vmem>>, vector<16xf32>,
      tpu.vector_store %arg20[%swap3A_197], %add3A_194 {strides = array<i32>} : memref<128xf32, #tpu.memory_space<vmem>>, vector<16xf32>,
      %scan3A_199 = arith.constant 0 : i32
      scf.yield %scan3A_199 : i32
    }
    %scan3A_49 = arith.constant 8 : i32
    %add3A_50 = arith.constant 2048 : i32
    %add3A_51 = arith.addi %mul3A_2, %add3A_50 : i32
    %lt3A = arith.constant 4096 : i32
    %lt3A_52 = arith.cmpi slt, %add3A_51, %lt3A : i32
    %convert_element_type3A = arith.extui %lt3A_52 : i1 to i32
    %cond3A = arith.constant 0 : i32
    %cond3A_53 = arith.cmpi ne, %convert_element_type3A, %cond3A : i32
    scf.if %cond3A_53 {
      "tpu.region"() ({
        %run_scoped3A = tpu.sem_alloc : memref<!tpu.dma_semaphore, #tpu.memory_space<semaphore_mem>>
        %dma_start3A_103 = tpu.memref_slice %arg7[%add3A_51] : memref<4096xf32, #tpu.memory_space<hbm>> -> memref<128xf32, #tpu.memory_space<hbm>>
        %dma_start3A_104 = tpu.memref_slice %arg7[%add3A_51] : memref<4096xf32, #tpu.memory_space<hbm>> -> memref<128xf32, #tpu.memory_space<hbm>>
        tpu.enqueue_dma source(%arg20 : memref<128xf32, #tpu.memory_space<vmem>>) target(%dma_start3A_104 : memref<128xf32, #tpu.memory_space<hbm>>) target_semaphore(%run_scoped3A : memref<!tpu.dma_semaphore, #tpu.memory_space<semaphore_mem>>)
        %dma_wait3A_105 = tpu.memref_slice %arg7[%add3A_51] : memref<4096xf32, #tpu.memory_space<hbm>> -> memref<128xf32, #tpu.memory_space<hbm>>
        %dma_wait3A_106 = tpu.memref_slice %arg7[%add3A_51] : memref<4096xf32, #tpu.memory_space<hbm>> -> memref<128xf32, #tpu.memory_space<hbm>>
        tpu.wait_dma2 semaphore(%run_scoped3A : memref<!tpu.dma_semaphore, #tpu.memory_space<semaphore_mem>>) src(%arg20 : memref<128xf32, #tpu.memory_space<vmem>>) dst(%dma_wait3A_106 : memref<128xf32, #tpu.memory_space<hbm>>)
        tpu.yield
      }) : () -> ()
    } else {
    }
    %ge3A = arith.constant 4096 : i32
    %ge3A_54 = arith.cmpi sge, %add3A_51, %ge3A : i32
    %convert_element_type3A_55 = arith.extui %ge3A_54 : i1 to i32
    %cond3A_56 = arith.constant 0 : i32
    %cond3A_57 = arith.cmpi ne, %convert_element_type3A_55, %cond3A_56 : i32
    scf.if %cond3A_57 {
      %sub3A = arith.constant 4096 : i32
      %sub3A_103 = arith.subi %add3A_51, %sub3A : i32
      %jit3A = arith.constant 16 : i32
      %div3A = arith.divsi %sub3A_103, %jit3A : i32
      %sign3A = arith.constant 0 : i32
      %sign3A_104 = arith.cmpi sgt, %sub3A_103, %sign3A : i32
      %sign3A_105 = arith.extui %sign3A_104 : i1 to i32
      %sign3A_106 = arith.constant 0 : i32
      %sign3A_107 = arith.cmpi slt, %sub3A_103, %sign3A_106 : i32
      %sign3A_108 = arith.extui %sign3A_107 : i1 to i32
      %sign3A_109 = arith.subi %sign3A_105, %sign3A_108 : i32
      %sign3A_110 = arith.constant 0 : i32
      %sign3A_111 = arith.cmpi sgt, %jit3A, %sign3A_110 : i32
      %sign3A_112 = arith.extui %sign3A_111 : i1 to i32
      %sign3A_113 = arith.constant 0 : i32
      %sign3A_114 = arith.cmpi slt, %jit3A, %sign3A_113 : i32
      %sign3A_115 = arith.extui %sign3A_114 : i1 to i32
      %sign3A_116 = arith.subi %sign3A_112, %sign3A_115 : i32
      %ne3A = arith.cmpi ne, %sign3A_109, %sign3A_116 : i32
      %rem3A = arith.remsi %sub3A_103, %jit3A : i32
      %ne3A_117 = arith.constant 0 : i32
      %ne3A_118 = arith.cmpi ne, %rem3A, %ne3A_117 : i32
      %and3A = arith.andi %ne3A, %ne3A_118 : i1
      %sub3A_119 = arith.constant 1 : i32
      %sub3A_120 = arith.subi %div3A, %sub3A_119 : i32
      %select_n3A = arith.select %and3A, %sub3A_120, %div3A : i32
      %scan3A_121 = arith.constant 0 : i32
      %scan3A_122 = arith.constant 0 : i32
      %scan3A_123 = arith.constant 8 : i32
      %scan3A_124 = arith.addi %scan3A_122, %scan3A_123 : i32
      %scan3A_125 = arith.constant 1 : i32
      %scan3A_126 = scf.for %scan3A_132 = %scan3A_122 to %scan3A_124 step %scan3A_125 iter_args(%scan3A_133 = %scan3A_121) -> (i32)  : i32 {
        %iota3A = tpu.iota {dimensions = array<i32: 0>} : vector<16xi32>
        %mul3A_134 = arith.constant 4096 : i32
        %mul3A_135 = vector.broadcast %mul3A_134 : i32 to vector<16xi32>
        %mul3A_136 = arith.muli %iota3A, %mul3A_135 : vector<16xi32>
        %add3A_137 = arith.addi %select_n3A, %scan3A_132 : i32
        %add3A_138 = vector.broadcast %add3A_137 : i32 to vector<16xi32>
        %add3A_139 = arith.addi %mul3A_136, %add3A_138 : vector<16xi32>
        %mul3A_140 = arith.constant 16 : i32
        %mul3A_141 = arith.muli %scan3A_132, %mul3A_140 : i32
        %swap3A_142 = arith.index_cast %mul3A_141 : i32 to index
        %swap3A_143 = tpu.vector_load %arg13[%swap3A_142] {strides = array<i32>} : memref<128xi32, #tpu.memory_space<vmem>>, vector<16xi32>,
        tpu.vector_store %arg13[%swap3A_142], %add3A_139 {strides = array<i32>} : memref<128xi32, #tpu.memory_space<vmem>>, vector<16xi32>,
        %scan3A_144 = arith.constant 0 : i32
        scf.yield %scan3A_144 : i32
      }
      %scan3A_127 = arith.constant 8 : i32
      %dma_start3A_128 = arith.constant 0 : i32
      %dma_start3A_129 = tpu.memref_slice %arg8[%dma_start3A_128] : memref<65536xf32, #tpu.memory_space<hbm>> -> memref<65536xf32, #tpu.memory_space<hbm>>
      tpu.enqueue_indirect_dma source(%arg20 : memref<128xf32, #tpu.memory_space<vmem>>) target(%dma_start3A_129 : memref<65536xf32, #tpu.memory_space<hbm>>) offsets(%arg13 : memref<128xi32, #tpu.memory_space<vmem>>) semaphore(%arg26 : memref<!tpu.dma_semaphore, #tpu.memory_space<semaphore_mem>>)
      %dma_wait3A_130 = arith.constant 0 : i32
      %dma_wait3A_131 = tpu.memref_slice %arg8[%dma_wait3A_130] : memref<65536xf32, #tpu.memory_space<hbm>> -> memref<65536xf32, #tpu.memory_space<hbm>>
      tpu.wait_indirect_dma semaphore(%arg26 : memref<!tpu.dma_semaphore, #tpu.memory_space<semaphore_mem>>) src(%arg20 : memref<128xf32, #tpu.memory_space<vmem>>) dst(%dma_wait3A_131 : memref<65536xf32, #tpu.memory_space<hbm>>)
    } else {
    }
    %swap3A = arith.constant 0 : i32
    %swap3A_58 = arith.index_cast %swap3A : i32 to index
    %swap3A_59 = arith.constant 0 : index
    %swap3A_60 = tpu.vector_load %arg22[%swap3A_58, %swap3A_59] {strides = array<i32>} : memref<8x16xf32, #tpu.memory_space<vmem>>, vector<16xf32>,
    tpu.vector_store %arg22[%swap3A_58, %swap3A_59], %scan3A_41 {strides = array<i32>} : memref<8x16xf32, #tpu.memory_space<vmem>>, vector<16xf32>,
    %broadcast_in_dim3A_61 = arith.constant 0.000000e+00 : f32
    %broadcast_in_dim3A_62 = vector.broadcast %broadcast_in_dim3A_61 : f32 to vector<16xf32>
    %swap3A_63 = arith.constant 1 : i32
    %swap3A_64 = arith.index_cast %swap3A_63 : i32 to index
    %swap3A_65 = arith.constant 0 : index
    %swap3A_66 = tpu.vector_load %arg22[%swap3A_64, %swap3A_65] {strides = array<i32>} : memref<8x16xf32, #tpu.memory_space<vmem>>, vector<16xf32>,
    tpu.vector_store %arg22[%swap3A_64, %swap3A_65], %broadcast_in_dim3A_62 {strides = array<i32>} : memref<8x16xf32, #tpu.memory_space<vmem>>, vector<16xf32>,
    %broadcast_in_dim3A_67 = arith.constant 0.000000e+00 : f32
    %broadcast_in_dim3A_68 = vector.broadcast %broadcast_in_dim3A_67 : f32 to vector<16xf32>
    %swap3A_69 = arith.constant 2 : i32
    %swap3A_70 = arith.index_cast %swap3A_69 : i32 to index
    %swap3A_71 = arith.constant 0 : index
    %swap3A_72 = tpu.vector_load %arg22[%swap3A_70, %swap3A_71] {strides = array<i32>} : memref<8x16xf32, #tpu.memory_space<vmem>>, vector<16xf32>,
    tpu.vector_store %arg22[%swap3A_70, %swap3A_71], %broadcast_in_dim3A_68 {strides = array<i32>} : memref<8x16xf32, #tpu.memory_space<vmem>>, vector<16xf32>,
    %broadcast_in_dim3A_73 = arith.constant 0.000000e+00 : f32
    %broadcast_in_dim3A_74 = vector.broadcast %broadcast_in_dim3A_73 : f32 to vector<16xf32>
    %swap3A_75 = arith.constant 3 : i32
    %swap3A_76 = arith.index_cast %swap3A_75 : i32 to index
    %swap3A_77 = arith.constant 0 : index
    %swap3A_78 = tpu.vector_load %arg22[%swap3A_76, %swap3A_77] {strides = array<i32>} : memref<8x16xf32, #tpu.memory_space<vmem>>, vector<16xf32>,
    tpu.vector_store %arg22[%swap3A_76, %swap3A_77], %broadcast_in_dim3A_74 {strides = array<i32>} : memref<8x16xf32, #tpu.memory_space<vmem>>, vector<16xf32>,
    %broadcast_in_dim3A_79 = arith.constant 0.000000e+00 : f32
    %broadcast_in_dim3A_80 = vector.broadcast %broadcast_in_dim3A_79 : f32 to vector<16xf32>
    %swap3A_81 = arith.constant 4 : i32
    %swap3A_82 = arith.index_cast %swap3A_81 : i32 to index
    %swap3A_83 = arith.constant 0 : index
    %swap3A_84 = tpu.vector_load %arg22[%swap3A_82, %swap3A_83] {strides = array<i32>} : memref<8x16xf32, #tpu.memory_space<vmem>>, vector<16xf32>,
    tpu.vector_store %arg22[%swap3A_82, %swap3A_83], %broadcast_in_dim3A_80 {strides = array<i32>} : memref<8x16xf32, #tpu.memory_space<vmem>>, vector<16xf32>,
    %broadcast_in_dim3A_85 = arith.constant 0.000000e+00 : f32
    %broadcast_in_dim3A_86 = vector.broadcast %broadcast_in_dim3A_85 : f32 to vector<16xf32>
    %swap3A_87 = arith.constant 5 : i32
    %swap3A_88 = arith.index_cast %swap3A_87 : i32 to index
    %swap3A_89 = arith.constant 0 : index
    %swap3A_90 = tpu.vector_load %arg22[%swap3A_88, %swap3A_89] {strides = array<i32>} : memref<8x16xf32, #tpu.memory_space<vmem>>, vector<16xf32>,
    tpu.vector_store %arg22[%swap3A_88, %swap3A_89], %broadcast_in_dim3A_86 {strides = array<i32>} : memref<8x16xf32, #tpu.memory_space<vmem>>, vector<16xf32>,
    %broadcast_in_dim3A_91 = arith.constant 0.000000e+00 : f32
    %broadcast_in_dim3A_92 = vector.broadcast %broadcast_in_dim3A_91 : f32 to vector<16xf32>
    %swap3A_93 = arith.constant 6 : i32
    %swap3A_94 = arith.index_cast %swap3A_93 : i32 to index
    %swap3A_95 = arith.constant 0 : index
    %swap3A_96 = tpu.vector_load %arg22[%swap3A_94, %swap3A_95] {strides = array<i32>} : memref<8x16xf32, #tpu.memory_space<vmem>>, vector<16xf32>,
    tpu.vector_store %arg22[%swap3A_94, %swap3A_95], %broadcast_in_dim3A_92 {strides = array<i32>} : memref<8x16xf32, #tpu.memory_space<vmem>>, vector<16xf32>,
    %broadcast_in_dim3A_97 = arith.constant 0.000000e+00 : f32
    %broadcast_in_dim3A_98 = vector.broadcast %broadcast_in_dim3A_97 : f32 to vector<16xf32>
    %swap3A_99 = arith.constant 7 : i32
    %swap3A_100 = arith.index_cast %swap3A_99 : i32 to index
    %swap3A_101 = arith.constant 0 : index
    %swap3A_102 = tpu.vector_load %arg22[%swap3A_100, %swap3A_101] {strides = array<i32>} : memref<8x16xf32, #tpu.memory_space<vmem>>, vector<16xf32>,
    tpu.vector_store %arg22[%swap3A_100, %swap3A_101], %broadcast_in_dim3A_98 {strides = array<i32>} : memref<8x16xf32, #tpu.memory_space<vmem>>, vector<16xf32>,
    "tpu.region"() ({
      %run_scoped3A = tpu.sem_alloc : memref<!tpu.dma_semaphore, #tpu.memory_space<semaphore_mem>>
      %dma_start3A_103 = arith.constant 0 : i32
      %dma_start3A_104 = arith.constant 0 : i32
      %dma_start3A_105 = tpu.memref_slice %arg9[%add3A, %dma_start3A_103, %dma_start3A_104] : memref<32x8x16xf32, #tpu.memory_space<hbm>> -> memref<1x8x16xf32, #tpu.memory_space<hbm>>
      %dma_start3A_106 = tpu.memref_squeeze %dma_start3A_105 : memref<1x8x16xf32, #tpu.memory_space<hbm>> -> memref<8x16xf32, #tpu.memory_space<hbm>>
      %dma_start3A_107 = arith.constant 0 : i32
      %dma_start3A_108 = arith.constant 0 : i32
      %dma_start3A_109 = tpu.memref_slice %arg9[%add3A, %dma_start3A_107, %dma_start3A_108] : memref<32x8x16xf32, #tpu.memory_space<hbm>> -> memref<1x8x16xf32, #tpu.memory_space<hbm>>
      %dma_start3A_110 = tpu.memref_squeeze %dma_start3A_109 : memref<1x8x16xf32, #tpu.memory_space<hbm>> -> memref<8x16xf32, #tpu.memory_space<hbm>>
      tpu.enqueue_dma source(%arg22 : memref<8x16xf32, #tpu.memory_space<vmem>>) target(%dma_start3A_110 : memref<8x16xf32, #tpu.memory_space<hbm>>) target_semaphore(%run_scoped3A : memref<!tpu.dma_semaphore, #tpu.memory_space<semaphore_mem>>)
      %dma_wait3A_111 = arith.constant 0 : i32
      %dma_wait3A_112 = arith.constant 0 : i32
      %dma_wait3A_113 = tpu.memref_slice %arg9[%add3A, %dma_wait3A_111, %dma_wait3A_112] : memref<32x8x16xf32, #tpu.memory_space<hbm>> -> memref<1x8x16xf32, #tpu.memory_space<hbm>>
      %dma_wait3A_114 = tpu.memref_squeeze %dma_wait3A_113 : memref<1x8x16xf32, #tpu.memory_space<hbm>> -> memref<8x16xf32, #tpu.memory_space<hbm>>
      %dma_wait3A_115 = arith.constant 0 : i32
      %dma_wait3A_116 = arith.constant 0 : i32
      %dma_wait3A_117 = tpu.memref_slice %arg9[%add3A, %dma_wait3A_115, %dma_wait3A_116] : memref<32x8x16xf32, #tpu.memory_space<hbm>> -> memref<1x8x16xf32, #tpu.memory_space<hbm>>
      %dma_wait3A_118 = tpu.memref_squeeze %dma_wait3A_117 : memref<1x8x16xf32, #tpu.memory_space<hbm>> -> memref<8x16xf32, #tpu.memory_space<hbm>>
      tpu.wait_dma2 semaphore(%run_scoped3A : memref<!tpu.dma_semaphore, #tpu.memory_space<semaphore_mem>>) src(%arg22 : memref<8x16xf32, #tpu.memory_space<vmem>>) dst(%dma_wait3A_118 : memref<8x16xf32, #tpu.memory_space<hbm>>)
      tpu.yield
    }) : () -> ()
    return
  }
}

module attributes {stable_mosaic.version = 14 : i64} {
  func.func @_loss_body(%arg0: memref<1x4096xf32, #tpu.memory_space<vmem>>, %arg1: memref<16x4096xf32, #tpu.memory_space<vmem>>, %arg2: memref<32x128xf32, #tpu.memory_space<vmem>>, %arg3: memref<1x1xf32, #tpu.memory_space<vmem>>) attributes {dimension_semantics = [], scalar_prefetch = 0 : i64, scratch_operands = 0 : i64, tpu.core_type = #tpu.core_type<tc>} {
    %get3A = arith.constant 0 : index
    %get3A_0 = arith.constant 0 : index
    %get3A_1 = vector.load %arg0[%get3A, %get3A_0] : memref<1x4096xf32, #tpu.memory_space<vmem>>, vector<1x4096xf32>
    %get3A_2 = arith.constant 0 : index
    %get3A_3 = arith.constant 0 : index
    %get3A_4 = vector.load %arg1[%get3A_2, %get3A_3] : memref<16x4096xf32, #tpu.memory_space<vmem>>, vector<16x4096xf32>
    %reduce_max3A = arith.constant dense<0xFF800000> : vector<4096xf32>
    %reduce_max3A_5 = vector.multi_reduction <maximumf>, %get3A_4, %reduce_max3A [0] : vector<16x4096xf32> to vector<4096xf32>
    %broadcast_in_dim3A = vector.shape_cast %reduce_max3A_5 : vector<4096xf32> to vector<1x4096xf32>
    %sub3A = vector.broadcast %broadcast_in_dim3A : vector<1x4096xf32> to vector<16x4096xf32>
    %sub3A_6 = arith.subf %get3A_4, %sub3A : vector<16x4096xf32>
    %exp3A = math.exp %sub3A_6 : vector<16x4096xf32>
    %reduce_sum3A = arith.constant dense<0.000000e+00> : vector<4096xf32>
    %reduce_sum3A_7 = vector.multi_reduction <add>, %exp3A, %reduce_sum3A [0] : vector<16x4096xf32> to vector<4096xf32>
    %broadcast_in_dim3A_8 = vector.shape_cast %reduce_sum3A_7 : vector<4096xf32> to vector<1x4096xf32>
    %log3A = math.log %broadcast_in_dim3A_8 : vector<1x4096xf32>
    %add3A = arith.addf %broadcast_in_dim3A, %log3A : vector<1x4096xf32>
    %max3A = arith.maximumf %get3A_1, %add3A : vector<1x4096xf32>
    %sub3A_9 = arith.subf %get3A_1, %max3A : vector<1x4096xf32>
    %exp3A_10 = math.exp %sub3A_9 : vector<1x4096xf32>
    %sub3A_11 = arith.subf %add3A, %max3A : vector<1x4096xf32>
    %exp3A_12 = math.exp %sub3A_11 : vector<1x4096xf32>
    %add3A_13 = arith.addf %exp3A_10, %exp3A_12 : vector<1x4096xf32>
    %log3A_14 = math.log %add3A_13 : vector<1x4096xf32>
    %add3A_15 = arith.addf %max3A, %log3A_14 : vector<1x4096xf32>
    %sub3A_16 = arith.subf %get3A_1, %add3A_15 : vector<1x4096xf32>
    %reduce_sum3A_17 = vector.shape_cast %sub3A_16 : vector<1x4096xf32> to vector<1x1x4096xf32>
    %reduce_sum3A_18 = arith.constant dense<0.000000e+00> : vector<1xf32>
    %reduce_sum3A_19 = vector.multi_reduction <add>, %reduce_sum3A_17, %reduce_sum3A_18 [1, 2] : vector<1x1x4096xf32> to vector<1xf32>
    %reduce_sum3A_20 = vector.shape_cast %reduce_sum3A_19 : vector<1xf32> to vector<1x1x1xf32>
    %reduce_sum3A_21 = vector.extract %reduce_sum3A_20[0, 0, 0] : f32 from vector<1x1x1xf32>
    %neg3A = arith.constant 0.000000e+00 : f32
    %neg3A_22 = arith.subf %neg3A, %reduce_sum3A_21 : f32
    %get3A_23 = arith.constant 0 : index
    %get3A_24 = arith.constant 0 : index
    %get3A_25 = vector.load %arg2[%get3A_23, %get3A_24] : memref<32x128xf32, #tpu.memory_space<vmem>>, vector<32x128xf32>
    %reduce_sum3A_26 = vector.shape_cast %get3A_25 : vector<32x128xf32> to vector<1x32x128xf32>
    %reduce_sum3A_27 = arith.constant dense<0.000000e+00> : vector<1xf32>
    %reduce_sum3A_28 = vector.multi_reduction <add>, %reduce_sum3A_26, %reduce_sum3A_27 [1, 2] : vector<1x32x128xf32> to vector<1xf32>
    %reduce_sum3A_29 = vector.shape_cast %reduce_sum3A_28 : vector<1xf32> to vector<1x1x1xf32>
    %reduce_sum3A_30 = vector.extract %reduce_sum3A_29[0, 0, 0] : f32 from vector<1x1x1xf32>
    %div3A = arith.constant 0x4A880000 : f32
    %div3A_31 = arith.divf %reduce_sum3A_30, %div3A : f32
    %mul3A = arith.constant 0.00999999977 : f32
    %mul3A_32 = arith.mulf %mul3A, %div3A_31 : f32
    %add3A_33 = arith.addf %neg3A_22, %mul3A_32 : f32
    %reshape3A = vector.broadcast %add3A_33 : f32 to vector<1x1xf32>
    %swap3A = arith.constant 0 : index
    %swap3A_34 = arith.constant 0 : index
    %swap3A_35 = vector.load %arg3[%swap3A, %swap3A_34] : memref<1x1xf32, #tpu.memory_space<vmem>>, vector<1x1xf32>
    tpu.vector_store %arg3[%swap3A, %swap3A_34], %reshape3A {strides = array<i32>} : memref<1x1xf32, #tpu.memory_space<vmem>>, vector<1x1xf32>,
    return
  }
}

</mosaic_0001>

<sc_bundles>
// kernel: kernel.4.cloned.1.call-start
scs
__scs_entry_jumppad:
0x0: {  	(pc) =	sbr.rel $0x88, $3  }
0x1: {  	(tag) =	ssettag $0x0;
	lr =	simm.s32 $0x1  }
0x2: {  	[smem:$0x3F9A] =	sst lr;
	_ =	strace $0xD0000000  }
0x3: {  	_ = 	snop  }
0x4: {  	_ = 	snop  }
0x5: {  	_ = 	snop  }
0x6: {  	_ = 	snop  }
0x7: {  	_ = 	snop  }
__scs_overlays_trampoline_lowered:
0x8: {  	[smem:$0x3FA9] =	sst s0  }
0x9: {  	[smem:$0x3FAA] =	sst s1  }
0xa: {  	[smem:$0x3FAB] =	sst s2  }
0xb: {  	[smem:$0x3FAC] =	sst s3  }
0xc: {  	[smem:$0x3FAD] =	sst s4  }
0xd: {  	[smem:$0x3FAE] =	sst s5  }
0xe: {  	[smem:$0x3FAF] =	sst s6  }
0xf: {  	[smem:$0x3FB0] =	sst s7  }
0x10: {  	[smem:$0x3FB1] =	sst s8  }
0x11: {  	[smem:$0x3FB2] =	sst s9;
	s0 =	simm.s32 @!p0 $0x0  }
0x12: {  	s1 =	sld [smem:$0x3F98];
	s0 =	simm.s32 @p0 $0x1  }
0x13: {  	[smem:$0x3FB3] =	sst s0;
	s0 =	simm.s32 @!p1 $0x0  }
0x14: {  	s2 =	sld [smem:$0x3F97];
	s0 =	simm.s32 @p1 $0x1  }
0x15: {  	[smem:$0x3FB4] =	sst s0;
	s0 =	simm.s32 @!p2 $0x0  }
0x16: {  	s3 =	sld [smem:$0x3FDB];
	s0 =	simm.s32 @p2 $0x1  }
0x17: {  	s4 =	simm.s32 $0x1BF5;
	[smem:$0x3FB6] =	sst s0  }
0x18: {  	s0 =	sld [smem:$0x3F99];
	_ =	swait.ge [sflag:s4], $0x0  }
0x19: {  	s7 =	sld [smem:$0x3F9A]  }
0x1a: {  	s8 =	sadd.s32 $0xFFFFE003, lr  }
0x1b: {  	s9 =	sadd.s32 $0xFFFFFEF7, lr;
	s5 =	simm.s32 $0xFFFFFFFF;
	p2 =	slt.u32 s8, $0xFFFFF086  }
0x1c: {  	p1 =	slt.u32 s9, $0xF7A;
	s5 =	simm.s32 @!p2 $0x0  }
0x1d: {  	s5 =	simm.s32 @p1 $0x1;
	p0 =	seq.s32 s7, s2  }
0x1e: {  	s7 =	smul.u32 @!p0 $0xF7A, s2;
	p2 =	seq.s32 @!p0 s5, $0x0  }
0x1f: {  	s9 =	smul.u32 $0xF7A, s1;
	s8 =	simm.s32 @!p0 $0x1BF5;
	p2 =	por !p2, p0  }
0x20: {  	[sflag:s8] =	ssyncset.s32 @!p0 $0xFFFFF086;
	s6 =	sadd.s32 @!p0 s3, s7;
	s7 =	simm.s32 @!p0 $0x108  }
0x21: {  	s3 =	sadd.s32 s3, s9;
	s6 =	sadd.s32 @!p0 $0x88, s6;
	s7 =	simm.s32 @p2 $0x1082  }
0x22: {  	[simem:s7], [sflag:s8] =	dma.local @!p0 [hbm:s6], $0xF7A  }
0x23: {  	s9 =	sor.u32 $0xD0000000, s2;
	s6 =	simm.s32 $0x108;
	_ =	swait.ge @!p0 [sflag:s8], $0x0  }
0x24: {  	s3 =	sadd.s32 $0x88, s3;
	s6 =	simm.s32 @!p1 $0x1082;
	[sflag:s4] =	ssyncset.s32 $0xFFFFF086  }
0x25: {  	[simem:s6], [sflag:s4] =	dma.local [hbm:s3], $0xF7A  }
0x26: {  	[smem:$0x3F9A] =	sst s1;
	(tag) =	ssettag s2;
	_ =	strace s9  }
0x27: {  	s1 =	sld [smem:$0x3FAA]  }
0x28: {  	s2 =	sld [smem:$0x3FAB]  }
0x29: {  	s4 =	sld [smem:$0x3FAD]  }
0x2a: {  	p0 =	seq.s32 s5, $0x0;
	s5 =	sld [smem:$0x3FAE]  }
0x2b: {  	s6 =	sld [smem:$0x3FAF]  }
0x2c: {  	s7 =	sld [smem:$0x3FB0]  }
0x2d: {  	s3 =	simm.s32 $0x108;
	s8 =	sld [smem:$0x3FB1]  }
0x2e: {  	s3 =	simm.s32 @!p0 $0x1082;
	s9 =	sld [smem:$0x3FB2]  }
0x2f: {  	lr =	sadd.s32 s0, s3;
	s0 =	sld [smem:$0x3FA9]  }
0x30: {  	s3 =	sld [smem:$0x3FAC]  }
0x31: {  	[smem:$0x3FB5] =	sst s10  }
0x32: {  	s10 =	sld [smem:$0x3FB3];
	_ =	sdelay $0x3  }
0x33: {  	p0 =	seq.s32 s10, $0x1;
	s10 =	sld [smem:$0x3FB5];
	_ =	sdelay $0x3  }
0x34: {  	[smem:$0x3FB5] =	sst s10  }
0x35: {  	s10 =	sld [smem:$0x3FB4];
	_ =	sdelay $0x3  }
0x36: {  	p1 =	seq.s32 s10, $0x1;
	s10 =	sld [smem:$0x3FB5];
	_ =	sdelay $0x3  }
0x37: {  	[smem:$0x3FB5] =	sst s10  }
0x38: {  	s10 =	sld [smem:$0x3FB6]  }
0x39: {  	_ = 	snop;
	(pc) =	sbr.ind lr, $3  }
0x3a: {  	_ = 	snop  }
0x3b: {  	_ = 	snop  }
0x3c: {  	p2 =	seq.s32 s10, $0x1;
	s10 =	sld [smem:$0x3FB5]  }
0x3d: {  	_ =	shalt  }
0x3e: {  	_ =	shalt  }
0x3f: {  	_ =	shalt  }
0x40: {  	_ =	shalt  }
0x41: {  	_ =	shalt  }
0x42: {  	_ =	shalt  }
0x43: {  	_ =	shalt  }
0x44: {  	_ =	shalt  }
0x45: {  	_ =	shalt  }
0x46: {  	_ =	shalt  }
0x47: {  	_ =	shalt  }
0x48: {  	_ =	shalt  }
0x49: {  	_ =	shalt  }
0x4a: {  	_ =	shalt  }
0x4b: {  	_ =	shalt  }
0x4c: {  	_ =	shalt  }
0x4d: {  	_ =	shalt  }
0x4e: {  	_ =	shalt  }
0x4f: {  	_ =	shalt  }
0x50: {  	_ =	shalt  }
0x51: {  	_ =	shalt  }
0x52: {  	_ =	shalt  }
0x53: {  	_ =	shalt  }
0x54: {  	_ =	shalt  }
0x55: {  	_ =	shalt  }
0x56: {  	_ =	shalt  }
0x57: {  	_ =	shalt  }
0x58: {  	_ =	shalt  }
0x59: {  	_ =	shalt  }
0x5a: {  	_ =	shalt  }
0x5b: {  	_ =	shalt  }
0x5c: {  	_ =	shalt  }
0x5d: {  	_ =	shalt  }
0x5e: {  	_ =	shalt  }
0x5f: {  	_ =	shalt  }
0x60: {  	_ =	shalt  }
0x61: {  	_ =	shalt  }
0x62: {  	_ =	shalt  }
0x63: {  	_ =	shalt  }
0x64: {  	_ =	shalt  }
0x65: {  	_ =	shalt  }
0x66: {  	_ =	shalt  }
0x67: {  	_ =	shalt  }
0x68: {  	_ =	shalt  }
0x69: {  	_ =	shalt  }
0x6a: {  	_ =	shalt  }
0x6b: {  	_ =	shalt  }
0x6c: {  	_ =	shalt  }
0x6d: {  	_ =	shalt  }
0x6e: {  	_ =	shalt  }
0x6f: {  	_ =	shalt  }
0x70: {  	_ =	shalt  }
0x71: {  	_ =	shalt  }
0x72: {  	_ =	shalt  }
0x73: {  	_ =	shalt  }
0x74: {  	_ =	shalt  }
0x75: {  	_ =	shalt  }
0x76: {  	_ =	shalt  }
0x77: {  	_ =	shalt  }
0x78: {  	_ =	shalt  }
0x79: {  	_ =	shalt  }
0x7a: {  	_ =	shalt  }
0x7b: {  	_ =	shalt  }
0x7c: {  	_ =	shalt  }
0x7d: {  	_ =	shalt  }
0x7e: {  	_ =	shalt  }
0x7f: {  	_ =	shalt  }
0x80: {  	_ =	shalt  }
0x81: {  	_ =	shalt  }
0x82: {  	_ =	shalt  }
0x83: {  	_ =	shalt  }
0x84: {  	_ =	shalt  }
0x85: {  	_ =	shalt  }
0x86: {  	_ =	shalt  }
0x87: {  	_ =	shalt  }
.Lfunc_end0:
.L_simem_size_0:
called_computation_lowered:
.L_overlay_start_0:
0x88: {  	s2 =	sld [smem:$0x3FD9]  }
0x89: {  	s3 =	sld [smem:$0x3FFE];
	_ =	sdelay $0x1  }
0x8a: {  	s1 =	srdreg.scid  }
0x8b: {  	s0 =	sand.u32 $0x1, s1  }
0x8c: {  	s17 =	sshll.u32 s0, $0xA;
	s2 =	sadd.s32 s3, s2  }
0x8d: {  	s2 =	sadd.s32 s2, s17  }
0x8e: {  	[smem:$0x3FC1] =	sst s2  }
0x8f: {  	_ = 	snop  }
0x90: {  	s2 =	sld [smem:$0x3FC9]  }
0x91: {  	s18 =	sld [smem:$0x3FC8]  }
0x92: {  	s4 =	sld [smem:$0x3FC7];
	(tm) =	ssettm $0x1  }
0x93: {  	s5 =	sld [smem:$0x3FFB];
	_ =	sdelay $0x3  }
0x94: {  	_ =	strace s5  }
0x95: {  	s5 =	sld [smem:$0x3FFC];
	_ =	sdelay $0x3  }
0x96: {  	_ =	strace s5  }
0x97: {  	s5 =	sld [smem:$0x3FFD];
	_ =	sdelay $0x3  }
0x98: {  	_ =	strace s5  }
0x99: {  	_ =	strace $0x8FFFFFFF  }
0x9a: {  	s19 =	sld [smem:$0x3FDB];
	_ =	sdelay $0x1  }
0x9b: {  	s6 =	simm.s32 $_scs_section_size  }
0x9c: {  	s7 =	simm.s32 $_size__tile_overlayer_lowered;
	s8 =	simm.s32 $_tile_overlayer_lowered  }
0x9d: {  	s22 =	simm.s32 $0x1BFF;
	s21 =	sshll.u32 s8, $0x1;
	s5 =	sadd.s32 s6, s19  }
0x9e: {  	s9 =	simm.s32 $0x0;
	s20 =	sshll.u32 s7, $0x1;
	s7 =	sadd.s32 s21, s5  }
0x9f: {  	[timem:s9], [sflag:s22] =	dma.local [hbm:s7], s20  }
0xa0: {  	_ =	swait.ge [sflag:s22], s20  }
0xa1: {  	s6 =	ssub.s32 $0x0, s20;
	[sflag:s22] =	ssyncset.done $0x0  }
0xa2: {  	[sflag:s22] =	ssyncadd.s32 s6;
	_ =	sdelay $0x1  }
0xa3: {  	s23 =	simm.s32 $0x1B8B  }
0xa4: {  	_ =	swait.ge [sflag:s23], $0x1  }
0xa5: {  	[sflag:s23] =	ssyncset.done $0x0  }
0xa6: {  	s25 =	simm.s32 $0x1B8E;
	s24 =	sld [smem:$0x3FFE];
	[sflag:s23] =	ssyncadd.s32 $0xFFFFFFFF  }
0xa7: {  	s26 =	simm.s32 $execute0_lowered;
	[smem:$0x3FD2] =	sst s25  }
0xa8: {  	s7 =	sshll.u32 s26, $0x1;
	_ =	strace $0x80000046;
	[dreg:$0x1] =	wrdreg $0xFFFFFFFF  }
0xa9: {  	s28 =	simm.s32 $_size_execute0_lowered;
	s5 =	sadd.s32 s5, s7;
	[dreg:$0x0] =	wrdreg $0x0  }
0xaa: {  	s7 =	sshll.u32 s28, $0x1;
	[dreg:$0x2] =	wrdreg s5  }
0xab: {  	[dreg:$0x3] =	wrdreg s7  }
0xac: {  	[dreg:$0x4] =	wrdreg $0xC0  }
0xad: {  	_ =	task [dreg:s9], $0x5FFFF  }
0xae: {  	[dreg:$0x1] =	wrdreg $0xFFFFFFFF  }
0xaf: {  	[dreg:$0x0] =	wrdreg $0x60  }
0xb0: {  	[dreg:$0x2] =	wrdreg s2  }
0xb1: {  	[dreg:$0x3] =	wrdreg s18  }
0xb2: {  	[dreg:$0x4] =	wrdreg s4  }
0xb3: {  	[dreg:$0x5] =	wrdreg s24  }
0xb4: {  	[dreg:$0x6] =	wrdreg $0x9  }
0xb5: {  	_ =	task.clear_ibuf [dreg:s9], $0x7FFFF;
	_ =	strace $0x90000046  }
0xb6: {  	s29 =	simm.s32 $0x9;
	_ =	strace $0x80000048  }
0xb7: {  	_ =	swait.ge [sflag:s29], $0x1  }
0xb8: {  	[sflag:s29] =	ssyncadd.s32 $0xFFFFFFFF  }
0xb9: {  	_ =	strace $0x90000048  }
0xba: {  	_ =	sfence  }
0xbb: {  	s30 =	sld [smem:$0x0];
	_ =	sdelay $0x2  }
0xbc: {  	s31 =	sshll.u32 s1, $0xD;
	s1 =	sshrl.u32 s1, $0x2  }
0xbd: {  	s3 =	sand.u32 $0x4000, s31;
	s1 =	sadd.s32 s1, s30  }
0xbe: {  	s0 =	sor.u32 s3, s0;
	s1 =	sshll.u32 s1, $0x11  }
0xbf: {  	s0 =	sor.u32 s1, s0  }
0xc0: {  	s0 =	sadd.s32 $0x8F2B, s0  }
0xc1: {  	[sflag:s0] =	ssyncadd.remote.s32 $0x1  }
0xc2: {  	_ =	sfence.sel $0xFFFF  }
0xc3: {  	[dreg:$0x0] =	wrdreg $0xFFFFFFFF;
	(pc) =	sbr.abs _section_cstart, $3  }
0xc4: {  	[dreg:$0x1] =	wrdreg $0xFFFFFFFF  }
0xc5: {  	_ =	task.clear_ibuf [dreg:s9], $0x2FFFF;
	_ =	strace $0x9FFFFFFF  }
0xc6: {  	(tm) =	ssettm $0x7FFFFFFF  }
0xc7: {  	_ =	shalt  }
tec
execute0_lowered:
.L_overlay_start_1:
0x0: {  	(tag) =	ssettag $0x1  }
0x1: {  	s0 =	rddreg [dreg:$0x0]  }
0x2: {  	s1 =	rddreg [dreg:$0x1]  }
0x3: {  	s10 =	rddreg [dreg:$0x2]  }
0x4: {  	s11 =	rddreg [dreg:$0x3];
	s2 =	simm.s32 $0x0;
	s4 =	srdreg.scid  }
0x5: {  	s5 =	stileid.u32;
	s17 =	simm.s32 $0x80;
	s18 =	simm.s32 $0x1A00  }
0x6: {  	s19 =	simm.s32 $0x5A00;
	s20 =	simm.s32 $0x9A00;
	s29 =	simm.s32 $0x0  }
0x7: {  	[smem:$0x7FF] =	sst s2;
	s3 =	sadd.s32 $0x30FE00, s11;
	s6 =	sand.u32 $0x1, s4  }
0x8: {  	s7 =	sshll.u32 s5, $0x1;
	s4 =	sadd.s32 $0x2A00, s11;
	s5 =	sadd.s32 $0x8C00, s11  }
0x9: {  	v3 =	vlaneseq.u32;
	_ =	strace $0x80000047;
	s15 =	sor.u32 s6, s7;
	s9 =	ssub.s32 $0x2, s6  }
0xa: {  	v8 =	vmul.u32 $0x1000, v3;
	v3 =	vmul.u32 $0x18, v3;
	s7 =	sadd.s32 $0x6A00, s11;
	s8 =	sshll.u32 s15, $0x4;
	s6 =	smul.u32 $0x880, s15  }
0xb: {  	s21 =	sshrl.u32 s9, $0x1;
	p0 =	seq.s32 s15, $0x0;
	s12 =	sadd.s32 s8, s11  }
0xc: {  	v24 =	vimm.f32 $0.0e+00;
	v9 =	vor.u32 $0x1, v3;
	v10 =	vor.u32 $0x2, v3;
	s13 =	ssub.s32 s9, s21;
	s11 =	sadd.s32 $0x8D00, s11;
	s21 =	simm.s32 $0xDA00  }
0xd: {  	v11 =	vor.u32 $0x3, v3;
	v12 =	vor.u32 $0x4, v3;
	v13 =	vor.u32 $0x5, v3;
	s14 =	sshrl.u32 s6, $0x3;
	s16 =	sshrl.u32 s6, $0x4;
	s12 =	sadd.s32 $0x8A00, s12  }
0xe: {  	v14 =	vor.u32 $0x6, v3;
	v15 =	vor.u32 $0x7, v3;
	v16 =	vadd.s32 $0x8, v3;
	s13 =	smax.u32 s13, $0x1;
	s8 =	sadd.s32 s0, s14;
	s9 =	sadd.s32 s1, s14  }
0xf: {  	v17 =	vadd.s32 $0x9, v3;
	v18 =	vadd.s32 $0xA, v3;
	v19 =	vadd.s32 $0xB, v3;
	s22 =	sadd.s32 $0xFFFFFF80, s16;
	s10 =	sadd.s32 s10, s14;
	s23 =	sadd.s32 $0xFFFFFF81, s16  }
0x10: {  	v20 =	vadd.s32 $0xC, v3;
	v21 =	vadd.s32 $0xD, v3;
	v22 =	vadd.s32 $0xE, v3;
	s24 =	sadd.s32 $0xFFFFFF82, s16;
	s25 =	sadd.s32 $0xFFFFFF83, s16;
	s26 =	sadd.s32 $0xFFFFFF84, s16  }
0x11: {  	v23 =	vadd.s32 $0xF, v3;
	s28 =	sadd.s32 $0xFFFFFF85, s16;
	s30 =	sadd.s32 $0xFFFFFF86, s16;
	s31 =	sadd.s32 $0xFFFFFF87, s16;
	v0 =	vadd.s32 s22, v8;
	v1 =	vadd.s32 s23, v8  }
0x12: {  	s14 =	simm.s32 $0x4;
	v2 =	vadd.s32 s24, v8;
	v4 =	vadd.s32 s25, v8;
	v5 =	vadd.s32 s26, v8;
	s22 =	simm.s32 $0x11A00;
	s23 =	simm.s32 $0x15A00  }
0x13: {  	v6 =	vadd.s32 s28, v8;
	v7 =	vadd.s32 s30, v8;
	v8 =	vadd.s32 s31, v8;
	s24 =	simm.s32 $0x1;
	s25 =	simm.s32 $0x19B80;
	s26 =	simm.s32 $0x2  }
.LBB2_1:
0x14: {  	[tilespmem:s2], [sflag:$0x4] =	stream.linear.gather [hbm4b:s8+s2], $0x880, $0x38;
	[tilespmem:$0x1A780] =	vst v63  }
0x15: {  	_ =	swait.ge [sflag:s14], $0x880  }
0x16: {  	[sflag:s14] =	ssyncset.done $0x0  }
0x17: {  	s0 =	simm.s32 $0x880;
	[sflag:s14] =	ssyncadd.s32 $0xFFFFF780  }
0x18: {  	[tilespmem:s0], [sflag:$0x4] =	stream.linear.gather [hbm4b:s9+s2], $0x880, $0x38;
	[tilespmem:$0x1A780] =	vst v63  }
0x19: {  	_ =	swait.ge [sflag:s14], $0x880  }
0x1a: {  	[sflag:s14] =	ssyncset.done $0x0  }
0x1b: {  	s1 =	simm.s32 $0x1100;
	[sflag:s14] =	ssyncadd.s32 $0xFFFFF780  }
0x1c: {  	[tilespmem:s1], [sflag:$0x4] =	stream.linear.gather [hbm4b:s10+s2], $0x880, $0x38;
	[tilespmem:$0x1A780] =	vst v63  }
0x1d: {  	_ =	swait.ge [sflag:s14], $0x880  }
0x1e: {  	[sflag:s14] =	ssyncset.done $0x0  }
0x1f: {  	[sflag:s14] =	ssyncadd.s32 $0xFFFFF780  }
0x20: {  	[tilespmem:s18], [sflag:$0x1] =	stream.indirect.gather [hbm4b:s3+s17], $0x80, s2, s17, $0xb8;
	[tilespmem:$0x1A780] =	vst v63  }
0x21: {  	_ = 	snop  }
0x22: {  	[tilespmem:s19], [sflag:$0x1] =	stream.indirect.gather [hbm4b:s3+s17], $0x80, s0, s17, $0xb8;
	[tilespmem:$0x1A780] =	vst v63  }
0x23: {  	s30 =	simm.s32 $0x0  }
0x24: {  	v25 =	vimm.f32 $0.0e+00;
	[tilespmem:s20], [sflag:$0x1] =	stream.indirect.gather [hbm4b:s4+s17], $0x80, s1, s17, $0xb8;
	[tilespmem:$0x1A780] =	vst v63  }
.LBB2_2:
0x25: {  	s0 =	sshll.u32 s30, $0x8  }
0x26: {  	s31 =	sor.u32 $0x80, s0  }
0x27: {  	[tilespmem:s21], [sflag:$0x2] =	stream.indirect.gather [hbm4b:s3+s17], $0x80, s31, s17, $0xb8;
	[tilespmem:$0x1A780] =	vst v63  }
0x28: {  	s1 =	sadd.s32 $0x900, s0  }
0x29: {  	[tilespmem:s22], [sflag:$0x2] =	stream.indirect.gather [hbm4b:s3+s17], $0x80, s1, s17, $0xb8;
	[tilespmem:$0x1A780] =	vst v63  }
0x2a: {  	s15 =	sadd.s32 $0x1180, s0  }
0x2b: {  	[tilespmem:s23], [sflag:$0x2] =	stream.indirect.gather [hbm4b:s4+s17], $0x80, s15, s17, $0xb8;
	[tilespmem:$0x1A780] =	vst v63  }
0x2c: {  	_ =	swait.ge [sflag:s24], $0x4000  }
0x2d: {  	[sflag:s24] =	ssyncset.done $0x0  }
0x2e: {  	[sflag:s24] =	ssyncadd.s32 $0xFFFFC000  }
0x2f: {  	_ =	swait.ge [sflag:s24], $0x4000  }
0x30: {  	[sflag:s24] =	ssyncset.done $0x0  }
0x31: {  	[sflag:s24] =	ssyncadd.s32 $0xFFFFC000  }
0x32: {  	_ =	swait.ge [sflag:s24], $0x4000  }
0x33: {  	[sflag:s24] =	ssyncset.done $0x0  }
0x34: {  	s16 =	simm.s32 $0x0;
	[sflag:s24] =	ssyncadd.s32 $0xFFFFC000  }
0x35: {  	v26 =	vld [tilespmem:s16+$0x9A50]  }
0x36: {  	v27 =	vld [tilespmem:s16+$0x9A10]  }
0x37: {  	v28 =	vld [tilespmem:s16+$0x9A40]  }
0x38: {  	v29 =	vld [tilespmem:s16+$0x9A00]  }
0x39: {  	v30 =	vld [tilespmem:s16+$0x5A20]  }
0x3a: {  	v31 =	vld [tilespmem:s16+$0x5A00]  }
0x3b: {  	v32 =	vld [tilespmem:s16+$0x1A00]  }
0x3c: {  	v33 =	vld [tilespmem:s16+$0x5A40]  }
0x3d: {  	v34 =	vld [tilespmem:s16+$0x1A40]  }
0x3e: {  	v35 =	vld [tilespmem:s16+$0x5A10]  }
0x3f: {  	v37 =	vld [tilespmem:s16+$0x1A10];
	v36 =	vmul.f32 v26, v26  }
0x40: {  	v40 =	vld [tilespmem:s16+$0x5A50];
	v38 =	vmul.f32 v27, v27;
	v39 =	vmul.f32 v28, v28  }
0x41: {  	v43 =	vld [tilespmem:s16+$0x1A50];
	v41 =	vmul.f32 v29, v29;
	v42 =	vmul.f32 v30, v30  }
0x42: {  	v44 =	vmul.f32 v31, v32;
	v45 =	vmul.f32 v33, v34  }
0x43: {  	v46 =	vmul.f32 v31, v31;
	v47 =	vmul.f32 v32, v32  }
0x44: {  	v48 =	vld [tilespmem:s16+$0x1A20];
	v32 =	vmul.f32 v33, v32;
	v31 =	vmul.f32 v31, v34  }
0x45: {  	v49 =	vld [tilespmem:s16+$0x5A60];
	v33 =	vmul.f32 v33, v33;
	v55 =	vmul.f32 v35, v37  }
0x46: {  	v50 =	vld [tilespmem:s16+$0x5A30];
	v56 =	vmul.f32 v40, v43;
	v34 =	vmul.f32 v34, v34;
	v44 =	vadd.f32 v45, v44  }
0x47: {  	v57 =	vmul.f32 v35, v35;
	v58 =	vmul.f32 v40, v37;
	v36 =	vadd.f32 v36, v38;
	v38 =	vld [tilespmem:s16+$0x1A60]  }
0x48: {  	v31 =	vsub.f32 v32, v31;
	v33 =	vadd.f32 v33, v46;
	v46 =	vld [tilespmem:s16+$0x1A70];
	v29 =	vmul.f32 v44, v29  }
0x49: {  	v35 =	vmul.f32 v35, v43;
	v37 =	vmul.f32 v37, v37;
	v32 =	vadd.f32 v56, v55;
	v44 =	vld [tilespmem:s16+$0x1A30]  }
0x4a: {  	v39 =	vadd.f32 v39, v41;
	v28 =	vmul.f32 v28, v31;
	v31 =	vld [tilespmem:s16+$0x5A70];
	v29 =	vadd.f32 $0.0e+00, v29  }
0x4b: {  	v59 =	vld [tilespmem:s16+$0x9A20];
	v35 =	vsub.f32 v58, v35;
	v55 =	vmul.f32 v40, v40;
	v27 =	vmul.f32 v32, v27  }
0x4c: {  	v60 =	vmul.f32 v49, v38;
	v28 =	vadd.f32 v29, v28;
	v29 =	vmul.f32 v30, v48  }
0x4d: {  	v61 =	vld [tilespmem:s16+$0x9A60];
	v34 =	vadd.f32 v34, v47;
	v26 =	vmul.f32 v26, v35;
	v30 =	vmul.f32 v30, v38  }
0x4e: {  	v27 =	vadd.f32 v27, v28;
	v28 =	vmul.f32 v49, v48;
	v29 =	vadd.f32 v60, v29  }
0x4f: {  	v63 =	vld [tilespmem:s16+$0x9A30];
	v62 =	vadd.f32 v33, v34;
	v51 =	vmul.f32 v50, v44;
	v52 =	vmul.f32 v31, v46  }
0x50: {  	v26 =	vadd.f32 v27, v26;
	v27 =	vsub.f32 v28, v30;
	v28 =	vmul.f32 v29, v59  }
0x51: {  	v54 =	vmul.f32 v50, v46;
	v53 =	vmul.f32 v31, v44;
	v29 =	vadd.f32 v39, v62;
	v30 =	vld [tilespmem:s16+$0x9A70]  }
0x52: {  	v26 =	vadd.f32 v28, v26;
	v27 =	vmul.f32 v61, v27;
	v28 =	vadd.f32 v52, v51  }
0x53: {  	v56 =	vadd.f32 v55, v57;
	v25 =	vadd.f32 v29, v25;
	v29 =	vmul.f32 v43, v43  }
0x54: {  	v26 =	vadd.f32 v26, v27;
	v27 =	vsub.f32 v53, v54;
	v28 =	vmul.f32 v28, v63  }
0x55: {  	v57 =	vmul.f32 v48, v48;
	v58 =	vmul.f32 v38, v38;
	v29 =	vadd.f32 v29, v37  }
0x56: {  	v33 =	vmul.f32 v63, v63;
	v26 =	vadd.f32 v28, v26;
	v27 =	vmul.f32 v30, v27  }
0x57: {  	v34 =	vadd.f32 v58, v57;
	v28 =	vadd.f32 v56, v29;
	v29 =	vmul.f32 v49, v49  }
0x58: {  	v31 =	vmul.f32 v31, v31;
	v62 =	vmul.f32 v50, v50;
	v26 =	vadd.f32 v26, v27  }
0x59: {  	s1 =	simm.s32 $0x19B80;
	v60 =	vmul.f32 v61, v61;
	v59 =	vmul.f32 v59, v59;
	v27 =	vadd.f32 v29, v42  }
0x5a: {  	s15 =	simm.s32 $0x80;
	v61 =	vmul.f32 v46, v46;
	v31 =	vadd.f32 v31, v62;
	v29 =	vmul.f32 v44, v44;
	[tilespmem:s1+$0x0] =	vst v26  }
0x5b: {  	v30 =	vmul.f32 v30, v30;
	v36 =	vadd.f32 v36, v28;
	v26 =	vadd.f32 v27, v34;
	v28 =	vld [tilespmem:s15+$0x9A50]  }
0x5c: {  	v27 =	vadd.f32 v60, v59;
	v29 =	vadd.f32 v61, v29;
	v32 =	vld [tilespmem:s15+$0x9A10]  }
0x5d: {  	v30 =	vadd.f32 v30, v33;
	v63 =	vadd.f32 v36, v25;
	v40 =	vld [tilespmem:s15+$0x9A40]  }
0x5e: {  	v26 =	vadd.f32 v27, v26;
	v27 =	vld [tilespmem:s15+$0x9A00];
	v31 =	vadd.f32 v31, v29  }
0x5f: {  	v25 =	vld [tilespmem:s15+$0x5A20]  }
0x60: {  	v29 =	vld [tilespmem:s15+$0x5A00];
	v26 =	vadd.f32 v26, v63;
	v31 =	vadd.f32 v30, v31  }
0x61: {  	v30 =	vld [tilespmem:s15+$0x1A00];
	v39 =	vmul.f32 v28, v28;
	v41 =	vmul.f32 v32, v32  }
0x62: {  	s28 =	simm.s32 $0x0;
	s16 =	simm.s32 $0x400;
	v34 =	vld [tilespmem:s15+$0x5A40];
	v37 =	vmul.f32 v40, v40;
	v26 =	vadd.f32 v31, v26  }
.LBB2_3:
0x63: {  	p1 =	sne.s32 s16, $0xFE00;
	v31 =	vld [tilespmem:s15+$0x1A40];
	v33 =	vmul.f32 v27, v27;
	v35 =	vadd.f32 v39, v41  }
0x64: {  	v36 =	vld [tilespmem:s15+$0x5A10];
	v38 =	vmul.f32 v25, v25  }
0x65: {  	v39 =	vmul.f32 v29, v29;
	v33 =	vadd.f32 v37, v33;
	v37 =	vld [tilespmem:s15+$0x1A10]  }
0x66: {  	v41 =	vmul.f32 v30, v30;
	v42 =	vld [tilespmem:s15+$0x5A50]  }
0x67: {  	v43 =	vmul.f32 v34, v34;
	v44 =	vld [tilespmem:s15+$0x1A50]  }
0x68: {  	v45 =	vmul.f32 v29, v30;
	v46 =	vmul.f32 v34, v31;
	v47 =	vld [tilespmem:s15+$0x1A20]  }
0x69: {  	v48 =	vmul.f32 v31, v31;
	v39 =	vadd.f32 v43, v39;
	v43 =	vmul.f32 v36, v36;
	v49 =	vld [tilespmem:s15+$0x5A60]  }
0x6a: {  	v30 =	vmul.f32 v34, v30;
	v29 =	vmul.f32 v29, v31;
	v45 =	vadd.f32 v46, v45;
	v31 =	vld [tilespmem:s15+$0x1A60]  }
0x6b: {  	v34 =	vadd.f32 v48, v41;
	v41 =	vmul.f32 v37, v37;
	v46 =	vmul.f32 v36, v37;
	v48 =	vld [tilespmem:s15+$0x5A30]  }
0x6c: {  	v29 =	vsub.f32 v30, v29;
	v27 =	vmul.f32 v45, v27;
	v30 =	vmul.f32 v42, v44;
	v45 =	vld [tilespmem:s15+$0x1A30]  }
0x6d: {  	v37 =	vmul.f32 v42, v37;
	v34 =	vadd.f32 v39, v34;
	v36 =	vmul.f32 v36, v44;
	v39 =	vld [tilespmem:s15+$0x5A70]  }
0x6e: {  	v29 =	vmul.f32 v40, v29;
	v27 =	vadd.f32 $0.0e+00, v27;
	v30 =	vadd.f32 v30, v46;
	v40 =	vld [tilespmem:s15+$0x1A70]  }
0x6f: {  	v33 =	vadd.f32 v33, v34;
	v46 =	vmul.f32 v25, v47;
	v34 =	vld [tilespmem:s15+$0x9A20];
	v50 =	vmul.f32 v49, v31  }
0x70: {  	v27 =	vadd.f32 v27, v29;
	v29 =	vsub.f32 v37, v36;
	v30 =	vmul.f32 v30, v32  }
0x71: {  	v25 =	vmul.f32 v25, v31;
	v26 =	vadd.f32 v33, v26;
	v33 =	vmul.f32 v49, v47;
	v32 =	vld [tilespmem:s15+$0x9A60]  }
0x72: {  	v27 =	vadd.f32 v30, v27;
	v28 =	vmul.f32 v28, v29;
	v29 =	vadd.f32 v50, v46  }
0x73: {  	v36 =	vmul.f32 v48, v45;
	v30 =	vld [tilespmem:s15+$0x9A30];
	v37 =	vmul.f32 v39, v40  }
0x74: {  	v25 =	vsub.f32 v33, v25;
	v27 =	vadd.f32 v27, v28;
	v28 =	vmul.f32 v29, v34  }
0x75: {  	v33 =	vmul.f32 v39, v45;
	v46 =	vmul.f32 v48, v40;
	v29 =	vld [tilespmem:s15+$0x9A70]  }
0x76: {  	v27 =	vadd.f32 v28, v27;
	v25 =	vmul.f32 v32, v25;
	v28 =	vadd.f32 v37, v36  }
0x77: {  	v36 =	vmul.f32 v44, v44;
	v37 =	vmul.f32 v42, v42  }
0x78: {  	v25 =	vadd.f32 v27, v25;
	v27 =	vsub.f32 v33, v46;
	v28 =	vmul.f32 v28, v30  }
0x79: {  	v33 =	vadd.f32 v36, v41;
	v36 =	vadd.f32 v37, v43;
	v37 =	vmul.f32 v47, v47  }
0x7a: {  	v31 =	vmul.f32 v31, v31;
	v25 =	vadd.f32 v28, v25;
	v27 =	vmul.f32 v29, v27  }
0x7b: {  	v34 =	vmul.f32 v34, v34;
	v28 =	vadd.f32 v36, v33;
	v33 =	vmul.f32 v49, v49  }
0x7c: {  	v32 =	vmul.f32 v32, v32;
	v31 =	vadd.f32 v31, v37;
	v25 =	vadd.f32 v25, v27  }
0x7d: {  	s1 =	sadd.s32 $0x18, s1;
	v36 =	vmul.f32 v40, v40;
	v27 =	vadd.f32 v33, v38;
	v33 =	vmul.f32 v45, v45  }
0x7e: {  	s15 =	sshra.s32 s16, $0x2;
	v37 =	vmul.f32 v48, v48;
	v35 =	vadd.f32 v35, v28;
	v38 =	vmul.f32 v39, v39;
	[tilespmem:s1+$0x0] =	vst v25  }
0x7f: {  	v30 =	vmul.f32 v30, v30;
	v25 =	vadd.f32 v27, v31;
	v27 =	vadd.f32 v32, v34;
	v28 =	vld [tilespmem:s15+$0x9A50]  }
0x80: {  	v29 =	vmul.f32 v29, v29;
	v31 =	vadd.f32 v36, v33;
	v33 =	vadd.f32 v38, v37;
	v32 =	vld [tilespmem:s15+$0x9A10]  }
0x81: {  	v26 =	vadd.f32 v35, v26;
	v34 =	vadd.f32 v27, v25;
	v40 =	vld [tilespmem:s15+$0x9A40]  }
.Ltmp0:
0x82: {  	v30 =	vadd.f32 v29, v30;
	v31 =	vadd.f32 v33, v31;
	v27 =	vld [tilespmem:s15+$0x9A00];
	(pc) =	sbr.rel @p1 .LBB2_3-.Ltmp0, $4  }
0x83: {  	v26 =	vadd.f32 v34, v26;
	v25 =	vld [tilespmem:s15+$0x5A20]  }
0x84: {  	v31 =	vadd.f32 v30, v31;
	v29 =	vld [tilespmem:s15+$0x5A00];
	v39 =	vmul.f32 v28, v28  }
0x85: {  	v30 =	vld [tilespmem:s15+$0x1A00];
	v41 =	vmul.f32 v32, v32  }
0x86: {  	s16 =	sadd.s32 $0x200, s16;
	v26 =	vadd.f32 v31, v26;
	v34 =	vld [tilespmem:s15+$0x5A40];
	v37 =	vmul.f32 v40, v40  }
0x87: {  	v42 =	vld [tilespmem:s15+$0x1A40]  }
0x88: {  	v43 =	vld [tilespmem:s15+$0x5A10]  }
0x89: {  	v44 =	vld [tilespmem:s15+$0x1A10]  }
0x8a: {  	v45 =	vld [tilespmem:s15+$0x5A50]  }
0x8b: {  	v46 =	vld [tilespmem:s15+$0x1A50]  }
0x8c: {  	v38 =	vld [tilespmem:s15+$0x1A20];
	v31 =	vmul.f32 v29, v30;
	v33 =	vmul.f32 v34, v42  }
0x8d: {  	v36 =	vld [tilespmem:s15+$0x5A60]  }
0x8e: {  	v48 =	vld [tilespmem:s15+$0x1A60];
	v35 =	vmul.f32 v34, v30;
	v47 =	vmul.f32 v29, v42;
	v33 =	vadd.f32 v33, v31  }
0x8f: {  	v55 =	vld [tilespmem:s15+$0x1A70];
	v49 =	vmul.f32 v43, v44  }
0x90: {  	v51 =	vmul.f32 v45, v46;
	v31 =	vld [tilespmem:s15+$0x5A30];
	v47 =	vsub.f32 v35, v47;
	v50 =	vmul.f32 v33, v27  }
0x91: {  	v52 =	vmul.f32 v45, v44;
	v53 =	vmul.f32 v43, v46;
	v35 =	vld [tilespmem:s15+$0x1A30]  }
0x92: {  	v62 =	vadd.f32 v51, v49;
	v49 =	vld [tilespmem:s15+$0x9A20];
	v40 =	vmul.f32 v40, v47;
	v50 =	vadd.f32 $0.0e+00, v50  }
0x93: {  	v63 =	vmul.f32 v25, v38;
	v54 =	vmul.f32 v36, v48;
	v33 =	vld [tilespmem:s15+$0x5A70]  }
0x94: {  	v56 =	vsub.f32 v52, v53;
	v32 =	vmul.f32 v62, v32;
	v47 =	vld [tilespmem:s15+$0x9A60];
	v40 =	vadd.f32 v50, v40  }
0x95: {  	v57 =	vmul.f32 v36, v38;
	v58 =	vmul.f32 v25, v48  }
0x96: {  	v59 =	vadd.f32 v54, v63;
	v28 =	vmul.f32 v28, v56;
	v32 =	vadd.f32 v32, v40  }
0x97: {  	v51 =	vld [tilespmem:s15+$0x9A30];
	v52 =	vsub.f32 v57, v58;
	v56 =	vmul.f32 v31, v55;
	v50 =	vmul.f32 v31, v35  }
0x98: {  	v60 =	vmul.f32 v33, v55;
	v40 =	vmul.f32 v59, v49;
	v32 =	vadd.f32 v32, v28  }
0x99: {  	v63 =	vmov s28;
	v61 =	vmul.f32 v33, v35;
	v62 =	vmul.f32 v47, v52;
	v28 =	vld [tilespmem:s15+$0x9A70]  }
0x9a: {  	v52 =	vmul.u32 $0x18, v63;
	v50 =	vadd.f32 v60, v50;
	v32 =	vadd.f32 v40, v32  }
0x9b: {  	v58 =	vsub.f32 v61, v56  }
0x9c: {  	v52 =	vbroadcast v52, $0x0;
	v50 =	vmul.f32 v50, v51;
	v32 =	vadd.f32 v32, v62;
	_ =	sdelay $0x1  }
0x9d: {  	v59 =	vadd.s32 v3, v52;
	v40 =	vmul.f32 v28, v58;
	v32 =	vadd.f32 v50, v32  }
0x9e: {  	v61 =	vadd.s32 v9, v52  }
0x9f: {  	v62 =	vadd.s32 v10, v52;
	v32 =	vadd.f32 v32, v40  }
0xa0: {  	s1 =	sadd.s32 $0x18, s1;
	v63 =	vadd.s32 v11, v52  }
0xa1: {  	v60 =	vadd.s32 v12, v52;
	[tilespmem:s1+$0x0] =	vst v32  }
0xa2: {  	v56 =	vadd.s32 v13, v52;
	v50 =	vld.idx.msk [tilespmem:v59+s25+$0x0], $0xffff  }
0xa3: {  	v57 =	vadd.s32 v14, v52;
	v53 =	vld.idx.msk [tilespmem:v61+s25+$0x0], $0xffff  }
0xa4: {  	v58 =	vadd.s32 v15, v52;
	v40 =	vld.idx.msk [tilespmem:v62+s25+$0x0], $0xffff  }
0xa5: {  	v54 =	vld.idx.msk [tilespmem:v63+s25+$0x0], $0xffff;
	v59 =	vadd.s32 v16, v52  }
0xa6: {  	v32 =	vld.idx.msk [tilespmem:v60+s25+$0x0], $0xffff;
	v60 =	vadd.s32 v17, v52  }
0xa7: {  	v56 =	vld.idx.msk [tilespmem:v56+s25+$0x0], $0xffff;
	v62 =	vadd.s32 v19, v52;
	v50 =	vadd.f32 $0.0e+00, v50  }
0xa8: {  	v61 =	vadd.s32 v18, v52;
	v57 =	vld.idx.msk [tilespmem:v57+s25+$0x0], $0xffff;
	v53 =	vadd.f32 $0.0e+00, v53  }
0xa9: {  	v39 =	vadd.f32 v39, v41;
	v58 =	vld.idx.msk [tilespmem:v58+s25+$0x0], $0xffff;
	v40 =	vadd.f32 v40, v50;
	v50 =	vadd.s32 v20, v52  }
0xaa: {  	v30 =	vmul.f32 v30, v30;
	v59 =	vld.idx.msk [tilespmem:v59+s25+$0x0], $0xffff;
	v53 =	vadd.f32 v54, v53;
	v54 =	vadd.s32 v21, v52  }
0xab: {  	v42 =	vmul.f32 v42, v42;
	v60 =	vld.idx.msk [tilespmem:v60+s25+$0x0], $0xffff;
	v32 =	vadd.f32 v32, v40;
	v40 =	vadd.s32 v22, v52  }
0xac: {  	v29 =	vmul.f32 v29, v29;
	v63 =	vld.idx.msk [tilespmem:v62+s25+$0x0], $0xffff;
	v41 =	vadd.f32 v56, v53;
	v52 =	vadd.s32 v23, v52  }
0xad: {  	v30 =	vadd.f32 v42, v30;
	v27 =	vmul.f32 v27, v27;
	v53 =	vld.idx.msk [tilespmem:v61+s25+$0x0], $0xffff;
	v61 =	vmul.f32 v34, v34  }
0xae: {  	v32 =	vadd.f32 v57, v32;
	v41 =	vadd.f32 v58, v41;
	v50 =	vld.idx.msk [tilespmem:v50+s25+$0x0], $0xffff  }
0xaf: {  	v25 =	vmul.f32 v25, v25;
	v27 =	vadd.f32 v37, v27;
	v29 =	vadd.f32 v61, v29;
	v57 =	vld.idx.msk [tilespmem:v54+s25+$0x0], $0xffff  }
0xb0: {  	s16 =	simm.s32 $0x10;
	v31 =	vmul.f32 v31, v31;
	v32 =	vadd.f32 v59, v32;
	v41 =	vadd.f32 v60, v41;
	v40 =	vld.idx.msk [tilespmem:v40+s25+$0x0], $0xffff  }
0xb1: {  	v33 =	vmul.f32 v33, v33;
	v59 =	vmov s16;
	v29 =	vadd.f32 v29, v30;
	v58 =	vld.idx.msk [tilespmem:v52+s25+$0x0], $0xffff  }
0xb2: {  	v60 =	vmul.u32 $0x18, v59;
	v32 =	vadd.f32 v53, v32;
	v30 =	vadd.f32 v63, v41  }
0xb3: {  	v35 =	vmul.f32 v35, v35;
	v31 =	vadd.f32 v33, v31;
	v62 =	vmul.f32 v44, v44  }
0xb4: {  	v41 =	vbroadcast v60, $0x0;
	v32 =	vadd.f32 v50, v32;
	v30 =	vadd.f32 v57, v30  }
0xb5: {  	v61 =	vmul.f32 v43, v43;
	v27 =	vadd.f32 v27, v29;
	v29 =	vmul.f32 v46, v46  }
0xb6: {  	v50 =	vadd.s32 v3, v41;
	v32 =	vadd.f32 v40, v32;
	v30 =	vadd.f32 v58, v30  }
0xb7: {  	v26 =	vadd.f32 v27, v26;
	v27 =	vadd.f32 v29, v62;
	v29 =	vadd.s32 v9, v41  }
0xb8: {  	v63 =	vmul.f32 v45, v45;
	v52 =	vadd.s32 v10, v41;
	v30 =	vadd.f32 v30, v32  }
0xb9: {  	v28 =	vmul.f32 v28, v28;
	s1 =	simm.s32 $0x19A00;
	v54 =	vmul.f32 v48, v48;
	v56 =	vadd.s32 v11, v41  }
0xba: {  	v53 =	vmul.f32 v38, v38;
	v34 =	vadd.f32 v63, v61;
	v58 =	vadd.s32 v12, v41;
	[tilespmem:s1+$0x0] =	vst v30  }
0xbb: {  	v57 =	vmul.f32 v36, v36;
	v61 =	vmul.f32 v47, v47;
	v60 =	vadd.s32 v13, v41;
	v59 =	vld.idx.msk [tilespmem:v50+s25+$0x0], $0xffff  }
0xbc: {  	v63 =	vmul.f32 v55, v55;
	v62 =	vadd.s32 v14, v41;
	v48 =	vadd.s32 v15, v41;
	v29 =	vld.idx.msk [tilespmem:v29+s25+$0x0], $0xffff  }
0xbd: {  	v55 =	vadd.s32 v18, v41;
	v27 =	vadd.f32 v34, v27;
	v25 =	vadd.f32 v57, v25;
	v37 =	vld.idx.msk [tilespmem:v52+s25+$0x0], $0xffff  }
0xbe: {  	v32 =	vadd.f32 v54, v53;
	v53 =	vadd.s32 v17, v41;
	v30 =	vmul.f32 v49, v49;
	v49 =	vld.idx.msk [tilespmem:v56+s25+$0x0], $0xffff  }
0xbf: {  	v35 =	vadd.f32 v63, v35;
	v27 =	vadd.f32 v39, v27;
	v50 =	vadd.s32 v16, v41;
	v52 =	vld.idx.msk [tilespmem:v58+s25+$0x0], $0xffff  }
0xc0: {  	v54 =	vmul.f32 v51, v51;
	v25 =	vadd.f32 v25, v32;
	v42 =	vld.idx.msk [tilespmem:v60+s25+$0x0], $0xffff;
	v30 =	vadd.f32 v61, v30  }
0xc1: {  	v34 =	vld.idx.msk [tilespmem:v62+s25+$0x0], $0xffff;
	v56 =	vadd.s32 v19, v41;
	v38 =	vadd.f32 $0.0e+00, v59;
	v29 =	vadd.f32 $0.0e+00, v29  }
0xc2: {  	v26 =	vadd.f32 v27, v26;
	v27 =	vadd.s32 v21, v41;
	v57 =	vld.idx.msk [tilespmem:v48+s25+$0x0], $0xffff;
	v25 =	vadd.f32 v30, v25  }
0xc3: {  	v58 =	vadd.s32 v20, v41;
	v30 =	vld.idx.msk [tilespmem:v53+s25+$0x0], $0xffff;
	v37 =	vadd.f32 v37, v38;
	v29 =	vadd.f32 v49, v29  }
0xc4: {  	v31 =	vadd.f32 v31, v35;
	v28 =	vadd.f32 v28, v54;
	v40 =	vld.idx.msk [tilespmem:v50+s25+$0x0], $0xffff;
	v59 =	vadd.s32 v22, v41  }
0xc5: {  	v60 =	vld.idx.msk [tilespmem:v55+s25+$0x0], $0xffff;
	v61 =	vadd.s32 v23, v41;
	v32 =	vadd.f32 v52, v37;
	v29 =	vadd.f32 v42, v29  }
0xc6: {  	v28 =	vadd.f32 v28, v31;
	v62 =	vld.idx.msk [tilespmem:v56+s25+$0x0], $0xffff;
	v25 =	vadd.f32 v25, v26  }
0xc7: {  	v27 =	vld.idx.msk [tilespmem:v27+s25+$0x0], $0xffff;
	v32 =	vadd.f32 v34, v32;
	v29 =	vadd.f32 v57, v29  }
0xc8: {  	v26 =	vld.idx.msk [tilespmem:v58+s25+$0x0], $0xffff;
	v25 =	vadd.f32 v28, v25  }
0xc9: {  	s28 =	simm.s32 $0x20;
	v28 =	vld.idx.msk [tilespmem:v59+s25+$0x0], $0xffff;
	v31 =	vadd.f32 v40, v32;
	v63 =	vadd.f32 v30, v29  }
0xca: {  	v30 =	vmov s28;
	v29 =	vld.idx.msk [tilespmem:v61+s25+$0x0], $0xffff  }
0xcb: {  	s15 =	simm.s32 $0x30;
	v30 =	vmul.u32 $0x18, v30;
	v31 =	vadd.f32 v60, v31;
	v32 =	vadd.f32 v62, v63  }
.LBB2_5:
0xcc: {  	p1 =	sne.s32 s15, $0x70  }
0xcd: {  	v30 =	vbroadcast v30, $0x0;
	v26 =	vadd.f32 v26, v31;
	v27 =	vadd.f32 v27, v32;
	_ =	sdelay $0x1  }
0xce: {  	v31 =	vadd.s32 v3, v30;
	v26 =	vadd.f32 v28, v26;
	v27 =	vadd.f32 v29, v27  }
0xcf: {  	v28 =	vadd.s32 v9, v30  }
0xd0: {  	v29 =	vadd.s32 v10, v30;
	v26 =	vadd.f32 v27, v26  }
0xd1: {  	s1 =	sadd.s32 $0x10, s1;
	v27 =	vadd.s32 v11, v30  }
0xd2: {  	v32 =	vadd.s32 v12, v30;
	[tilespmem:s1+$0x0] =	vst v26  }
0xd3: {  	v26 =	vld.idx.msk [tilespmem:v31+s25+$0x0], $0xffff;
	v31 =	vadd.s32 v13, v30  }
0xd4: {  	v33 =	vadd.s32 v14, v30;
	v28 =	vld.idx.msk [tilespmem:v28+s25+$0x0], $0xffff  }
0xd5: {  	v34 =	vadd.s32 v15, v30;
	v29 =	vld.idx.msk [tilespmem:v29+s25+$0x0], $0xffff  }
0xd6: {  	v35 =	vadd.s32 v16, v30;
	v27 =	vld.idx.msk [tilespmem:v27+s25+$0x0], $0xffff  }
0xd7: {  	v36 =	vadd.s32 v17, v30;
	v32 =	vld.idx.msk [tilespmem:v32+s25+$0x0], $0xffff  }
0xd8: {  	v37 =	vadd.s32 v18, v30;
	v31 =	vld.idx.msk [tilespmem:v31+s25+$0x0], $0xffff  }
0xd9: {  	v38 =	vadd.s32 v19, v30;
	v33 =	vld.idx.msk [tilespmem:v33+s25+$0x0], $0xffff  }
0xda: {  	v39 =	vadd.s32 v20, v30;
	v26 =	vadd.f32 $0.0e+00, v26;
	v28 =	vadd.f32 $0.0e+00, v28;
	v34 =	vld.idx.msk [tilespmem:v34+s25+$0x0], $0xffff  }
0xdb: {  	v40 =	vadd.s32 v21, v30;
	v35 =	vld.idx.msk [tilespmem:v35+s25+$0x0], $0xffff  }
0xdc: {  	v26 =	vadd.f32 v29, v26;
	v27 =	vadd.f32 v27, v28;
	v28 =	vadd.s32 v22, v30;
	v29 =	vld.idx.msk [tilespmem:v36+s25+$0x0], $0xffff  }
0xdd: {  	v30 =	vadd.s32 v23, v30;
	v36 =	vld.idx.msk [tilespmem:v37+s25+$0x0], $0xffff  }
0xde: {  	v32 =	vadd.f32 v32, v26;
	v27 =	vadd.f32 v31, v27;
	v37 =	vld.idx.msk [tilespmem:v38+s25+$0x0], $0xffff  }
0xdf: {  	v26 =	vld.idx.msk [tilespmem:v39+s25+$0x0], $0xffff  }
.Ltmp1:
0xe0: {  	v31 =	vadd.f32 v33, v32;
	v32 =	vadd.f32 v34, v27;
	v27 =	vld.idx.msk [tilespmem:v40+s25+$0x0], $0xffff;
	(pc) =	sbr.rel @p1 .LBB2_5-.Ltmp1, $4  }
0xe1: {  	v28 =	vld.idx.msk [tilespmem:v28+s25+$0x0], $0xffff  }
0xe2: {  	v31 =	vadd.f32 v35, v31;
	v32 =	vadd.f32 v29, v32;
	v29 =	vld.idx.msk [tilespmem:v30+s25+$0x0], $0xffff  }
0xe3: {  	v30 =	vmov s15  }
0xe4: {  	s15 =	sadd.s32 $0x10, s15;
	v31 =	vadd.f32 v36, v31;
	v30 =	vmul.u32 $0x18, v30;
	v32 =	vadd.f32 v37, v32  }
0xe5: {  	_ = 	snop  }
0xe6: {  	v30 =	vbroadcast v30, $0x0;
	v26 =	vadd.f32 v26, v31;
	v27 =	vadd.f32 v27, v32;
	_ =	sdelay $0x1  }
0xe7: {  	v31 =	vadd.s32 v3, v30;
	v26 =	vadd.f32 v28, v26;
	v27 =	vadd.f32 v29, v27  }
0xe8: {  	v28 =	vadd.s32 v9, v30  }
0xe9: {  	v29 =	vadd.s32 v10, v30;
	v26 =	vadd.f32 v27, v26  }
0xea: {  	s1 =	sadd.s32 $0x10, s1;
	v27 =	vadd.s32 v11, v30  }
0xeb: {  	v55 =	vadd.s32 v12, v30;
	[tilespmem:s1+$0x0] =	vst v26  }
0xec: {  	v26 =	vld.idx.msk [tilespmem:v31+s25+$0x0], $0xffff;
	v31 =	vadd.s32 v13, v30  }
0xed: {  	v33 =	vadd.s32 v14, v30;
	v28 =	vld.idx.msk [tilespmem:v28+s25+$0x0], $0xffff  }
0xee: {  	v34 =	vadd.s32 v15, v30;
	v29 =	vld.idx.msk [tilespmem:v29+s25+$0x0], $0xffff  }
0xef: {  	v35 =	vadd.s32 v16, v30;
	v27 =	vld.idx.msk [tilespmem:v27+s25+$0x0], $0xffff  }
0xf0: {  	v36 =	vadd.s32 v17, v30;
	v32 =	vld.idx.msk [tilespmem:v55+s25+$0x0], $0xffff  }
0xf1: {  	v37 =	vadd.s32 v18, v30;
	v31 =	vld.idx.msk [tilespmem:v31+s25+$0x0], $0xffff  }
0xf2: {  	v38 =	vadd.s32 v19, v30;
	v33 =	vld.idx.msk [tilespmem:v33+s25+$0x0], $0xffff;
	v26 =	vadd.f32 $0.0e+00, v26;
	v28 =	vadd.f32 $0.0e+00, v28  }
0xf3: {  	v39 =	vadd.s32 v20, v30;
	v34 =	vld.idx.msk [tilespmem:v34+s25+$0x0], $0xffff  }
0xf4: {  	v40 =	vadd.s32 v21, v30;
	v35 =	vld.idx.msk [tilespmem:v35+s25+$0x0], $0xffff;
	v26 =	vadd.f32 v29, v26;
	v27 =	vadd.f32 v27, v28  }
0xf5: {  	v28 =	vld.idx.msk [tilespmem:v36+s25+$0x0], $0xffff;
	v29 =	vadd.s32 v22, v30  }
0xf6: {  	v56 =	vld.idx.msk [tilespmem:v37+s25+$0x0], $0xffff;
	v30 =	vadd.s32 v23, v30;
	v26 =	vadd.f32 v32, v26;
	v27 =	vadd.f32 v31, v27  }
0xf7: {  	v31 =	vld.idx.msk [tilespmem:v38+s25+$0x0], $0xffff  }
0xf8: {  	v57 =	vld.idx.msk [tilespmem:v39+s25+$0x0], $0xffff;
	v26 =	vadd.f32 v33, v26;
	v27 =	vadd.f32 v34, v27  }
0xf9: {  	v58 =	vld.idx.msk [tilespmem:v40+s25+$0x0], $0xffff  }
0xfa: {  	v29 =	vld.idx.msk [tilespmem:v29+s25+$0x0], $0xffff;
	v26 =	vadd.f32 v35, v26;
	v27 =	vadd.f32 v28, v27  }
0xfb: {  	v28 =	vld.idx.msk [tilespmem:v30+s25+$0x0], $0xffff  }
0xfc: {  	v26 =	vadd.f32 v56, v26;
	v27 =	vadd.f32 v31, v27;
	_ =	sdelay $0x1  }
0xfd: {  	v26 =	vadd.f32 v57, v26;
	v27 =	vadd.f32 v58, v27  }
0xfe: {  	s15 =	sadd.s32 s6, s0  }
0xff: {  	p1 =	sgt.u32 s15, $0xFFF;
	v26 =	vadd.f32 v29, v26;
	v27 =	vadd.f32 v28, v27  }
0x100: {  	v28 =	vlaneseq.u32 @p1  }
0x101: {  	s16 =	sadd.s32 @p1 $0xFFFFF000, s15;
	v26 =	vadd.f32 v27, v26;
	v27 =	vmul.u32 @p1 $0x1000, v28  }
0x102: {  	s16 =	sshrl.u32 @p1 s16, $0x4;
	s1 =	sadd.s32 $0x10, s1  }
0x103: {  	[tilespmem:s1+$0x0] =	vst v26;
	v26 =	vadd.s32 @p1 s16, v27;
	s1 =	sor.u32 @p1 $0x1, s16  }
0x104: {  	[tilespmem:$0x1980] =	vst @p1 v26;
	v26 =	vadd.s32 @p1 s1, v27;
	s1 =	sor.u32 @p1 $0x2, s16  }
0x105: {  	[tilespmem:$0x1990] =	vst @p1 v26;
	v26 =	vadd.s32 @p1 s1, v27;
	s1 =	sor.u32 @p1 $0x3, s16  }
0x106: {  	[tilespmem:$0x19A0] =	vst @p1 v26;
	v26 =	vadd.s32 @p1 s1, v27;
	s1 =	sor.u32 @p1 $0x4, s16  }
0x107: {  	[tilespmem:$0x19B0] =	vst @p1 v26;
	v26 =	vadd.s32 @p1 s1, v27;
	s1 =	sor.u32 @p1 $0x5, s16  }
0x108: {  	[tilespmem:$0x19C0] =	vst @p1 v26;
	v26 =	vadd.s32 @p1 s1, v27;
	s1 =	sor.u32 @p1 $0x6, s16  }
0x109: {  	[tilespmem:$0x19D0] =	vst @p1 v26;
	v26 =	vadd.s32 @p1 s1, v27;
	s1 =	sor.u32 @p1 $0x7, s16  }
0x10a: {  	[tilespmem:$0x19E0] =	vst @p1 v26;
	v26 =	vadd.s32 @p1 s1, v27  }
0x10b: {  	s28 =	simm.s32 @p1 $0x19A00;
	s16 =	simm.s32 @p1 $0x1980;
	s1 =	simm.s32 @p1 $0x80;
	[tilespmem:$0x19F0] =	vst @p1 v26  }
0x10c: {  	[hbm4b:s7+s1] =	stream.indirect.scatter @p1 [tilespmem:s28], [sflag:$0x3], $0x1, s16, s1, $0xb8;
	[tilespmem:$0x1A780] =	vst v63  }
0x10d: {  	s1 =	sshrl.u32 @!p1 s15, $0x3  }
0x10e: {  	s15 =	simm.s32 @!p1 $0x0;
	s16 =	simm.s32 @!p1 $0x19A00;
	s1 =	sadd.s32 @!p1 s5, s1  }
0x10f: {  	[hbm4b:s1+s15] =	stream.linear.scatter @!p1 [tilespmem:s16], [sflag:$0x4], $0x80, $0x38;
	[tilespmem:$0x1A780] =	vst v63  }
0x110: {  	s1 =	simm.s32 @!p1 $0x4  }
0x111: {  	s1 =	simm.s32 @p1 $0x3  }
0x112: {  	_ =	swait.ge [sflag:s1], $0x80  }
0x113: {  	[sflag:s1] =	ssyncset.done $0x0  }
0x114: {  	s28 =	sadd.s32 $0x100, s0;
	[sflag:s1] =	ssyncadd.s32 $0xFFFFFF80  }
0x115: {  	[tilespmem:s18], [sflag:$0x1] =	stream.indirect.gather [hbm4b:s3+s17], $0x80, s28, s17, $0xb8;
	[tilespmem:$0x1A780] =	vst v63  }
0x116: {  	s15 =	sadd.s32 $0x980, s0  }
0x117: {  	[tilespmem:s19], [sflag:$0x1] =	stream.indirect.gather [hbm4b:s3+s17], $0x80, s15, s17, $0xb8;
	[tilespmem:$0x1A780] =	vst v63  }
0x118: {  	s16 =	sadd.s32 $0x1200, s0  }
0x119: {  	[tilespmem:s20], [sflag:$0x1] =	stream.indirect.gather [hbm4b:s4+s17], $0x80, s16, s17, $0xb8;
	[tilespmem:$0x1A780] =	vst v63  }
0x11a: {  	_ =	swait.ge [sflag:s26], $0x4000  }
0x11b: {  	[sflag:s26] =	ssyncset.done $0x0  }
0x11c: {  	[sflag:s26] =	ssyncadd.s32 $0xFFFFC000  }
0x11d: {  	_ =	swait.ge [sflag:s26], $0x4000  }
0x11e: {  	[sflag:s26] =	ssyncset.done $0x0  }
0x11f: {  	[sflag:s26] =	ssyncadd.s32 $0xFFFFC000  }
0x120: {  	_ =	swait.ge [sflag:s26], $0x4000  }
0x121: {  	[sflag:s26] =	ssyncset.done $0x0  }
0x122: {  	s28 =	simm.s32 $0x0;
	[sflag:s26] =	ssyncadd.s32 $0xFFFFC000  }
0x123: {  	v26 =	vld [tilespmem:s28+$0x15A50]  }
0x124: {  	v27 =	vld [tilespmem:s28+$0x15A10]  }
0x125: {  	v28 =	vld [tilespmem:s28+$0x15A40]  }
0x126: {  	v29 =	vld [tilespmem:s28+$0x15A00]  }
0x127: {  	v30 =	vld [tilespmem:s28+$0x11A20]  }
0x128: {  	v31 =	vld [tilespmem:s28+$0x11A00]  }
0x129: {  	v59 =	vld [tilespmem:s28+$0xDA00]  }
0x12a: {  	v60 =	vld [tilespmem:s28+$0x11A40]  }
0x12b: {  	v61 =	vld [tilespmem:s28+$0xDA40]  }
0x12c: {  	v62 =	vld [tilespmem:s28+$0x11A10]  }
0x12d: {  	v52 =	vld [tilespmem:s28+$0xDA10];
	v63 =	vmul.f32 v26, v26  }
0x12e: {  	v40 =	vld [tilespmem:s28+$0x11A50];
	v53 =	vmul.f32 v27, v27;
	v54 =	vmul.f32 v28, v28  }
0x12f: {  	v43 =	vld [tilespmem:s28+$0xDA50];
	v41 =	vmul.f32 v29, v29;
	v42 =	vmul.f32 v30, v30  }
0x130: {  	v49 =	vld [tilespmem:s28+$0x11A60];
	v44 =	vmul.f32 v31, v59;
	v45 =	vmul.f32 v60, v61  }
0x131: {  	v38 =	vld [tilespmem:s28+$0xDA60];
	v46 =	vmul.f32 v31, v31;
	v47 =	vmul.f32 v59, v59  }
0x132: {  	v32 =	vmul.f32 v60, v59;
	v31 =	vmul.f32 v31, v61  }
0x133: {  	v33 =	vmul.f32 v60, v60;
	v55 =	vmul.f32 v62, v52  }
0x134: {  	v56 =	vmul.f32 v40, v43;
	v34 =	vmul.f32 v61, v61  }
0x135: {  	v48 =	vld [tilespmem:s28+$0xDA20];
	v57 =	vmul.f32 v62, v62;
	v58 =	vmul.f32 v40, v52;
	v44 =	vadd.f32 v45, v44  }
0x136: {  	v50 =	vld [tilespmem:s28+$0x11A30];
	v35 =	vmul.f32 v62, v43;
	v60 =	vmul.f32 v49, v38;
	v36 =	vadd.f32 v63, v53  }
0x137: {  	v31 =	vsub.f32 v32, v31;
	v33 =	vadd.f32 v33, v46;
	v46 =	vld [tilespmem:s28+$0xDA70];
	v29 =	vmul.f32 v44, v29  }
0x138: {  	v37 =	vmul.f32 v52, v52;
	v39 =	vadd.f32 v54, v41;
	v32 =	vadd.f32 v56, v55;
	v44 =	vld [tilespmem:s28+$0xDA30]  }
0x139: {  	v34 =	vadd.f32 v34, v47;
	v28 =	vmul.f32 v28, v31;
	v31 =	vld [tilespmem:s28+$0x11A70];
	v29 =	vadd.f32 $0.0e+00, v29  }
0x13a: {  	v59 =	vld [tilespmem:s28+$0x15A20];
	v35 =	vsub.f32 v58, v35;
	v55 =	vmul.f32 v40, v40;
	v58 =	vmul.f32 v38, v38  }
0x13b: {  	v27 =	vmul.f32 v32, v27;
	v28 =	vadd.f32 v29, v28;
	v29 =	vmul.f32 v30, v48  }
0x13c: {  	v61 =	vld [tilespmem:s28+$0x15A60];
	v26 =	vmul.f32 v26, v35;
	v62 =	vadd.f32 v33, v34;
	v30 =	vmul.f32 v30, v38  }
0x13d: {  	v27 =	vadd.f32 v27, v28;
	v28 =	vmul.f32 v49, v48;
	v29 =	vadd.f32 v60, v29  }
0x13e: {  	v63 =	vld [tilespmem:s28+$0x15A30];
	v56 =	vadd.f32 v55, v57;
	v51 =	vmul.f32 v50, v44;
	v52 =	vmul.f32 v31, v46  }
0x13f: {  	v26 =	vadd.f32 v27, v26;
	v27 =	vsub.f32 v28, v30;
	v28 =	vmul.f32 v29, v59  }
0x140: {  	v54 =	vmul.f32 v50, v46;
	v53 =	vmul.f32 v31, v44;
	v29 =	vadd.f32 v39, v62;
	v30 =	vld [tilespmem:s28+$0x15A70]  }
0x141: {  	v26 =	vadd.f32 v28, v26;
	v27 =	vmul.f32 v61, v27;
	v28 =	vadd.f32 v52, v51  }
0x142: {  	v57 =	vmul.f32 v48, v48;
	v25 =	vadd.f32 v29, v25;
	v29 =	vmul.f32 v43, v43  }
0x143: {  	v26 =	vadd.f32 v26, v27;
	v27 =	vsub.f32 v53, v54;
	v28 =	vmul.f32 v28, v63  }
0x144: {  	v29 =	vadd.f32 v29, v37  }
0x145: {  	v34 =	vadd.f32 v58, v57;
	v26 =	vadd.f32 v28, v26;
	v27 =	vmul.f32 v30, v27  }
0x146: {  	v33 =	vmul.f32 v63, v63;
	v28 =	vadd.f32 v56, v29;
	v29 =	vmul.f32 v49, v49  }
0x147: {  	v31 =	vmul.f32 v31, v31;
	v62 =	vmul.f32 v50, v50;
	v26 =	vadd.f32 v26, v27  }
0x148: {  	s0 =	simm.s32 $0x19B80;
	v60 =	vmul.f32 v61, v61;
	v59 =	vmul.f32 v59, v59;
	v27 =	vadd.f32 v29, v42  }
0x149: {  	s15 =	simm.s32 $0x80;
	v61 =	vmul.f32 v46, v46;
	v31 =	vadd.f32 v31, v62;
	v29 =	vmul.f32 v44, v44;
	[tilespmem:s0+$0x0] =	vst v26  }
0x14a: {  	v30 =	vmul.f32 v30, v30;
	v36 =	vadd.f32 v36, v28;
	v26 =	vadd.f32 v27, v34;
	v28 =	vld [tilespmem:s15+$0x15A50]  }
0x14b: {  	v27 =	vadd.f32 v60, v59;
	v29 =	vadd.f32 v61, v29;
	v32 =	vld [tilespmem:s15+$0x15A10]  }
0x14c: {  	v30 =	vadd.f32 v30, v33;
	v63 =	vadd.f32 v36, v25;
	v40 =	vld [tilespmem:s15+$0x15A40]  }
0x14d: {  	v26 =	vadd.f32 v27, v26;
	v27 =	vld [tilespmem:s15+$0x15A00];
	v31 =	vadd.f32 v31, v29  }
0x14e: {  	v25 =	vld [tilespmem:s15+$0x11A20]  }
0x14f: {  	v29 =	vld [tilespmem:s15+$0x11A00];
	v26 =	vadd.f32 v26, v63;
	v31 =	vadd.f32 v30, v31  }
0x150: {  	v30 =	vld [tilespmem:s15+$0xDA00];
	v39 =	vmul.f32 v28, v28;
	v41 =	vmul.f32 v32, v32  }
0x151: {  	s1 =	simm.s32 $0x0;
	s16 =	simm.s32 $0x400;
	v34 =	vld [tilespmem:s15+$0x11A40];
	v37 =	vmul.f32 v40, v40;
	v26 =	vadd.f32 v31, v26  }
.LBB2_7:
0x152: {  	p1 =	sne.s32 s16, $0xFE00;
	v31 =	vld [tilespmem:s15+$0xDA40];
	v33 =	vmul.f32 v27, v27;
	v35 =	vadd.f32 v39, v41  }
0x153: {  	v36 =	vld [tilespmem:s15+$0x11A10];
	v38 =	vmul.f32 v25, v25  }
0x154: {  	v39 =	vmul.f32 v29, v29;
	v33 =	vadd.f32 v37, v33;
	v37 =	vld [tilespmem:s15+$0xDA10]  }
0x155: {  	v41 =	vmul.f32 v30, v30;
	v42 =	vld [tilespmem:s15+$0x11A50]  }
0x156: {  	v43 =	vmul.f32 v34, v34;
	v44 =	vld [tilespmem:s15+$0xDA50]  }
0x157: {  	v45 =	vmul.f32 v29, v30;
	v46 =	vmul.f32 v34, v31;
	v47 =	vld [tilespmem:s15+$0xDA20]  }
0x158: {  	v48 =	vmul.f32 v31, v31;
	v39 =	vadd.f32 v43, v39;
	v43 =	vmul.f32 v36, v36;
	v49 =	vld [tilespmem:s15+$0x11A60]  }
0x159: {  	v30 =	vmul.f32 v34, v30;
	v29 =	vmul.f32 v29, v31;
	v45 =	vadd.f32 v46, v45;
	v31 =	vld [tilespmem:s15+$0xDA60]  }
0x15a: {  	v34 =	vadd.f32 v48, v41;
	v41 =	vmul.f32 v37, v37;
	v46 =	vmul.f32 v36, v37;
	v48 =	vld [tilespmem:s15+$0x11A30]  }
0x15b: {  	v29 =	vsub.f32 v30, v29;
	v27 =	vmul.f32 v45, v27;
	v30 =	vmul.f32 v42, v44;
	v45 =	vld [tilespmem:s15+$0xDA30]  }
0x15c: {  	v37 =	vmul.f32 v42, v37;
	v34 =	vadd.f32 v39, v34;
	v36 =	vmul.f32 v36, v44;
	v39 =	vld [tilespmem:s15+$0x11A70]  }
0x15d: {  	v29 =	vmul.f32 v40, v29;
	v27 =	vadd.f32 $0.0e+00, v27;
	v30 =	vadd.f32 v30, v46;
	v40 =	vld [tilespmem:s15+$0xDA70]  }
0x15e: {  	v33 =	vadd.f32 v33, v34;
	v46 =	vmul.f32 v25, v47;
	v34 =	vld [tilespmem:s15+$0x15A20];
	v50 =	vmul.f32 v49, v31  }
0x15f: {  	v27 =	vadd.f32 v27, v29;
	v29 =	vsub.f32 v37, v36;
	v30 =	vmul.f32 v30, v32  }
0x160: {  	v25 =	vmul.f32 v25, v31;
	v26 =	vadd.f32 v33, v26;
	v33 =	vmul.f32 v49, v47;
	v32 =	vld [tilespmem:s15+$0x15A60]  }
0x161: {  	v27 =	vadd.f32 v30, v27;
	v28 =	vmul.f32 v28, v29;
	v29 =	vadd.f32 v50, v46  }
0x162: {  	v36 =	vmul.f32 v48, v45;
	v30 =	vld [tilespmem:s15+$0x15A30];
	v37 =	vmul.f32 v39, v40  }
0x163: {  	v25 =	vsub.f32 v33, v25;
	v27 =	vadd.f32 v27, v28;
	v28 =	vmul.f32 v29, v34  }
0x164: {  	v33 =	vmul.f32 v39, v45;
	v46 =	vmul.f32 v48, v40;
	v29 =	vld [tilespmem:s15+$0x15A70]  }
0x165: {  	v27 =	vadd.f32 v28, v27;
	v25 =	vmul.f32 v32, v25;
	v28 =	vadd.f32 v37, v36  }
0x166: {  	v36 =	vmul.f32 v44, v44;
	v37 =	vmul.f32 v42, v42  }
0x167: {  	v25 =	vadd.f32 v27, v25;
	v27 =	vsub.f32 v33, v46;
	v28 =	vmul.f32 v28, v30  }
0x168: {  	v33 =	vadd.f32 v36, v41;
	v36 =	vadd.f32 v37, v43;
	v37 =	vmul.f32 v47, v47  }
0x169: {  	v31 =	vmul.f32 v31, v31;
	v25 =	vadd.f32 v28, v25;
	v27 =	vmul.f32 v29, v27  }
0x16a: {  	v34 =	vmul.f32 v34, v34;
	v28 =	vadd.f32 v36, v33;
	v33 =	vmul.f32 v49, v49  }
0x16b: {  	v32 =	vmul.f32 v32, v32;
	v31 =	vadd.f32 v31, v37;
	v25 =	vadd.f32 v25, v27  }
0x16c: {  	s0 =	sadd.s32 $0x18, s0;
	v36 =	vmul.f32 v40, v40;
	v27 =	vadd.f32 v33, v38;
	v33 =	vmul.f32 v45, v45  }
0x16d: {  	s15 =	sshra.s32 s16, $0x2;
	v37 =	vmul.f32 v48, v48;
	v35 =	vadd.f32 v35, v28;
	v38 =	vmul.f32 v39, v39;
	[tilespmem:s0+$0x0] =	vst v25  }
0x16e: {  	v30 =	vmul.f32 v30, v30;
	v25 =	vadd.f32 v27, v31;
	v27 =	vadd.f32 v32, v34;
	v28 =	vld [tilespmem:s15+$0x15A50]  }
0x16f: {  	v29 =	vmul.f32 v29, v29;
	v31 =	vadd.f32 v36, v33;
	v33 =	vadd.f32 v38, v37;
	v32 =	vld [tilespmem:s15+$0x15A10]  }
0x170: {  	v26 =	vadd.f32 v35, v26;
	v34 =	vadd.f32 v27, v25;
	v40 =	vld [tilespmem:s15+$0x15A40]  }
.Ltmp2:
0x171: {  	v30 =	vadd.f32 v29, v30;
	v31 =	vadd.f32 v33, v31;
	v27 =	vld [tilespmem:s15+$0x15A00];
	(pc) =	sbr.rel @p1 .LBB2_7-.Ltmp2, $4  }
0x172: {  	v26 =	vadd.f32 v34, v26;
	v25 =	vld [tilespmem:s15+$0x11A20]  }
0x173: {  	v31 =	vadd.f32 v30, v31;
	v29 =	vld [tilespmem:s15+$0x11A00];
	v39 =	vmul.f32 v28, v28  }
0x174: {  	v30 =	vld [tilespmem:s15+$0xDA00];
	v41 =	vmul.f32 v32, v32  }
0x175: {  	s16 =	sadd.s32 $0x200, s16;
	v26 =	vadd.f32 v31, v26;
	v34 =	vld [tilespmem:s15+$0x11A40];
	v37 =	vmul.f32 v40, v40  }
0x176: {  	v42 =	vld [tilespmem:s15+$0xDA40]  }
0x177: {  	v43 =	vld [tilespmem:s15+$0x11A10]  }
0x178: {  	v44 =	vld [tilespmem:s15+$0xDA10]  }
0x179: {  	v45 =	vld [tilespmem:s15+$0x11A50]  }
0x17a: {  	v46 =	vld [tilespmem:s15+$0xDA50]  }
0x17b: {  	v38 =	vld [tilespmem:s15+$0xDA20];
	v31 =	vmul.f32 v29, v30;
	v33 =	vmul.f32 v34, v42  }
0x17c: {  	v36 =	vld [tilespmem:s15+$0x11A60]  }
0x17d: {  	v48 =	vld [tilespmem:s15+$0xDA60];
	v35 =	vmul.f32 v34, v30;
	v47 =	vmul.f32 v29, v42;
	v33 =	vadd.f32 v33, v31  }
0x17e: {  	v55 =	vld [tilespmem:s15+$0xDA70];
	v49 =	vmul.f32 v43, v44  }
0x17f: {  	v51 =	vmul.f32 v45, v46;
	v31 =	vld [tilespmem:s15+$0x11A30];
	v47 =	vsub.f32 v35, v47;
	v50 =	vmul.f32 v33, v27  }
0x180: {  	v52 =	vmul.f32 v45, v44;
	v53 =	vmul.f32 v43, v46;
	v35 =	vld [tilespmem:s15+$0xDA30]  }
0x181: {  	v62 =	vadd.f32 v51, v49;
	v49 =	vld [tilespmem:s15+$0x15A20];
	v40 =	vmul.f32 v40, v47;
	v50 =	vadd.f32 $0.0e+00, v50  }
0x182: {  	v63 =	vmul.f32 v25, v38;
	v54 =	vmul.f32 v36, v48;
	v33 =	vld [tilespmem:s15+$0x11A70]  }
0x183: {  	v56 =	vsub.f32 v52, v53;
	v32 =	vmul.f32 v62, v32;
	v47 =	vld [tilespmem:s15+$0x15A60];
	v40 =	vadd.f32 v50, v40  }
0x184: {  	v57 =	vmul.f32 v36, v38;
	v58 =	vmul.f32 v25, v48  }
0x185: {  	v59 =	vadd.f32 v54, v63;
	v28 =	vmul.f32 v28, v56;
	v32 =	vadd.f32 v32, v40  }
0x186: {  	v51 =	vld [tilespmem:s15+$0x15A30];
	v52 =	vsub.f32 v57, v58;
	v56 =	vmul.f32 v31, v55;
	v50 =	vmul.f32 v31, v35  }
0x187: {  	v60 =	vmul.f32 v33, v55;
	v40 =	vmul.f32 v59, v49;
	v32 =	vadd.f32 v32, v28  }
0x188: {  	v63 =	vmov s1;
	v61 =	vmul.f32 v33, v35;
	v62 =	vmul.f32 v47, v52;
	v28 =	vld [tilespmem:s15+$0x15A70]  }
0x189: {  	v52 =	vmul.u32 $0x18, v63;
	v50 =	vadd.f32 v60, v50;
	v32 =	vadd.f32 v40, v32  }
0x18a: {  	v58 =	vsub.f32 v61, v56  }
0x18b: {  	v52 =	vbroadcast v52, $0x0;
	v50 =	vmul.f32 v50, v51;
	v32 =	vadd.f32 v32, v62;
	_ =	sdelay $0x1  }
0x18c: {  	v59 =	vadd.s32 v3, v52;
	v40 =	vmul.f32 v28, v58;
	v32 =	vadd.f32 v50, v32  }
0x18d: {  	v61 =	vadd.s32 v9, v52  }
0x18e: {  	v62 =	vadd.s32 v10, v52;
	v32 =	vadd.f32 v32, v40  }
0x18f: {  	s0 =	sadd.s32 $0x18, s0;
	v63 =	vadd.s32 v11, v52  }
0x190: {  	v60 =	vadd.s32 v12, v52;
	[tilespmem:s0+$0x0] =	vst v32  }
0x191: {  	v56 =	vadd.s32 v13, v52;
	v50 =	vld.idx.msk [tilespmem:v59+s25+$0x0], $0xffff  }
0x192: {  	v57 =	vadd.s32 v14, v52;
	v53 =	vld.idx.msk [tilespmem:v61+s25+$0x0], $0xffff  }
0x193: {  	v58 =	vadd.s32 v15, v52;
	v40 =	vld.idx.msk [tilespmem:v62+s25+$0x0], $0xffff  }
0x194: {  	v54 =	vld.idx.msk [tilespmem:v63+s25+$0x0], $0xffff;
	v59 =	vadd.s32 v16, v52  }
0x195: {  	v32 =	vld.idx.msk [tilespmem:v60+s25+$0x0], $0xffff;
	v60 =	vadd.s32 v17, v52  }
0x196: {  	v56 =	vld.idx.msk [tilespmem:v56+s25+$0x0], $0xffff;
	v62 =	vadd.s32 v19, v52;
	v50 =	vadd.f32 $0.0e+00, v50  }
0x197: {  	v61 =	vadd.s32 v18, v52;
	v57 =	vld.idx.msk [tilespmem:v57+s25+$0x0], $0xffff;
	v53 =	vadd.f32 $0.0e+00, v53  }
0x198: {  	v39 =	vadd.f32 v39, v41;
	v58 =	vld.idx.msk [tilespmem:v58+s25+$0x0], $0xffff;
	v40 =	vadd.f32 v40, v50;
	v50 =	vadd.s32 v20, v52  }
0x199: {  	v30 =	vmul.f32 v30, v30;
	v59 =	vld.idx.msk [tilespmem:v59+s25+$0x0], $0xffff;
	v53 =	vadd.f32 v54, v53;
	v54 =	vadd.s32 v21, v52  }
0x19a: {  	v42 =	vmul.f32 v42, v42;
	v60 =	vld.idx.msk [tilespmem:v60+s25+$0x0], $0xffff;
	v32 =	vadd.f32 v32, v40;
	v40 =	vadd.s32 v22, v52  }
0x19b: {  	v29 =	vmul.f32 v29, v29;
	v63 =	vld.idx.msk [tilespmem:v62+s25+$0x0], $0xffff;
	v41 =	vadd.f32 v56, v53;
	v52 =	vadd.s32 v23, v52  }
0x19c: {  	v30 =	vadd.f32 v42, v30;
	v27 =	vmul.f32 v27, v27;
	v53 =	vld.idx.msk [tilespmem:v61+s25+$0x0], $0xffff;
	v61 =	vmul.f32 v34, v34  }
0x19d: {  	v32 =	vadd.f32 v57, v32;
	v41 =	vadd.f32 v58, v41;
	v50 =	vld.idx.msk [tilespmem:v50+s25+$0x0], $0xffff  }
0x19e: {  	v25 =	vmul.f32 v25, v25;
	v27 =	vadd.f32 v37, v27;
	v29 =	vadd.f32 v61, v29;
	v57 =	vld.idx.msk [tilespmem:v54+s25+$0x0], $0xffff  }
0x19f: {  	s16 =	simm.s32 $0x10;
	v31 =	vmul.f32 v31, v31;
	v32 =	vadd.f32 v59, v32;
	v41 =	vadd.f32 v60, v41;
	v40 =	vld.idx.msk [tilespmem:v40+s25+$0x0], $0xffff  }
0x1a0: {  	v33 =	vmul.f32 v33, v33;
	v59 =	vmov s16;
	v29 =	vadd.f32 v29, v30;
	v58 =	vld.idx.msk [tilespmem:v52+s25+$0x0], $0xffff  }
0x1a1: {  	v60 =	vmul.u32 $0x18, v59;
	v32 =	vadd.f32 v53, v32;
	v30 =	vadd.f32 v63, v41  }
0x1a2: {  	v35 =	vmul.f32 v35, v35;
	v31 =	vadd.f32 v33, v31;
	v62 =	vmul.f32 v44, v44  }
0x1a3: {  	v41 =	vbroadcast v60, $0x0;
	v32 =	vadd.f32 v50, v32;
	v30 =	vadd.f32 v57, v30  }
0x1a4: {  	v61 =	vmul.f32 v43, v43;
	v27 =	vadd.f32 v27, v29;
	v29 =	vmul.f32 v46, v46  }
0x1a5: {  	v50 =	vadd.s32 v3, v41;
	v32 =	vadd.f32 v40, v32;
	v30 =	vadd.f32 v58, v30  }
0x1a6: {  	v26 =	vadd.f32 v27, v26;
	v27 =	vadd.f32 v29, v62;
	v29 =	vadd.s32 v9, v41  }
0x1a7: {  	v63 =	vmul.f32 v45, v45;
	v52 =	vadd.s32 v10, v41;
	v30 =	vadd.f32 v30, v32  }
0x1a8: {  	v28 =	vmul.f32 v28, v28;
	s0 =	simm.s32 $0x19A80;
	v54 =	vmul.f32 v48, v48;
	v56 =	vadd.s32 v11, v41  }
0x1a9: {  	v53 =	vmul.f32 v38, v38;
	v34 =	vadd.f32 v63, v61;
	v58 =	vadd.s32 v12, v41;
	[tilespmem:s0+$0x0] =	vst v30  }
0x1aa: {  	v57 =	vmul.f32 v36, v36;
	v61 =	vmul.f32 v47, v47;
	v60 =	vadd.s32 v13, v41;
	v59 =	vld.idx.msk [tilespmem:v50+s25+$0x0], $0xffff  }
0x1ab: {  	v63 =	vmul.f32 v55, v55;
	v62 =	vadd.s32 v14, v41;
	v48 =	vadd.s32 v15, v41;
	v29 =	vld.idx.msk [tilespmem:v29+s25+$0x0], $0xffff  }
0x1ac: {  	v55 =	vadd.s32 v18, v41;
	v27 =	vadd.f32 v34, v27;
	v25 =	vadd.f32 v57, v25;
	v37 =	vld.idx.msk [tilespmem:v52+s25+$0x0], $0xffff  }
0x1ad: {  	v32 =	vadd.f32 v54, v53;
	v53 =	vadd.s32 v17, v41;
	v30 =	vmul.f32 v49, v49;
	v49 =	vld.idx.msk [tilespmem:v56+s25+$0x0], $0xffff  }
0x1ae: {  	v35 =	vadd.f32 v63, v35;
	v27 =	vadd.f32 v39, v27;
	v50 =	vadd.s32 v16, v41;
	v52 =	vld.idx.msk [tilespmem:v58+s25+$0x0], $0xffff  }
0x1af: {  	v54 =	vmul.f32 v51, v51;
	v25 =	vadd.f32 v25, v32;
	v42 =	vld.idx.msk [tilespmem:v60+s25+$0x0], $0xffff;
	v30 =	vadd.f32 v61, v30  }
0x1b0: {  	v34 =	vld.idx.msk [tilespmem:v62+s25+$0x0], $0xffff;
	v56 =	vadd.s32 v19, v41;
	v38 =	vadd.f32 $0.0e+00, v59;
	v29 =	vadd.f32 $0.0e+00, v29  }
0x1b1: {  	v26 =	vadd.f32 v27, v26;
	v27 =	vadd.s32 v21, v41;
	v57 =	vld.idx.msk [tilespmem:v48+s25+$0x0], $0xffff;
	v25 =	vadd.f32 v30, v25  }
0x1b2: {  	v58 =	vadd.s32 v20, v41;
	v30 =	vld.idx.msk [tilespmem:v53+s25+$0x0], $0xffff;
	v37 =	vadd.f32 v37, v38;
	v29 =	vadd.f32 v49, v29  }
0x1b3: {  	v31 =	vadd.f32 v31, v35;
	v28 =	vadd.f32 v28, v54;
	v40 =	vld.idx.msk [tilespmem:v50+s25+$0x0], $0xffff;
	v59 =	vadd.s32 v22, v41  }
0x1b4: {  	v60 =	vld.idx.msk [tilespmem:v55+s25+$0x0], $0xffff;
	v61 =	vadd.s32 v23, v41;
	v32 =	vadd.f32 v52, v37;
	v29 =	vadd.f32 v42, v29  }
0x1b5: {  	v28 =	vadd.f32 v28, v31;
	v62 =	vld.idx.msk [tilespmem:v56+s25+$0x0], $0xffff;
	v25 =	vadd.f32 v25, v26  }
0x1b6: {  	v27 =	vld.idx.msk [tilespmem:v27+s25+$0x0], $0xffff;
	v32 =	vadd.f32 v34, v32;
	v29 =	vadd.f32 v57, v29  }
0x1b7: {  	v26 =	vld.idx.msk [tilespmem:v58+s25+$0x0], $0xffff;
	v25 =	vadd.f32 v28, v25  }
0x1b8: {  	s28 =	simm.s32 $0x20;
	v28 =	vld.idx.msk [tilespmem:v59+s25+$0x0], $0xffff;
	v31 =	vadd.f32 v40, v32;
	v63 =	vadd.f32 v30, v29  }
0x1b9: {  	v30 =	vmov s28;
	v29 =	vld.idx.msk [tilespmem:v61+s25+$0x0], $0xffff  }
0x1ba: {  	s1 =	simm.s32 $0x30;
	v30 =	vmul.u32 $0x18, v30;
	v31 =	vadd.f32 v60, v31;
	v32 =	vadd.f32 v62, v63  }
.LBB2_9:
0x1bb: {  	p1 =	sne.s32 s1, $0x70  }
0x1bc: {  	v30 =	vbroadcast v30, $0x0;
	v26 =	vadd.f32 v26, v31;
	v27 =	vadd.f32 v27, v32;
	_ =	sdelay $0x1  }
0x1bd: {  	v31 =	vadd.s32 v3, v30;
	v26 =	vadd.f32 v28, v26;
	v27 =	vadd.f32 v29, v27  }
0x1be: {  	v28 =	vadd.s32 v9, v30  }
0x1bf: {  	v29 =	vadd.s32 v10, v30;
	v26 =	vadd.f32 v27, v26  }
0x1c0: {  	s0 =	sadd.s32 $0x10, s0;
	v27 =	vadd.s32 v11, v30  }
0x1c1: {  	v32 =	vadd.s32 v12, v30;
	[tilespmem:s0+$0x0] =	vst v26  }
0x1c2: {  	v26 =	vld.idx.msk [tilespmem:v31+s25+$0x0], $0xffff;
	v31 =	vadd.s32 v13, v30  }
0x1c3: {  	v33 =	vadd.s32 v14, v30;
	v28 =	vld.idx.msk [tilespmem:v28+s25+$0x0], $0xffff  }
0x1c4: {  	v34 =	vadd.s32 v15, v30;
	v29 =	vld.idx.msk [tilespmem:v29+s25+$0x0], $0xffff  }
0x1c5: {  	v35 =	vadd.s32 v16, v30;
	v27 =	vld.idx.msk [tilespmem:v27+s25+$0x0], $0xffff  }
0x1c6: {  	v36 =	vadd.s32 v17, v30;
	v32 =	vld.idx.msk [tilespmem:v32+s25+$0x0], $0xffff  }
0x1c7: {  	v37 =	vadd.s32 v18, v30;
	v31 =	vld.idx.msk [tilespmem:v31+s25+$0x0], $0xffff  }
0x1c8: {  	v38 =	vadd.s32 v19, v30;
	v33 =	vld.idx.msk [tilespmem:v33+s25+$0x0], $0xffff  }
0x1c9: {  	v39 =	vadd.s32 v20, v30;
	v26 =	vadd.f32 $0.0e+00, v26;
	v28 =	vadd.f32 $0.0e+00, v28;
	v34 =	vld.idx.msk [tilespmem:v34+s25+$0x0], $0xffff  }
0x1ca: {  	v40 =	vadd.s32 v21, v30;
	v35 =	vld.idx.msk [tilespmem:v35+s25+$0x0], $0xffff  }
0x1cb: {  	v26 =	vadd.f32 v29, v26;
	v27 =	vadd.f32 v27, v28;
	v28 =	vadd.s32 v22, v30;
	v29 =	vld.idx.msk [tilespmem:v36+s25+$0x0], $0xffff  }
0x1cc: {  	v30 =	vadd.s32 v23, v30;
	v36 =	vld.idx.msk [tilespmem:v37+s25+$0x0], $0xffff  }
0x1cd: {  	v32 =	vadd.f32 v32, v26;
	v27 =	vadd.f32 v31, v27;
	v37 =	vld.idx.msk [tilespmem:v38+s25+$0x0], $0xffff  }
0x1ce: {  	v26 =	vld.idx.msk [tilespmem:v39+s25+$0x0], $0xffff  }
.Ltmp3:
0x1cf: {  	v31 =	vadd.f32 v33, v32;
	v32 =	vadd.f32 v34, v27;
	v27 =	vld.idx.msk [tilespmem:v40+s25+$0x0], $0xffff;
	(pc) =	sbr.rel @p1 .LBB2_9-.Ltmp3, $4  }
0x1d0: {  	v28 =	vld.idx.msk [tilespmem:v28+s25+$0x0], $0xffff  }
0x1d1: {  	v31 =	vadd.f32 v35, v31;
	v32 =	vadd.f32 v29, v32;
	v29 =	vld.idx.msk [tilespmem:v30+s25+$0x0], $0xffff  }
0x1d2: {  	v30 =	vmov s1  }
0x1d3: {  	s1 =	sadd.s32 $0x10, s1;
	v31 =	vadd.f32 v36, v31;
	v30 =	vmul.u32 $0x18, v30;
	v32 =	vadd.f32 v37, v32  }
0x1d4: {  	_ = 	snop  }
0x1d5: {  	v30 =	vbroadcast v30, $0x0;
	v26 =	vadd.f32 v26, v31;
	v27 =	vadd.f32 v27, v32;
	_ =	sdelay $0x1  }
0x1d6: {  	v52 =	vadd.s32 v3, v30;
	v26 =	vadd.f32 v28, v26;
	v27 =	vadd.f32 v29, v27  }
0x1d7: {  	v53 =	vadd.s32 v9, v30  }
0x1d8: {  	v54 =	vadd.s32 v10, v30;
	v26 =	vadd.f32 v27, v26  }
0x1d9: {  	s0 =	sadd.s32 $0x10, s0;
	v27 =	vadd.s32 v11, v30  }
0x1da: {  	v55 =	vadd.s32 v12, v30;
	[tilespmem:s0+$0x0] =	vst v26  }
0x1db: {  	v56 =	vadd.s32 v13, v30;
	v26 =	vld.idx.msk [tilespmem:v52+s25+$0x0], $0xffff  }
0x1dc: {  	v33 =	vadd.s32 v14, v30;
	v28 =	vld.idx.msk [tilespmem:v53+s25+$0x0], $0xffff  }
0x1dd: {  	v34 =	vadd.s32 v15, v30;
	v29 =	vld.idx.msk [tilespmem:v54+s25+$0x0], $0xffff  }
0x1de: {  	v35 =	vadd.s32 v16, v30;
	v27 =	vld.idx.msk [tilespmem:v27+s25+$0x0], $0xffff  }
0x1df: {  	v36 =	vadd.s32 v17, v30;
	v32 =	vld.idx.msk [tilespmem:v55+s25+$0x0], $0xffff  }
0x1e0: {  	v37 =	vadd.s32 v18, v30;
	v31 =	vld.idx.msk [tilespmem:v56+s25+$0x0], $0xffff  }
0x1e1: {  	v38 =	vadd.s32 v19, v30;
	v33 =	vld.idx.msk [tilespmem:v33+s25+$0x0], $0xffff;
	v26 =	vadd.f32 $0.0e+00, v26;
	v28 =	vadd.f32 $0.0e+00, v28  }
0x1e2: {  	v39 =	vadd.s32 v20, v30;
	v34 =	vld.idx.msk [tilespmem:v34+s25+$0x0], $0xffff  }
0x1e3: {  	v40 =	vadd.s32 v21, v30;
	v35 =	vld.idx.msk [tilespmem:v35+s25+$0x0], $0xffff;
	v26 =	vadd.f32 v29, v26;
	v27 =	vadd.f32 v27, v28  }
0x1e4: {  	v58 =	vadd.s32 v22, v30;
	v30 =	vadd.s32 v23, v30;
	v57 =	vld.idx.msk [tilespmem:v36+s25+$0x0], $0xffff  }
0x1e5: {  	v59 =	vld.idx.msk [tilespmem:v37+s25+$0x0], $0xffff;
	v26 =	vadd.f32 v32, v26;
	v27 =	vadd.f32 v31, v27  }
0x1e6: {  	v60 =	vld.idx.msk [tilespmem:v38+s25+$0x0], $0xffff  }
0x1e7: {  	v61 =	vld.idx.msk [tilespmem:v39+s25+$0x0], $0xffff;
	v26 =	vadd.f32 v33, v26;
	v27 =	vadd.f32 v34, v27  }
0x1e8: {  	v62 =	vld.idx.msk [tilespmem:v40+s25+$0x0], $0xffff  }
0x1e9: {  	v63 =	vld.idx.msk [tilespmem:v30+s25+$0x0], $0xffff;
	v26 =	vadd.f32 v35, v26;
	v27 =	vadd.f32 v57, v27  }
0x1ea: {  	v29 =	vld.idx.msk [tilespmem:v58+s25+$0x0], $0xffff  }
0x1eb: {  	v26 =	vadd.f32 v59, v26;
	v27 =	vadd.f32 v60, v27;
	_ =	sdelay $0x1  }
0x1ec: {  	v26 =	vadd.f32 v61, v26;
	v27 =	vadd.f32 v62, v27  }
0x1ed: {  	s1 =	sadd.s32 s6, s31  }
0x1ee: {  	p1 =	sgt.u32 s1, $0xFFF;
	v26 =	vadd.f32 v29, v26;
	v27 =	vadd.f32 v63, v27  }
0x1ef: {  	v28 =	vlaneseq.u32 @p1  }
0x1f0: {  	s15 =	sadd.s32 @p1 $0xFFFFF000, s1;
	v26 =	vadd.f32 v27, v26;
	v27 =	vmul.u32 @p1 $0x1000, v28  }
0x1f1: {  	s15 =	sshrl.u32 @p1 s15, $0x4;
	s0 =	sadd.s32 $0x10, s0  }
0x1f2: {  	[tilespmem:s0+$0x0] =	vst v26;
	v26 =	vadd.s32 @p1 s15, v27;
	s0 =	sor.u32 @p1 $0x1, s15  }
0x1f3: {  	[tilespmem:$0x1980] =	vst @p1 v26;
	v26 =	vadd.s32 @p1 s0, v27;
	s0 =	sor.u32 @p1 $0x2, s15  }
0x1f4: {  	[tilespmem:$0x1990] =	vst @p1 v26;
	v26 =	vadd.s32 @p1 s0, v27;
	s0 =	sor.u32 @p1 $0x3, s15  }
0x1f5: {  	[tilespmem:$0x19A0] =	vst @p1 v26;
	v26 =	vadd.s32 @p1 s0, v27;
	s0 =	sor.u32 @p1 $0x4, s15  }
0x1f6: {  	[tilespmem:$0x19B0] =	vst @p1 v26;
	v26 =	vadd.s32 @p1 s0, v27;
	s0 =	sor.u32 @p1 $0x5, s15  }
0x1f7: {  	[tilespmem:$0x19C0] =	vst @p1 v26;
	v26 =	vadd.s32 @p1 s0, v27;
	s0 =	sor.u32 @p1 $0x6, s15  }
0x1f8: {  	[tilespmem:$0x19D0] =	vst @p1 v26;
	v26 =	vadd.s32 @p1 s0, v27;
	s0 =	sor.u32 @p1 $0x7, s15  }
0x1f9: {  	[tilespmem:$0x19E0] =	vst @p1 v26;
	v26 =	vadd.s32 @p1 s0, v27  }
0x1fa: {  	s16 =	simm.s32 @p1 $0x19A80;
	s15 =	simm.s32 @p1 $0x1980;
	s0 =	simm.s32 @p1 $0x80;
	[tilespmem:$0x19F0] =	vst @p1 v26  }
0x1fb: {  	[hbm4b:s7+s0] =	stream.indirect.scatter @p1 [tilespmem:s16], [sflag:$0x3], $0x1, s15, s0, $0xb8;
	[tilespmem:$0x1A780] =	vst v63  }
0x1fc: {  	s0 =	sshrl.u32 @!p1 s1, $0x3  }
0x1fd: {  	s1 =	simm.s32 @!p1 $0x0;
	s15 =	simm.s32 @!p1 $0x19A80;
	s0 =	sadd.s32 @!p1 s5, s0  }
0x1fe: {  	[hbm4b:s0+s1] =	stream.linear.scatter @!p1 [tilespmem:s15], [sflag:$0x4], $0x80, $0x38;
	[tilespmem:$0x1A780] =	vst v63  }
0x1ff: {  	s30 =	sadd.s32 $0x1, s30;
	s0 =	simm.s32 @!p1 $0x4  }
0x200: {  	s0 =	simm.s32 @p1 $0x3;
	p1 =	sne.s32 s30, $0x8  }
.Ltmp4:
0x201: {  	_ = 	snop;
	(pc) =	sbr.rel @p1 .LBB2_2-.Ltmp4, $4  }
0x202: {  	_ = 	snop  }
0x203: {  	_ =	swait.ge [sflag:s0], $0x80  }
0x204: {  	[sflag:s0] =	ssyncset.done $0x0  }
0x205: {  	[sflag:s0] =	ssyncadd.s32 $0xFFFFFF80  }
0x206: {  	_ =	swait.ge [sflag:s24], $0x4000  }
0x207: {  	[sflag:s24] =	ssyncset.done $0x0  }
0x208: {  	[sflag:s24] =	ssyncadd.s32 $0xFFFFC000  }
0x209: {  	_ =	swait.ge [sflag:s24], $0x4000  }
0x20a: {  	[sflag:s24] =	ssyncset.done $0x0  }
0x20b: {  	[sflag:s24] =	ssyncadd.s32 $0xFFFFC000  }
0x20c: {  	_ =	swait.ge [sflag:s24], $0x4000  }
0x20d: {  	[sflag:s24] =	ssyncset.done $0x0  }
0x20e: {  	s0 =	simm.s32 $0x0;
	[sflag:s24] =	ssyncadd.s32 $0xFFFFC000  }
0x20f: {  	v26 =	vld [tilespmem:s0+$0x9A50]  }
0x210: {  	v27 =	vld [tilespmem:s0+$0x9A10]  }
0x211: {  	v28 =	vld [tilespmem:s0+$0x9A40]  }
0x212: {  	v29 =	vld [tilespmem:s0+$0x9A00]  }
0x213: {  	v30 =	vld [tilespmem:s0+$0x5A20]  }
0x214: {  	v31 =	vld [tilespmem:s0+$0x5A00]  }
0x215: {  	v32 =	vld [tilespmem:s0+$0x1A00]  }
0x216: {  	v33 =	vld [tilespmem:s0+$0x5A40]  }
0x217: {  	v34 =	vld [tilespmem:s0+$0x1A40]  }
0x218: {  	v35 =	vld [tilespmem:s0+$0x5A10]  }
0x219: {  	v37 =	vld [tilespmem:s0+$0x1A10];
	v36 =	vmul.f32 v26, v26  }
0x21a: {  	v40 =	vld [tilespmem:s0+$0x5A50];
	v38 =	vmul.f32 v27, v27;
	v39 =	vmul.f32 v28, v28  }
0x21b: {  	v43 =	vld [tilespmem:s0+$0x1A50];
	v41 =	vmul.f32 v29, v29;
	v42 =	vmul.f32 v30, v30  }
0x21c: {  	v44 =	vmul.f32 v31, v32;
	v45 =	vmul.f32 v33, v34  }
0x21d: {  	v46 =	vmul.f32 v31, v31;
	v47 =	vmul.f32 v32, v32  }
0x21e: {  	v48 =	vld [tilespmem:s0+$0x1A20];
	v32 =	vmul.f32 v33, v32;
	v31 =	vmul.f32 v31, v34  }
0x21f: {  	v49 =	vld [tilespmem:s0+$0x5A60];
	v33 =	vmul.f32 v33, v33;
	v55 =	vmul.f32 v35, v37  }
0x220: {  	v50 =	vld [tilespmem:s0+$0x5A30];
	v56 =	vmul.f32 v40, v43;
	v34 =	vmul.f32 v34, v34;
	v44 =	vadd.f32 v45, v44  }
0x221: {  	v57 =	vmul.f32 v35, v35;
	v58 =	vmul.f32 v40, v37;
	v36 =	vadd.f32 v36, v38;
	v38 =	vld [tilespmem:s0+$0x1A60]  }
0x222: {  	v31 =	vsub.f32 v32, v31;
	v33 =	vadd.f32 v33, v46;
	v46 =	vld [tilespmem:s0+$0x1A70];
	v29 =	vmul.f32 v44, v29  }
0x223: {  	v35 =	vmul.f32 v35, v43;
	v37 =	vmul.f32 v37, v37;
	v32 =	vadd.f32 v56, v55;
	v44 =	vld [tilespmem:s0+$0x1A30]  }
0x224: {  	v39 =	vadd.f32 v39, v41;
	v28 =	vmul.f32 v28, v31;
	v31 =	vld [tilespmem:s0+$0x5A70];
	v29 =	vadd.f32 $0.0e+00, v29  }
0x225: {  	v59 =	vld [tilespmem:s0+$0x9A20];
	v35 =	vsub.f32 v58, v35;
	v55 =	vmul.f32 v40, v40;
	v27 =	vmul.f32 v32, v27  }
0x226: {  	v60 =	vmul.f32 v49, v38;
	v28 =	vadd.f32 v29, v28;
	v29 =	vmul.f32 v30, v48  }
0x227: {  	v61 =	vld [tilespmem:s0+$0x9A60];
	v34 =	vadd.f32 v34, v47;
	v26 =	vmul.f32 v26, v35;
	v30 =	vmul.f32 v30, v38  }
0x228: {  	v27 =	vadd.f32 v27, v28;
	v28 =	vmul.f32 v49, v48;
	v29 =	vadd.f32 v60, v29  }
0x229: {  	v63 =	vld [tilespmem:s0+$0x9A30];
	v62 =	vadd.f32 v33, v34;
	v51 =	vmul.f32 v50, v44;
	v52 =	vmul.f32 v31, v46  }
0x22a: {  	v26 =	vadd.f32 v27, v26;
	v27 =	vsub.f32 v28, v30;
	v28 =	vmul.f32 v29, v59  }
0x22b: {  	v54 =	vmul.f32 v50, v46;
	v53 =	vmul.f32 v31, v44;
	v29 =	vadd.f32 v39, v62;
	v30 =	vld [tilespmem:s0+$0x9A70]  }
0x22c: {  	v26 =	vadd.f32 v28, v26;
	v27 =	vmul.f32 v61, v27;
	v28 =	vadd.f32 v52, v51  }
0x22d: {  	v56 =	vadd.f32 v55, v57;
	v25 =	vadd.f32 v29, v25;
	v29 =	vmul.f32 v43, v43  }
0x22e: {  	v26 =	vadd.f32 v26, v27;
	v27 =	vsub.f32 v53, v54;
	v28 =	vmul.f32 v28, v63  }
0x22f: {  	v57 =	vmul.f32 v48, v48;
	v58 =	vmul.f32 v38, v38;
	v29 =	vadd.f32 v29, v37  }
0x230: {  	v33 =	vmul.f32 v63, v63;
	v26 =	vadd.f32 v28, v26;
	v27 =	vmul.f32 v30, v27  }
0x231: {  	v34 =	vadd.f32 v58, v57;
	v28 =	vadd.f32 v56, v29;
	v29 =	vmul.f32 v49, v49  }
0x232: {  	v31 =	vmul.f32 v31, v31;
	v62 =	vmul.f32 v50, v50;
	v26 =	vadd.f32 v26, v27  }
0x233: {  	v60 =	vmul.f32 v61, v61;
	v59 =	vmul.f32 v59, v59;
	s0 =	simm.s32 $0x19B80;
	v27 =	vadd.f32 v29, v42  }
0x234: {  	s15 =	simm.s32 $0x80;
	v61 =	vmul.f32 v46, v46;
	v31 =	vadd.f32 v31, v62;
	v29 =	vmul.f32 v44, v44;
	[tilespmem:s0+$0x0] =	vst v26  }
0x235: {  	v30 =	vmul.f32 v30, v30;
	v36 =	vadd.f32 v36, v28;
	v26 =	vadd.f32 v27, v34;
	v28 =	vld [tilespmem:s15+$0x9A50]  }
0x236: {  	v27 =	vadd.f32 v60, v59;
	v29 =	vadd.f32 v61, v29;
	v32 =	vld [tilespmem:s15+$0x9A10]  }
0x237: {  	v30 =	vadd.f32 v30, v33;
	v63 =	vadd.f32 v36, v25;
	v40 =	vld [tilespmem:s15+$0x9A40]  }
0x238: {  	v26 =	vadd.f32 v27, v26;
	v27 =	vld [tilespmem:s15+$0x9A00];
	v31 =	vadd.f32 v31, v29  }
0x239: {  	v25 =	vld [tilespmem:s15+$0x5A20]  }
0x23a: {  	v29 =	vld [tilespmem:s15+$0x5A00];
	v26 =	vadd.f32 v26, v63;
	v31 =	vadd.f32 v30, v31  }
0x23b: {  	v30 =	vld [tilespmem:s15+$0x1A00];
	v39 =	vmul.f32 v28, v28;
	v41 =	vmul.f32 v32, v32  }
0x23c: {  	s1 =	simm.s32 $0x0;
	s16 =	simm.s32 $0x400;
	v34 =	vld [tilespmem:s15+$0x5A40];
	v37 =	vmul.f32 v40, v40;
	v26 =	vadd.f32 v31, v26  }
.LBB2_12:
0x23d: {  	p1 =	sne.s32 s16, $0xFE00;
	v31 =	vld [tilespmem:s15+$0x1A40];
	v33 =	vmul.f32 v27, v27;
	v35 =	vadd.f32 v39, v41  }
0x23e: {  	v36 =	vld [tilespmem:s15+$0x5A10];
	v38 =	vmul.f32 v25, v25  }
0x23f: {  	v39 =	vmul.f32 v29, v29;
	v33 =	vadd.f32 v37, v33;
	v37 =	vld [tilespmem:s15+$0x1A10]  }
0x240: {  	v41 =	vmul.f32 v30, v30;
	v42 =	vld [tilespmem:s15+$0x5A50]  }
0x241: {  	v43 =	vmul.f32 v34, v34;
	v44 =	vld [tilespmem:s15+$0x1A50]  }
0x242: {  	v45 =	vmul.f32 v29, v30;
	v46 =	vmul.f32 v34, v31;
	v47 =	vld [tilespmem:s15+$0x1A20]  }
0x243: {  	v48 =	vmul.f32 v31, v31;
	v39 =	vadd.f32 v43, v39;
	v43 =	vmul.f32 v36, v36;
	v49 =	vld [tilespmem:s15+$0x5A60]  }
0x244: {  	v30 =	vmul.f32 v34, v30;
	v29 =	vmul.f32 v29, v31;
	v45 =	vadd.f32 v46, v45;
	v31 =	vld [tilespmem:s15+$0x1A60]  }
0x245: {  	v34 =	vadd.f32 v48, v41;
	v41 =	vmul.f32 v37, v37;
	v46 =	vmul.f32 v36, v37;
	v48 =	vld [tilespmem:s15+$0x5A30]  }
0x246: {  	v29 =	vsub.f32 v30, v29;
	v27 =	vmul.f32 v45, v27;
	v30 =	vmul.f32 v42, v44;
	v45 =	vld [tilespmem:s15+$0x1A30]  }
0x247: {  	v37 =	vmul.f32 v42, v37;
	v34 =	vadd.f32 v39, v34;
	v36 =	vmul.f32 v36, v44;
	v39 =	vld [tilespmem:s15+$0x5A70]  }
0x248: {  	v29 =	vmul.f32 v40, v29;
	v27 =	vadd.f32 $0.0e+00, v27;
	v30 =	vadd.f32 v30, v46;
	v40 =	vld [tilespmem:s15+$0x1A70]  }
0x249: {  	v33 =	vadd.f32 v33, v34;
	v46 =	vmul.f32 v25, v47;
	v34 =	vld [tilespmem:s15+$0x9A20];
	v50 =	vmul.f32 v49, v31  }
0x24a: {  	v27 =	vadd.f32 v27, v29;
	v29 =	vsub.f32 v37, v36;
	v30 =	vmul.f32 v30, v32  }
0x24b: {  	v25 =	vmul.f32 v25, v31;
	v26 =	vadd.f32 v33, v26;
	v33 =	vmul.f32 v49, v47;
	v32 =	vld [tilespmem:s15+$0x9A60]  }
0x24c: {  	v27 =	vadd.f32 v30, v27;
	v28 =	vmul.f32 v28, v29;
	v29 =	vadd.f32 v50, v46  }
0x24d: {  	v36 =	vmul.f32 v48, v45;
	v30 =	vld [tilespmem:s15+$0x9A30];
	v37 =	vmul.f32 v39, v40  }
0x24e: {  	v25 =	vsub.f32 v33, v25;
	v27 =	vadd.f32 v27, v28;
	v28 =	vmul.f32 v29, v34  }
0x24f: {  	v33 =	vmul.f32 v39, v45;
	v46 =	vmul.f32 v48, v40;
	v29 =	vld [tilespmem:s15+$0x9A70]  }
0x250: {  	v27 =	vadd.f32 v28, v27;
	v25 =	vmul.f32 v32, v25;
	v28 =	vadd.f32 v37, v36  }
0x251: {  	v36 =	vmul.f32 v44, v44;
	v37 =	vmul.f32 v42, v42  }
0x252: {  	v25 =	vadd.f32 v27, v25;
	v27 =	vsub.f32 v33, v46;
	v28 =	vmul.f32 v28, v30  }
0x253: {  	v33 =	vadd.f32 v36, v41;
	v36 =	vadd.f32 v37, v43;
	v37 =	vmul.f32 v47, v47  }
0x254: {  	v31 =	vmul.f32 v31, v31;
	v25 =	vadd.f32 v28, v25;
	v27 =	vmul.f32 v29, v27  }
0x255: {  	v34 =	vmul.f32 v34, v34;
	v28 =	vadd.f32 v36, v33;
	v33 =	vmul.f32 v49, v49  }
0x256: {  	v32 =	vmul.f32 v32, v32;
	v31 =	vadd.f32 v31, v37;
	v25 =	vadd.f32 v25, v27  }
0x257: {  	s0 =	sadd.s32 $0x18, s0;
	v36 =	vmul.f32 v40, v40;
	v27 =	vadd.f32 v33, v38;
	v33 =	vmul.f32 v45, v45  }
0x258: {  	s15 =	sshra.s32 s16, $0x2;
	v37 =	vmul.f32 v48, v48;
	v35 =	vadd.f32 v35, v28;
	v38 =	vmul.f32 v39, v39;
	[tilespmem:s0+$0x0] =	vst v25  }
0x259: {  	v30 =	vmul.f32 v30, v30;
	v25 =	vadd.f32 v27, v31;
	v27 =	vadd.f32 v32, v34;
	v28 =	vld [tilespmem:s15+$0x9A50]  }
0x25a: {  	v29 =	vmul.f32 v29, v29;
	v31 =	vadd.f32 v36, v33;
	v33 =	vadd.f32 v38, v37;
	v32 =	vld [tilespmem:s15+$0x9A10]  }
0x25b: {  	v26 =	vadd.f32 v35, v26;
	v34 =	vadd.f32 v27, v25;
	v40 =	vld [tilespmem:s15+$0x9A40]  }
.Ltmp5:
0x25c: {  	v30 =	vadd.f32 v29, v30;
	v31 =	vadd.f32 v33, v31;
	v27 =	vld [tilespmem:s15+$0x9A00];
	(pc) =	sbr.rel @p1 .LBB2_12-.Ltmp5, $4  }
0x25d: {  	v26 =	vadd.f32 v34, v26;
	v25 =	vld [tilespmem:s15+$0x5A20]  }
0x25e: {  	v31 =	vadd.f32 v30, v31;
	v29 =	vld [tilespmem:s15+$0x5A00];
	v39 =	vmul.f32 v28, v28  }
0x25f: {  	v30 =	vld [tilespmem:s15+$0x1A00];
	v41 =	vmul.f32 v32, v32  }
0x260: {  	s16 =	sadd.s32 $0x200, s16;
	v26 =	vadd.f32 v31, v26;
	v34 =	vld [tilespmem:s15+$0x5A40];
	v37 =	vmul.f32 v40, v40  }
0x261: {  	v42 =	vld [tilespmem:s15+$0x1A40]  }
0x262: {  	v43 =	vld [tilespmem:s15+$0x5A10]  }
0x263: {  	v44 =	vld [tilespmem:s15+$0x1A10]  }
0x264: {  	v45 =	vld [tilespmem:s15+$0x5A50]  }
0x265: {  	v46 =	vld [tilespmem:s15+$0x1A50]  }
0x266: {  	v38 =	vld [tilespmem:s15+$0x1A20];
	v31 =	vmul.f32 v29, v30;
	v33 =	vmul.f32 v34, v42  }
0x267: {  	v36 =	vld [tilespmem:s15+$0x5A60]  }
0x268: {  	v48 =	vld [tilespmem:s15+$0x1A60];
	v35 =	vmul.f32 v34, v30;
	v47 =	vmul.f32 v29, v42;
	v33 =	vadd.f32 v33, v31  }
0x269: {  	v55 =	vld [tilespmem:s15+$0x1A70];
	v49 =	vmul.f32 v43, v44  }
0x26a: {  	v51 =	vmul.f32 v45, v46;
	v31 =	vld [tilespmem:s15+$0x5A30];
	v47 =	vsub.f32 v35, v47;
	v50 =	vmul.f32 v33, v27  }
0x26b: {  	v52 =	vmul.f32 v45, v44;
	v53 =	vmul.f32 v43, v46;
	v35 =	vld [tilespmem:s15+$0x1A30]  }
0x26c: {  	v62 =	vadd.f32 v51, v49;
	v49 =	vld [tilespmem:s15+$0x9A20];
	v40 =	vmul.f32 v40, v47;
	v50 =	vadd.f32 $0.0e+00, v50  }
0x26d: {  	v63 =	vmul.f32 v25, v38;
	v54 =	vmul.f32 v36, v48;
	v33 =	vld [tilespmem:s15+$0x5A70]  }
0x26e: {  	v56 =	vsub.f32 v52, v53;
	v32 =	vmul.f32 v62, v32;
	v47 =	vld [tilespmem:s15+$0x9A60];
	v40 =	vadd.f32 v50, v40  }
0x26f: {  	v57 =	vmul.f32 v36, v38;
	v58 =	vmul.f32 v25, v48  }
0x270: {  	v59 =	vadd.f32 v54, v63;
	v28 =	vmul.f32 v28, v56;
	v32 =	vadd.f32 v32, v40  }
0x271: {  	v51 =	vld [tilespmem:s15+$0x9A30];
	v52 =	vsub.f32 v57, v58;
	v56 =	vmul.f32 v31, v55;
	v50 =	vmul.f32 v31, v35  }
0x272: {  	v60 =	vmul.f32 v33, v55;
	v40 =	vmul.f32 v59, v49;
	v32 =	vadd.f32 v32, v28  }
0x273: {  	v63 =	vmov s1;
	v61 =	vmul.f32 v33, v35;
	v62 =	vmul.f32 v47, v52;
	v28 =	vld [tilespmem:s15+$0x9A70]  }
0x274: {  	v52 =	vmul.u32 $0x18, v63;
	v50 =	vadd.f32 v60, v50;
	v32 =	vadd.f32 v40, v32  }
0x275: {  	v58 =	vsub.f32 v61, v56  }
0x276: {  	v52 =	vbroadcast v52, $0x0;
	v50 =	vmul.f32 v50, v51;
	v32 =	vadd.f32 v32, v62;
	_ =	sdelay $0x1  }
0x277: {  	v59 =	vadd.s32 v3, v52;
	v40 =	vmul.f32 v28, v58;
	v32 =	vadd.f32 v50, v32  }
0x278: {  	v61 =	vadd.s32 v9, v52  }
0x279: {  	v62 =	vadd.s32 v10, v52;
	v32 =	vadd.f32 v32, v40  }
0x27a: {  	s0 =	sadd.s32 $0x18, s0;
	v63 =	vadd.s32 v11, v52  }
0x27b: {  	v60 =	vadd.s32 v12, v52;
	[tilespmem:s0+$0x0] =	vst v32  }
0x27c: {  	v56 =	vadd.s32 v13, v52;
	v50 =	vld.idx.msk [tilespmem:v59+s25+$0x0], $0xffff  }
0x27d: {  	v57 =	vadd.s32 v14, v52;
	v53 =	vld.idx.msk [tilespmem:v61+s25+$0x0], $0xffff  }
0x27e: {  	v58 =	vadd.s32 v15, v52;
	v40 =	vld.idx.msk [tilespmem:v62+s25+$0x0], $0xffff  }
0x27f: {  	v54 =	vld.idx.msk [tilespmem:v63+s25+$0x0], $0xffff;
	v59 =	vadd.s32 v16, v52  }
0x280: {  	v32 =	vld.idx.msk [tilespmem:v60+s25+$0x0], $0xffff;
	v60 =	vadd.s32 v17, v52  }
0x281: {  	v56 =	vld.idx.msk [tilespmem:v56+s25+$0x0], $0xffff;
	v62 =	vadd.s32 v19, v52;
	v50 =	vadd.f32 $0.0e+00, v50  }
0x282: {  	v61 =	vadd.s32 v18, v52;
	v57 =	vld.idx.msk [tilespmem:v57+s25+$0x0], $0xffff;
	v53 =	vadd.f32 $0.0e+00, v53  }
0x283: {  	v39 =	vadd.f32 v39, v41;
	v58 =	vld.idx.msk [tilespmem:v58+s25+$0x0], $0xffff;
	v40 =	vadd.f32 v40, v50;
	v50 =	vadd.s32 v20, v52  }
0x284: {  	v30 =	vmul.f32 v30, v30;
	v59 =	vld.idx.msk [tilespmem:v59+s25+$0x0], $0xffff;
	v53 =	vadd.f32 v54, v53;
	v54 =	vadd.s32 v21, v52  }
0x285: {  	v42 =	vmul.f32 v42, v42;
	v60 =	vld.idx.msk [tilespmem:v60+s25+$0x0], $0xffff;
	v32 =	vadd.f32 v32, v40;
	v40 =	vadd.s32 v22, v52  }
0x286: {  	v29 =	vmul.f32 v29, v29;
	v63 =	vld.idx.msk [tilespmem:v62+s25+$0x0], $0xffff;
	v41 =	vadd.f32 v56, v53;
	v52 =	vadd.s32 v23, v52  }
0x287: {  	v30 =	vadd.f32 v42, v30;
	v27 =	vmul.f32 v27, v27;
	v53 =	vld.idx.msk [tilespmem:v61+s25+$0x0], $0xffff;
	v61 =	vmul.f32 v34, v34  }
0x288: {  	v32 =	vadd.f32 v57, v32;
	v41 =	vadd.f32 v58, v41;
	v50 =	vld.idx.msk [tilespmem:v50+s25+$0x0], $0xffff  }
0x289: {  	v25 =	vmul.f32 v25, v25;
	v27 =	vadd.f32 v37, v27;
	v29 =	vadd.f32 v61, v29;
	v57 =	vld.idx.msk [tilespmem:v54+s25+$0x0], $0xffff  }
0x28a: {  	s30 =	simm.s32 $0x10;
	v31 =	vmul.f32 v31, v31;
	v32 =	vadd.f32 v59, v32;
	v41 =	vadd.f32 v60, v41;
	v40 =	vld.idx.msk [tilespmem:v40+s25+$0x0], $0xffff  }
0x28b: {  	v33 =	vmul.f32 v33, v33;
	v59 =	vmov s30;
	v29 =	vadd.f32 v29, v30;
	v58 =	vld.idx.msk [tilespmem:v52+s25+$0x0], $0xffff  }
0x28c: {  	v60 =	vmul.u32 $0x18, v59;
	v32 =	vadd.f32 v53, v32;
	v30 =	vadd.f32 v63, v41  }
0x28d: {  	v35 =	vmul.f32 v35, v35;
	v31 =	vadd.f32 v33, v31;
	v62 =	vmul.f32 v44, v44  }
0x28e: {  	v41 =	vbroadcast v60, $0x0;
	v32 =	vadd.f32 v50, v32;
	v30 =	vadd.f32 v57, v30  }
0x28f: {  	v61 =	vmul.f32 v43, v43;
	v27 =	vadd.f32 v27, v29;
	v29 =	vmul.f32 v46, v46  }
0x290: {  	v50 =	vadd.s32 v3, v41;
	v32 =	vadd.f32 v40, v32;
	v30 =	vadd.f32 v58, v30  }
0x291: {  	v26 =	vadd.f32 v27, v26;
	v27 =	vadd.f32 v29, v62;
	v29 =	vadd.s32 v9, v41  }
0x292: {  	v63 =	vmul.f32 v45, v45;
	v52 =	vadd.s32 v10, v41;
	v30 =	vadd.f32 v30, v32  }
0x293: {  	v28 =	vmul.f32 v28, v28;
	s0 =	simm.s32 $0x19A00;
	v54 =	vmul.f32 v48, v48;
	v56 =	vadd.s32 v11, v41  }
0x294: {  	v53 =	vmul.f32 v38, v38;
	v34 =	vadd.f32 v63, v61;
	v58 =	vadd.s32 v12, v41;
	[tilespmem:s0+$0x0] =	vst v30  }
0x295: {  	v57 =	vmul.f32 v36, v36;
	v61 =	vmul.f32 v47, v47;
	v60 =	vadd.s32 v13, v41;
	v59 =	vld.idx.msk [tilespmem:v50+s25+$0x0], $0xffff  }
0x296: {  	v63 =	vmul.f32 v55, v55;
	v62 =	vadd.s32 v14, v41;
	v48 =	vadd.s32 v15, v41;
	v29 =	vld.idx.msk [tilespmem:v29+s25+$0x0], $0xffff  }
0x297: {  	v55 =	vadd.s32 v18, v41;
	v27 =	vadd.f32 v34, v27;
	v25 =	vadd.f32 v57, v25;
	v37 =	vld.idx.msk [tilespmem:v52+s25+$0x0], $0xffff  }
0x298: {  	v32 =	vadd.f32 v54, v53;
	v53 =	vadd.s32 v17, v41;
	v30 =	vmul.f32 v49, v49;
	v49 =	vld.idx.msk [tilespmem:v56+s25+$0x0], $0xffff  }
0x299: {  	v35 =	vadd.f32 v63, v35;
	v27 =	vadd.f32 v39, v27;
	v50 =	vadd.s32 v16, v41;
	v52 =	vld.idx.msk [tilespmem:v58+s25+$0x0], $0xffff  }
0x29a: {  	v54 =	vmul.f32 v51, v51;
	v25 =	vadd.f32 v25, v32;
	v42 =	vld.idx.msk [tilespmem:v60+s25+$0x0], $0xffff;
	v30 =	vadd.f32 v61, v30  }
0x29b: {  	v34 =	vld.idx.msk [tilespmem:v62+s25+$0x0], $0xffff;
	v56 =	vadd.s32 v19, v41;
	v38 =	vadd.f32 $0.0e+00, v59;
	v29 =	vadd.f32 $0.0e+00, v29  }
0x29c: {  	v26 =	vadd.f32 v27, v26;
	v27 =	vadd.s32 v21, v41;
	v57 =	vld.idx.msk [tilespmem:v48+s25+$0x0], $0xffff;
	v25 =	vadd.f32 v30, v25  }
0x29d: {  	v58 =	vadd.s32 v20, v41;
	v30 =	vld.idx.msk [tilespmem:v53+s25+$0x0], $0xffff;
	v37 =	vadd.f32 v37, v38;
	v29 =	vadd.f32 v49, v29  }
0x29e: {  	v31 =	vadd.f32 v31, v35;
	v28 =	vadd.f32 v28, v54;
	v40 =	vld.idx.msk [tilespmem:v50+s25+$0x0], $0xffff;
	v59 =	vadd.s32 v22, v41  }
0x29f: {  	v60 =	vld.idx.msk [tilespmem:v55+s25+$0x0], $0xffff;
	v61 =	vadd.s32 v23, v41;
	v32 =	vadd.f32 v52, v37;
	v29 =	vadd.f32 v42, v29  }
0x2a0: {  	v28 =	vadd.f32 v28, v31;
	v62 =	vld.idx.msk [tilespmem:v56+s25+$0x0], $0xffff;
	v25 =	vadd.f32 v25, v26  }
0x2a1: {  	v27 =	vld.idx.msk [tilespmem:v27+s25+$0x0], $0xffff;
	v32 =	vadd.f32 v34, v32;
	v29 =	vadd.f32 v57, v29  }
0x2a2: {  	v26 =	vld.idx.msk [tilespmem:v58+s25+$0x0], $0xffff;
	v25 =	vadd.f32 v28, v25  }
0x2a3: {  	s31 =	simm.s32 $0x20;
	v28 =	vld.idx.msk [tilespmem:v59+s25+$0x0], $0xffff;
	v31 =	vadd.f32 v40, v32;
	v63 =	vadd.f32 v30, v29  }
0x2a4: {  	v30 =	vmov s31;
	v29 =	vld.idx.msk [tilespmem:v61+s25+$0x0], $0xffff  }
0x2a5: {  	s1 =	simm.s32 $0x30;
	v30 =	vmul.u32 $0x18, v30;
	v31 =	vadd.f32 v60, v31;
	v32 =	vadd.f32 v62, v63  }
.LBB2_14:
0x2a6: {  	p1 =	sne.s32 s1, $0x70  }
0x2a7: {  	v30 =	vbroadcast v30, $0x0;
	v26 =	vadd.f32 v26, v31;
	v27 =	vadd.f32 v27, v32;
	_ =	sdelay $0x1  }
0x2a8: {  	v31 =	vadd.s32 v3, v30;
	v26 =	vadd.f32 v28, v26;
	v27 =	vadd.f32 v29, v27  }
0x2a9: {  	v28 =	vadd.s32 v9, v30  }
0x2aa: {  	v29 =	vadd.s32 v10, v30;
	v26 =	vadd.f32 v27, v26  }
0x2ab: {  	s0 =	sadd.s32 $0x10, s0;
	v27 =	vadd.s32 v11, v30  }
0x2ac: {  	v32 =	vadd.s32 v12, v30;
	[tilespmem:s0+$0x0] =	vst v26  }
0x2ad: {  	v26 =	vld.idx.msk [tilespmem:v31+s25+$0x0], $0xffff;
	v31 =	vadd.s32 v13, v30  }
0x2ae: {  	v33 =	vadd.s32 v14, v30;
	v28 =	vld.idx.msk [tilespmem:v28+s25+$0x0], $0xffff  }
0x2af: {  	v34 =	vadd.s32 v15, v30;
	v29 =	vld.idx.msk [tilespmem:v29+s25+$0x0], $0xffff  }
0x2b0: {  	v35 =	vadd.s32 v16, v30;
	v27 =	vld.idx.msk [tilespmem:v27+s25+$0x0], $0xffff  }
0x2b1: {  	v36 =	vadd.s32 v17, v30;
	v32 =	vld.idx.msk [tilespmem:v32+s25+$0x0], $0xffff  }
0x2b2: {  	v37 =	vadd.s32 v18, v30;
	v31 =	vld.idx.msk [tilespmem:v31+s25+$0x0], $0xffff  }
0x2b3: {  	v38 =	vadd.s32 v19, v30;
	v33 =	vld.idx.msk [tilespmem:v33+s25+$0x0], $0xffff  }
0x2b4: {  	v39 =	vadd.s32 v20, v30;
	v26 =	vadd.f32 $0.0e+00, v26;
	v28 =	vadd.f32 $0.0e+00, v28;
	v34 =	vld.idx.msk [tilespmem:v34+s25+$0x0], $0xffff  }
0x2b5: {  	v40 =	vadd.s32 v21, v30;
	v35 =	vld.idx.msk [tilespmem:v35+s25+$0x0], $0xffff  }
0x2b6: {  	v26 =	vadd.f32 v29, v26;
	v27 =	vadd.f32 v27, v28;
	v28 =	vadd.s32 v22, v30;
	v29 =	vld.idx.msk [tilespmem:v36+s25+$0x0], $0xffff  }
0x2b7: {  	v30 =	vadd.s32 v23, v30;
	v36 =	vld.idx.msk [tilespmem:v37+s25+$0x0], $0xffff  }
0x2b8: {  	v32 =	vadd.f32 v32, v26;
	v27 =	vadd.f32 v31, v27;
	v37 =	vld.idx.msk [tilespmem:v38+s25+$0x0], $0xffff  }
0x2b9: {  	v26 =	vld.idx.msk [tilespmem:v39+s25+$0x0], $0xffff  }
.Ltmp6:
0x2ba: {  	v31 =	vadd.f32 v33, v32;
	v32 =	vadd.f32 v34, v27;
	v27 =	vld.idx.msk [tilespmem:v40+s25+$0x0], $0xffff;
	(pc) =	sbr.rel @p1 .LBB2_14-.Ltmp6, $4  }
0x2bb: {  	v28 =	vld.idx.msk [tilespmem:v28+s25+$0x0], $0xffff  }
0x2bc: {  	v31 =	vadd.f32 v35, v31;
	v32 =	vadd.f32 v29, v32;
	v29 =	vld.idx.msk [tilespmem:v30+s25+$0x0], $0xffff  }
0x2bd: {  	v30 =	vmov s1  }
0x2be: {  	s1 =	sadd.s32 $0x10, s1;
	v31 =	vadd.f32 v36, v31;
	v30 =	vmul.u32 $0x18, v30;
	v32 =	vadd.f32 v37, v32  }
0x2bf: {  	_ = 	snop  }
0x2c0: {  	v30 =	vbroadcast v30, $0x0;
	v26 =	vadd.f32 v26, v31;
	v27 =	vadd.f32 v27, v32;
	_ =	sdelay $0x1  }
0x2c1: {  	v52 =	vadd.s32 v3, v30;
	v26 =	vadd.f32 v28, v26;
	v27 =	vadd.f32 v29, v27  }
0x2c2: {  	v53 =	vadd.s32 v9, v30  }
0x2c3: {  	v54 =	vadd.s32 v10, v30;
	v26 =	vadd.f32 v27, v26  }
0x2c4: {  	s0 =	sadd.s32 $0x10, s0;
	v27 =	vadd.s32 v11, v30  }
0x2c5: {  	v55 =	vadd.s32 v12, v30;
	[tilespmem:s0+$0x0] =	vst v26  }
0x2c6: {  	v56 =	vadd.s32 v13, v30;
	v26 =	vld.idx.msk [tilespmem:v52+s25+$0x0], $0xffff  }
0x2c7: {  	v33 =	vadd.s32 v14, v30;
	v28 =	vld.idx.msk [tilespmem:v53+s25+$0x0], $0xffff  }
0x2c8: {  	v34 =	vadd.s32 v15, v30;
	v29 =	vld.idx.msk [tilespmem:v54+s25+$0x0], $0xffff  }
0x2c9: {  	v35 =	vadd.s32 v16, v30;
	v27 =	vld.idx.msk [tilespmem:v27+s25+$0x0], $0xffff  }
0x2ca: {  	v36 =	vadd.s32 v17, v30;
	v32 =	vld.idx.msk [tilespmem:v55+s25+$0x0], $0xffff  }
0x2cb: {  	v37 =	vadd.s32 v18, v30;
	v31 =	vld.idx.msk [tilespmem:v56+s25+$0x0], $0xffff  }
0x2cc: {  	v38 =	vadd.s32 v19, v30;
	v33 =	vld.idx.msk [tilespmem:v33+s25+$0x0], $0xffff;
	v26 =	vadd.f32 $0.0e+00, v26;
	v28 =	vadd.f32 $0.0e+00, v28  }
0x2cd: {  	v39 =	vadd.s32 v20, v30;
	v34 =	vld.idx.msk [tilespmem:v34+s25+$0x0], $0xffff  }
0x2ce: {  	v40 =	vadd.s32 v21, v30;
	v35 =	vld.idx.msk [tilespmem:v35+s25+$0x0], $0xffff;
	v26 =	vadd.f32 v29, v26;
	v27 =	vadd.f32 v27, v28  }
0x2cf: {  	v58 =	vadd.s32 v22, v30;
	v30 =	vadd.s32 v23, v30;
	v57 =	vld.idx.msk [tilespmem:v36+s25+$0x0], $0xffff  }
0x2d0: {  	v59 =	vld.idx.msk [tilespmem:v37+s25+$0x0], $0xffff;
	v26 =	vadd.f32 v32, v26;
	v27 =	vadd.f32 v31, v27  }
0x2d1: {  	v60 =	vld.idx.msk [tilespmem:v38+s25+$0x0], $0xffff  }
0x2d2: {  	v61 =	vld.idx.msk [tilespmem:v39+s25+$0x0], $0xffff;
	v26 =	vadd.f32 v33, v26;
	v27 =	vadd.f32 v34, v27  }
0x2d3: {  	v62 =	vld.idx.msk [tilespmem:v40+s25+$0x0], $0xffff  }
0x2d4: {  	v63 =	vld.idx.msk [tilespmem:v30+s25+$0x0], $0xffff;
	v26 =	vadd.f32 v35, v26;
	v27 =	vadd.f32 v57, v27  }
0x2d5: {  	v29 =	vld.idx.msk [tilespmem:v58+s25+$0x0], $0xffff  }
0x2d6: {  	v26 =	vadd.f32 v59, v26;
	v27 =	vadd.f32 v60, v27;
	_ =	sdelay $0x1  }
0x2d7: {  	v26 =	vadd.f32 v61, v26;
	v27 =	vadd.f32 v62, v27;
	_ =	sdelay $0x1  }
0x2d8: {  	v26 =	vadd.f32 v29, v26;
	v27 =	vadd.f32 v63, v27;
	_ =	sdelay $0x1  }
0x2d9: {  	v26 =	vadd.f32 v27, v26  }
0x2da: {  	s0 =	sadd.s32 $0x10, s0  }
0x2db: {  	s1 =	simm.s32 @p0 $0x19A00;
	[tilespmem:s0+$0x0] =	vst v26;
	s0 =	simm.s32 @p0 $0x0  }
0x2dc: {  	[hbm4b:s11+s0] =	stream.linear.scatter @p0 [tilespmem:s1], [sflag:$0x4], $0x80, $0x38;
	[tilespmem:$0x1A780] =	vst v63  }
0x2dd: {  	[tilespmem:$0x1980] =	vst @!p0 v0  }
0x2de: {  	[tilespmem:$0x1990] =	vst @!p0 v1  }
0x2df: {  	[tilespmem:$0x19A0] =	vst @!p0 v2  }
0x2e0: {  	[tilespmem:$0x19B0] =	vst @!p0 v4  }
0x2e1: {  	[tilespmem:$0x19C0] =	vst @!p0 v5  }
0x2e2: {  	[tilespmem:$0x19D0] =	vst @!p0 v6  }
0x2e3: {  	[tilespmem:$0x19E0] =	vst @!p0 v7  }
0x2e4: {  	s15 =	simm.s32 @!p0 $0x19A00;
	s0 =	simm.s32 @!p0 $0x80;
	s1 =	simm.s32 @!p0 $0x1980;
	[tilespmem:$0x19F0] =	vst @!p0 v8  }
0x2e5: {  	[hbm4b:s7+s0] =	stream.indirect.scatter @!p0 [tilespmem:s15], [sflag:$0x3], $0x1, s1, s0, $0xb8;
	[tilespmem:$0x1A780] =	vst v63  }
0x2e6: {  	s0 =	simm.s32 @!p0 $0x3  }
0x2e7: {  	s0 =	simm.s32 @p0 $0x4  }
0x2e8: {  	_ =	swait.ge [sflag:s0], $0x80  }
0x2e9: {  	[sflag:s0] =	ssyncset.done $0x0  }
0x2ea: {  	[sflag:s0] =	ssyncadd.s32 $0xFFFFFF80  }
0x2eb: {  	[tilespmem:$0x19B00] =	vst v25  }
0x2ec: {  	[tilespmem:$0x19B10] =	vst v24  }
0x2ed: {  	[tilespmem:$0x19B20] =	vst v24  }
0x2ee: {  	[tilespmem:$0x19B30] =	vst v24  }
0x2ef: {  	[tilespmem:$0x19B40] =	vst v24  }
0x2f0: {  	s29 =	sadd.s32 $0x1, s29;
	[tilespmem:$0x19B50] =	vst v24  }
0x2f1: {  	p1 =	sne.s32 s29, s13;
	[tilespmem:$0x19B60] =	vst v24  }
.Ltmp7:
0x2f2: {  	s31 =	simm.s32 $0x19B00;
	[tilespmem:$0x19B70] =	vst v24;
	(pc) =	sbr.rel @p1 .LBB2_1-.Ltmp7, $4  }
0x2f3: {  	[hbm4b:s12+s2] =	stream.linear.scatter [tilespmem:s31], [sflag:$0x4], $0x80, $0x38;
	[tilespmem:$0x1A780] =	vst v63  }
0x2f4: {  	_ =	swait.ge [sflag:s14], $0x80  }
0x2f5: {  	[sflag:s14] =	ssyncset.done $0x0  }
0x2f6: {  	[sflag:s14] =	ssyncadd.s32 $0xFFFFFF80  }
0x2f7: {  	_ =	sfence.sel $0x180000  }
0x2f8: {  	[bflag:$0x0] =	sbarrier.arrive $0xFFFF  }
0x2f9: {  	_ =	strace $0x90000047  }
0x2fa: {  	s0 =	stileid.u32;
	[bflag:$0x2] =	sbarrier.arrive $0xFFFF  }
0x2fb: {  	p0 =	sne.s32 s0, $0x0;
	s0 =	rddreg [dreg:$0x4]  }
0x2fc: {  	s0 =	sadd.s32 @!p0 $0x100000, s0  }
0x2fd: {  	[sflag:s0] =	ssyncadd.tile.s32 @!p0 $0x1;
	_ =	shalt  }
.Lfunc_end2:
_tile_overlayer_lowered:
.L_overlay_start_2:
0x2fe: {  	(tag) =	ssettag $0x2  }
0x2ff: {  	s0 =	rddreg [dreg:$0x0];
	s2 =	stileid.u32  }
0x300: {  	s1 =	rddreg [dreg:$0x1];
	p0 =	sne.s32 s2, $0x0  }
0x301: {  	s3 =	rddreg [dreg:$0x2];
	[bflag:$0x3] =	sbarrier.arrive $0xFFFF;
	s2 =	simm.s32 @!p0 $0x1C04  }
0x302: {  	[timem:s3], [sflag:s2] =	dma.local @!p0 [hbm:s0], s1  }
0x303: {  	s0 =	simm.s32 @!p0 $0x4  }
0x304: {  	_ =	swait.ge @!p0 [sflag:s0], s1  }
0x305: {  	s1 =	ssub.s32 @!p0 $0x0, s1;
	[sflag:s0] =	ssyncset.done @!p0 $0x0  }
0x306: {  	[sflag:s0] =	ssyncadd.s32 @!p0 s1  }
0x307: {  	[bflag:$0x3] =	sbarrier.arrive $0xFFFF  }
0x308: {  	_ =	shalt  }

</sc_bundles>
